<compile_context>
chip_gen: v7x
topology: tpu7x:2x2x1
jax: 0.10.2.dev20260603
libtpu: 0.0.44.dev20260713+nightly
codegen_flags: <defaults>
</compile_context>

<pallas_src>
import functools
import jax
import jax.numpy as jnp
from jax import lax
from jax.experimental import pallas as pl
from jax.experimental.pallas import tpu as pltpu
from jax.experimental.pallas import tpu_sc as plsc

H = 64
HSIZE = 128
NGRAPHS = 64
N = 50000
E = 800000
RB = 2000
GRID_N = N // RB

NW = 32
EP = 819200
EPW = EP // NW
CHG = 512
SUBG = CHG // 128
NCH_G = EPW // CHG
CHS = 128
EPS = EP // 16
NCH_S = EPS // CHS
NHALF2 = 12500
ACC2 = 12544
DUMMY2 = 12500
FL2 = 784

_sc_mesh = plsc.VectorSubcoreMesh(core_axis_name="c", subcore_axis_name="s")


def _gather_sc_body(h_hbm, src_hbm, a_hbm, idx_v, rows_v, sem):
    c = lax.axis_index("c")
    s = lax.axis_index("s")
    wid = s * 2 + c
    base = wid * EPW

    def chunk(t, carry):
        off = pl.multiple_of(base + t * CHG, CHG)
        pltpu.sync_copy(src_hbm.at[pl.ds(pl.multiple_of(off // 128, SUBG), SUBG)],
                        idx_v)
        descs = [pltpu.async_copy(h_hbm.at[idx_v.at[j]],
                                  rows_v.at[pl.ds(j * 128, 128)], sem)
                 for j in range(SUBG)]
        for d in descs:
            d.wait()
        pltpu.sync_copy(rows_v, a_hbm.at[pl.ds(off, CHG)])
        return carry

    lax.fori_loop(0, NCH_G, chunk, 0)


def _gather_call(h2, src2d):
    return pl.kernel(
        _gather_sc_body,
        out_type=jax.ShapeDtypeStruct((EP, 2 * H), jnp.float32),
        mesh=_sc_mesh,
        scratch_types=[
            pltpu.VMEM((SUBG, 128), jnp.int32),
            pltpu.VMEM((CHG, 2 * H), jnp.float32),
            pltpu.SemaphoreType.DMA,
        ],
    )(h2, src2d)


def _scatter_sc_body(msg_hbm, dst_hbm, zero_hbm, agg_hbm,
                     dv, dl, rows_v, acc, sem):
    c = lax.axis_index("c")
    s = lax.axis_index("s")
    lo = c * NHALF2
    pltpu.sync_copy(zero_hbm, acc.at[pl.ds(pl.multiple_of(s * FL2, 8), FL2)])
    plsc.subcore_barrier()
    base = s * EPS

    def chunk(t, carry):
        off = pl.multiple_of(base + t * CHS, CHS)
        pltpu.sync_copy(dst_hbm.at[pl.ds(off // 128, 1)], dv)
        for k in range(8):
            v = dv[0, pl.ds(k * 16, 16)] - lo
            ok = (v >= 0) & (v < NHALF2)
            dl[0, pl.ds(k * 16, 16)] = jnp.where(ok, v, DUMMY2)
        pltpu.sync_copy(msg_hbm.at[pl.ds(off, CHS)], rows_v)
        pltpu.sync_copy(rows_v, acc.at[dl.at[0]], add=True)
        return carry

    lax.fori_loop(0, NCH_S, chunk, 0)
    plsc.subcore_barrier()
    pltpu.sync_copy(acc.at[pl.ds(pl.multiple_of(s * FL2, 8), FL2)],
                    agg_hbm.at[c, pl.ds(pl.multiple_of(s * FL2, 8), FL2)])


def _scatter_call(msg128, d2_2d, zero_fl):
    return pl.kernel(
        _scatter_sc_body,
        out_type=jax.ShapeDtypeStruct((2, ACC2, 2 * H), jnp.float32),
        mesh=_sc_mesh,
        scratch_types=[
            pltpu.VMEM((1, 128), jnp.int32),
            pltpu.VMEM((1, 128), jnp.int32),
            pltpu.VMEM((CHS, 2 * H), jnp.float32),
            pltpu.VMEM_SHARED((ACC2, 2 * H), jnp.float32),
            pltpu.SemaphoreType.DMA,
        ],
    )(msg128, d2_2d, zero_fl)


def _msg_body(a_ref, code_ref, par_ref, dpar_ref, et_ref, msg_ref):
    oh = (code_ref[...].reshape(4096, 1)
          == jax.lax.broadcasted_iota(jnp.int32, (1, 8), 1)).astype(jnp.float32)
    e = jnp.dot(oh, et_ref[...], preferred_element_type=jnp.float32)
    par = par_ref[...].reshape(4096, 1)
    a = a_ref[...]
    sel = jnp.where(par == 1, a[:, H:], a[:, :H])
    m = jnp.maximum(sel + e, 0.0)
    dpar = dpar_ref[...].reshape(4096, 1)
    z = jnp.zeros_like(m)
    msg_ref[...] = jnp.where(dpar == 1,
                             jnp.concatenate([z, m], axis=1),
                             jnp.concatenate([m, z], axis=1))


def _msg_call(a, code3d, par3d, dpar3d, e_table):
    grid = EP // 4096
    return pl.pallas_call(
        _msg_body,
        grid=(grid,),
        in_specs=[
            pl.BlockSpec((4096, 2 * H), lambda i: (i, 0)),
            pl.BlockSpec((1, 1, 4096), lambda i: (i, 0, 0)),
            pl.BlockSpec((1, 1, 4096), lambda i: (i, 0, 0)),
            pl.BlockSpec((1, 1, 4096), lambda i: (i, 0, 0)),
            pl.BlockSpec((8, H), lambda i: (0, 0)),
        ],
        out_specs=pl.BlockSpec((4096, 2 * H), lambda i: (i, 0)),
        out_shape=jax.ShapeDtypeStruct((EP, 2 * H), jnp.float32),
    )(a, code3d, par3d, dpar3d, e_table)


def _embed_body(x_ref, d_ref, base_ref, batch_ref, h_ref, pooled_ref):
    i = pl.program_id(0)
    h0 = jnp.dot(x_ref[...], d_ref[...], preferred_element_type=jnp.float32)
    h0 = h0 + base_ref[...]
    h_ref[...] = h0
    oh = (batch_ref[...].reshape(RB, 1)
          == jax.lax.broadcasted_iota(jnp.int32, (1, NGRAPHS), 1)).astype(jnp.float32)

    @pl.when(i == 0)
    def _():
        pooled_ref[...] = jnp.zeros_like(pooled_ref)

    pooled_ref[...] += jax.lax.dot_general(
        oh, h0, (((0,), (0,)), ((), ())), preferred_element_type=jnp.float32)


def _layer_a_body(h_ref, agg_ref, w1_ref, b1_ref, heps_ref,
                  z_ref, sums_ref, sumsq_ref):
    i = pl.program_id(0)
    h2 = jnp.maximum(heps_ref[0, 0] * h_ref[...] + agg_ref[...], 0.0)
    z = jnp.dot(h2, w1_ref[...], preferred_element_type=jnp.float32) + b1_ref[...]
    z_ref[...] = z

    @pl.when(i == 0)
    def _():
        sums_ref[...] = jnp.zeros_like(sums_ref)
        sumsq_ref[...] = jnp.zeros_like(sumsq_ref)

    sums_ref[...] += jnp.sum(z, axis=0, keepdims=True)
    sumsq_ref[...] += jnp.sum(z * z, axis=0, keepdims=True)


def _layer_b_body(z_ref, stats_ref, gb_ref, w2_ref, b2_ref, batch_ref,
                  h_ref, pooled_ref):
    i = pl.program_id(0)
    mean = stats_ref[0:1, :]
    rstd = stats_ref[1:2, :]
    zn = (z_ref[...] - mean) * rstd * gb_ref[0:1, :] + gb_ref[1:2, :]
    zr = jnp.maximum(zn, 0.0)
    hn = jnp.dot(zr, w2_ref[...], preferred_element_type=jnp.float32) + b2_ref[...]
    hn = jnp.maximum(hn, 0.0)
    h_ref[...] = hn
    oh = (batch_ref[...].reshape(RB, 1)
          == jax.lax.broadcasted_iota(jnp.int32, (1, NGRAPHS), 1)).astype(jnp.float32)

    @pl.when(i == 0)
    def _():
        pooled_ref[...] = jnp.zeros_like(pooled_ref)

    pooled_ref[...] += jax.lax.dot_general(
        oh, hn, (((0,), (0,)), ((), ())), preferred_element_type=jnp.float32)


def _head_body(hid_ref, wmu_ref, wlv_ref, blv_ref, mu_ref, lv_ref):
    hid = hid_ref[...]
    mu_ref[...] = jnp.dot(hid, wmu_ref[...], preferred_element_type=jnp.float32)
    lv_ref[...] = (jnp.dot(hid, wlv_ref[...], preferred_element_type=jnp.float32)
                   + blv_ref[...])


def _embed_call(x_f, d_mat, base, batch2d):
    return pl.pallas_call(
        _embed_body,
        grid=(GRID_N,),
        in_specs=[
            pl.BlockSpec((RB, 16), lambda i: (i, 0)),
            pl.BlockSpec((16, H), lambda i: (0, 0)),
            pl.BlockSpec((1, H), lambda i: (0, 0)),
            pl.BlockSpec((1, 1, RB), lambda i: (i, 0, 0)),
        ],
        out_specs=[
            pl.BlockSpec((RB, H), lambda i: (i, 0)),
            pl.BlockSpec((NGRAPHS, H), lambda i: (0, 0)),
        ],
        out_shape=[
            jax.ShapeDtypeStruct((N, H), jnp.float32),
            jax.ShapeDtypeStruct((NGRAPHS, H), jnp.float32),
        ],
    )(x_f, d_mat, base, batch2d)


def _layer_a_call(h, agg, w1, b1, heps):
    return pl.pallas_call(
        _layer_a_body,
        grid=(GRID_N,),
        in_specs=[
            pl.BlockSpec((RB, H), lambda i: (i, 0)),
            pl.BlockSpec((RB, H), lambda i: (i, 0)),
            pl.BlockSpec((H, HSIZE), lambda i: (0, 0)),
            pl.BlockSpec((1, HSIZE), lambda i: (0, 0)),
            pl.BlockSpec((1, 1), lambda i: (0, 0)),
        ],
        out_specs=[
            pl.BlockSpec((RB, HSIZE), lambda i: (i, 0)),
            pl.BlockSpec((1, HSIZE), lambda i: (0, 0)),
            pl.BlockSpec((1, HSIZE), lambda i: (0, 0)),
        ],
        out_shape=[
            jax.ShapeDtypeStruct((N, HSIZE), jnp.float32),
            jax.ShapeDtypeStruct((1, HSIZE), jnp.float32),
            jax.ShapeDtypeStruct((1, HSIZE), jnp.float32),
        ],
    )(h, agg, w1, b1, heps)


def _layer_b_call(z, stats, gb, w2, b2, batch2d):
    return pl.pallas_call(
        _layer_b_body,
        grid=(GRID_N,),
        in_specs=[
            pl.BlockSpec((RB, HSIZE), lambda i: (i, 0)),
            pl.BlockSpec((2, HSIZE), lambda i: (0, 0)),
            pl.BlockSpec((2, HSIZE), lambda i: (0, 0)),
            pl.BlockSpec((HSIZE, H), lambda i: (0, 0)),
            pl.BlockSpec((1, H), lambda i: (0, 0)),
            pl.BlockSpec((1, 1, RB), lambda i: (i, 0, 0)),
        ],
        out_specs=[
            pl.BlockSpec((RB, H), lambda i: (i, 0)),
            pl.BlockSpec((NGRAPHS, H), lambda i: (0, 0)),
        ],
        out_shape=[
            jax.ShapeDtypeStruct((N, H), jnp.float32),
            jax.ShapeDtypeStruct((NGRAPHS, H), jnp.float32),
        ],
    )(z, stats, gb, w2, b2, batch2d)


def _head_call(hid, wmu, wlv, blv):
    return pl.pallas_call(
        _head_body,
        in_specs=[
            pl.BlockSpec((NGRAPHS, 4 * H), lambda: (0, 0)),
            pl.BlockSpec((4 * H, H), lambda: (0, 0)),
            pl.BlockSpec((4 * H, H), lambda: (0, 0)),
            pl.BlockSpec((1, H), lambda: (0, 0)),
        ],
        out_specs=[
            pl.BlockSpec((NGRAPHS, H), lambda: (0, 0)),
            pl.BlockSpec((NGRAPHS, H), lambda: (0, 0)),
        ],
        out_shape=[
            jax.ShapeDtypeStruct((NGRAPHS, H), jnp.float32),
            jax.ShapeDtypeStruct((NGRAPHS, H), jnp.float32),
        ],
    )(hid, wmu, wlv, blv)


def kernel(x, edge_index, edge_attr, batch, atom_emb, layers, W_mu, W_lv, b_lv):
    x_f = jnp.pad(x.astype(jnp.float32), ((0, 0), (0, 16 - x.shape[1])))
    d_mat = jnp.stack([t[1] - t[0] for t in atom_emb])
    d_mat = jnp.pad(d_mat, ((0, 16 - d_mat.shape[0]), (0, 0)))
    base = sum(t[0] for t in atom_emb).reshape(1, H)
    batch2d = batch.astype(jnp.int32).reshape(GRID_N, 1, RB)
    pad = EP - E
    src = edge_index[0].astype(jnp.int32)
    src2d = jnp.pad(src >> 1, (0, pad)).reshape(EP // 128, 128)
    par3d = jnp.pad(src & 1, (0, pad)).reshape(EP // 4096, 1, 4096)
    dst = edge_index[1].astype(jnp.int32)
    d2_2d = jnp.pad(dst >> 1, (0, pad),
                    constant_values=1 << 20).reshape(EP // 128, 128)
    dpar3d = jnp.pad(dst & 1, (0, pad)).reshape(EP // 4096, 1, 4096)
    code = (edge_attr[:, 0] * 4 + edge_attr[:, 1] * 2
            + edge_attr[:, 2]).astype(jnp.int32)
    code3d = jnp.pad(code, (0, pad)).reshape(EP // 4096, 1, 4096)
    zero_fl = jnp.zeros((FL2, 2 * H), jnp.float32)
    bits = (jnp.arange(8)[:, None] >> jnp.array([2, 1, 0])[None, :]) & 1

    h, pooled0 = _embed_call(x_f, d_mat, base, batch2d)
    pooled = [pooled0]
    for L in layers:
        e_table = (jnp.take(L["edge_emb"][0], bits[:, 0], axis=0)
                   + jnp.take(L["edge_emb"][1], bits[:, 1], axis=0)
                   + jnp.take(L["edge_emb"][2], bits[:, 2], axis=0))
        a_rows = _gather_call(h.reshape(N // 2, 2 * H), src2d)
        msg128 = _msg_call(a_rows, code3d, par3d, dpar3d, e_table)
        agg2 = _scatter_call(msg128, d2_2d, zero_fl)
        agg = agg2[:, :NHALF2, :].reshape(N, H)
        heps = (1.0 + L["eps"]).reshape(1, 1)
        z, sums, sumsq = _layer_a_call(h, agg, L["W1"], L["b1"].reshape(1, HSIZE),
                                       heps)
        mean = sums / N
        var = sumsq / N - mean * mean
        rstd = jax.lax.rsqrt(var + 1e-5)
        stats = jnp.concatenate([mean, rstd], axis=0)
        gb = jnp.stack([L["gamma"], L["beta"]])
        h, p = _layer_b_call(z, stats, gb, L["W2"], L["b2"].reshape(1, H),
                             batch2d)
        pooled.append(p)

    hid = jnp.concatenate(pooled, axis=1)
    mu, lv = _head_call(hid, W_mu, W_lv, b_lv.reshape(1, H))
    return mu, lv

# --- scband reference (transcript-rebuilt; emitter-appended) ---
"""Pipeline reference for scband-grammar-ginvae-87187836109075 (READ-ONLY COPY).

The authoritative reference and input builder live on the scoring server;
editing this copy changes nothing except your own understanding.
"""

import jax, jax.numpy as jnp
import numpy as np

ATOM_DIMS = [119, 9, 11, 12, 9, 5, 8, 2, 2]
EDGE_DIMS = [22, 6, 2]
H = 64
HSIZE = 128
NLAYERS = 3
NGRAPHS = 64
N_NODES = 50000
N_EDGES = 800000


def _feat_embed(tables, idx):
    out = 0.0
    for i in range(idx.shape[1]):
        out = out + jnp.take(tables[i], idx[:, i], axis=0)
    return out


def _gin_forward(x, edge_index, edge_attr, batch, atom_emb, layers, W_mu, W_lv, b_lv):
    # FeatureEmbedding over atom categorical features (sum of per-column embeddings)
    h = _feat_embed(atom_emb, x)
    hlist = [jax.ops.segment_sum(h, batch, num_segments=NGRAPHS)]
    src = edge_index[0]
    dst = edge_index[1]
    for L in layers:
        # GINLayer.message: relu(x_j + edge_mlp(edge_attr)); aggregate = sum into dst
        e = _feat_embed(L["edge_emb"], edge_attr)
        msg = jax.nn.relu(jnp.take(h, src, axis=0) + e)
        agg = jax.ops.segment_sum(msg, dst, num_segments=h.shape[0])
        h2 = jax.nn.relu((1.0 + L["eps"]) * h + agg)
        # NodeMLP: Linear -> BatchNorm1d (training-mode batch stats) -> relu -> Linear
        z = h2 @ L["W1"] + L["b1"]
        mean = jnp.mean(z, axis=0)
        var = jnp.var(z, axis=0)
        z = (z - mean) / jnp.sqrt(var + 1e-5) * L["gamma"] + L["beta"]
        z = jax.nn.relu(z)
        h = jax.nn.relu(z @ L["W2"] + L["b2"])
        # dropout is identity in eval mode
        hlist.append(jax.ops.segment_sum(h, batch, num_segments=NGRAPHS))
    hid = jnp.concatenate(hlist, axis=1)  # [NGRAPHS, H*(1+NLAYERS)]
    mu = hid @ W_mu
    lv = hid @ W_lv + b_lv
    return mu, lv


def setup_inputs(seed: int = 0):
    key = jax.random.key(seed)
    ks = jax.random.split(key, 64)
    x = jax.random.randint(ks[0], (N_NODES, len(ATOM_DIMS)), 0, 2)
    edge_index = jax.random.randint(ks[1], (2, N_EDGES), 0, N_NODES)
    edge_attr = jax.random.randint(ks[2], (N_EDGES, len(EDGE_DIMS)), 0, 2)
    batch = jnp.sort(jax.random.randint(ks[3], (N_NODES,), 0, NGRAPHS))
    ki = 4
    atom_emb = []
    for d in ATOM_DIMS:
        atom_emb.append(jax.random.normal(ks[ki], (d, H), dtype=jnp.float32) * 0.02)
        ki += 1
    layers = []
    for _ in range(NLAYERS):
        edge_emb = []
        for d in EDGE_DIMS:
            edge_emb.append(jax.random.normal(ks[ki], (d, H), dtype=jnp.float32) * 0.02)
            ki += 1
        W1 = jax.random.normal(ks[ki], (H, HSIZE), dtype=jnp.float32) * 0.05
        ki += 1
        W2 = jax.random.normal(ks[ki], (HSIZE, H), dtype=jnp.float32) * 0.05
        ki += 1
        layers.append({"edge_emb": edge_emb, "eps": jnp.zeros((1,), jnp.float32), "W1": W1, "b1": jnp.zeros((HSIZE,), jnp.float32), "gamma": jnp.ones((HSIZE,), jnp.float32), "beta": jnp.zeros((HSIZE,), jnp.float32), "W2": W2, "b2": jnp.zeros((H,), jnp.float32)})
    W_mu = jax.random.normal(ks[ki], (H * (1 + NLAYERS), H), dtype=jnp.float32) * 0.05
    ki += 1
    W_lv = jax.random.normal(ks[ki], (H * (1 + NLAYERS), H), dtype=jnp.float32) * 0.05
    ki += 1
    b_lv = jnp.zeros((H,), jnp.float32)
    return {"x": x, "edge_index": edge_index, "edge_attr": edge_attr, "batch": batch, "atom_emb": atom_emb, "layers": layers, "W_mu": W_mu, "W_lv": W_lv, "b_lv": b_lv}


def reference(x, edge_index, edge_attr, batch, atom_emb, layers, W_mu, W_lv, b_lv):
    return _gin_forward(x, edge_index, edge_attr, batch, atom_emb, layers, W_mu, W_lv, b_lv)

if __name__ == "__main__":
    import jax
    _d = setup_inputs()
    print(jax.jit(kernel)(*tuple(_d.values())))

</pallas_src>

<mosaic_0001>
#map = affine_map<(d0, d1) -> (0, 0)>
module attributes {stable_mosaic.version = 14 : i64} {
  func.func @_gather_sc_body(%arg0: i32, %arg1: i32, %arg2: memref<25000x128xf32, #tpu.memory_space<hbm>>, %arg3: memref<6400x128xi32, #tpu.memory_space<hbm>>, %arg4: memref<819200x128xf32, #tpu.memory_space<hbm>>, %arg5: memref<4x128xi32, #tpu.memory_space<vmem>>, %arg6: memref<512x128xf32, #tpu.memory_space<vmem>>, %arg7: memref<!tpu.dma_semaphore, #tpu.memory_space<semaphore_mem>>) attributes {dimension_semantics = [#tpu.dimension_semantics<core_parallel>, #tpu.dimension_semantics<subcore_parallel>], iteration_bounds = array<i64: 2, 16>, scalar_prefetch = 0 : i64, scratch_operands = 3 : i64, tpu.core_type = #tpu.core_type<sc_vector_subcore>, window_params = [{transform_indices = #map}, {transform_indices = #map}, {transform_indices = #map}]} {
    %mul3A = arith.constant 2 : i32
    %mul3A_0 = arith.muli %arg1, %mul3A : i32
    %add3A = arith.addi %mul3A_0, %arg0 : i32
    %mul3A_1 = arith.constant 25600 : i32
    %mul3A_2 = arith.muli %add3A, %mul3A_1 : i32
    %scan3A = arith.constant 0 : i32
    %scan3A_3 = arith.constant 0 : i32
    %scan3A_4 = arith.constant 50 : i32
    %scan3A_5 = arith.addi %scan3A_3, %scan3A_4 : i32
    %scan3A_6 = arith.constant 1 : i32
    scf.for %scan3A_8 = %scan3A_3 to %scan3A_5 step %scan3A_6  : i32 {
      %mul3A_9 = arith.constant 512 : i32
      %mul3A_10 = arith.muli %scan3A_8, %mul3A_9 : i32
      %add3A_11 = arith.addi %mul3A_2, %mul3A_10 : i32
      %multiple_of3A = tpu.assume_multiple %add3A_11, 512 : i32
      %jit3A = arith.constant 128 : i32
      %div3A = arith.divsi %multiple_of3A, %jit3A : i32
      %sign3A = arith.constant 0 : i32
      %sign3A_12 = arith.cmpi sgt, %multiple_of3A, %sign3A : i32
      %sign3A_13 = arith.extui %sign3A_12 : i1 to i32
      %sign3A_14 = arith.constant 0 : i32
      %sign3A_15 = arith.cmpi slt, %multiple_of3A, %sign3A_14 : i32
      %sign3A_16 = arith.extui %sign3A_15 : i1 to i32
      %sign3A_17 = arith.subi %sign3A_13, %sign3A_16 : i32
      %sign3A_18 = arith.constant 0 : i32
      %sign3A_19 = arith.cmpi sgt, %jit3A, %sign3A_18 : i32
      %sign3A_20 = arith.extui %sign3A_19 : i1 to i32
      %sign3A_21 = arith.constant 0 : i32
      %sign3A_22 = arith.cmpi slt, %jit3A, %sign3A_21 : i32
      %sign3A_23 = arith.extui %sign3A_22 : i1 to i32
      %sign3A_24 = arith.subi %sign3A_20, %sign3A_23 : i32
      %ne3A = arith.cmpi ne, %sign3A_17, %sign3A_24 : i32
      %rem3A = arith.remsi %multiple_of3A, %jit3A : i32
      %ne3A_25 = arith.constant 0 : i32
      %ne3A_26 = arith.cmpi ne, %rem3A, %ne3A_25 : i32
      %and3A = arith.andi %ne3A, %ne3A_26 : i1
      %sub3A = arith.constant 1 : i32
      %sub3A_27 = arith.subi %div3A, %sub3A : i32
      %select_n3A = arith.select %and3A, %sub3A_27, %div3A : i32
      %multiple_of3A_28 = tpu.assume_multiple %select_n3A, 4 : i32
      "tpu.region"() ({
        %run_scoped3A = tpu.sem_alloc : memref<!tpu.dma_semaphore, #tpu.memory_space<semaphore_mem>>
        %dma_start3A_107 = arith.constant 0 : i32
        %dma_start3A_108 = tpu.memref_slice %arg3[%multiple_of3A_28, %dma_start3A_107] : memref<6400x128xi32, #tpu.memory_space<hbm>> -> memref<4x128xi32, #tpu.memory_space<hbm>>
        %dma_start3A_109 = arith.constant 0 : i32
        %dma_start3A_110 = tpu.memref_slice %arg3[%multiple_of3A_28, %dma_start3A_109] : memref<6400x128xi32, #tpu.memory_space<hbm>> -> memref<4x128xi32, #tpu.memory_space<hbm>>
        tpu.enqueue_dma source(%dma_start3A_110 : memref<4x128xi32, #tpu.memory_space<hbm>>) target(%arg5 : memref<4x128xi32, #tpu.memory_space<vmem>>) target_semaphore(%run_scoped3A : memref<!tpu.dma_semaphore, #tpu.memory_space<semaphore_mem>>)
        %dma_wait3A_111 = arith.constant 0 : i32
        %dma_wait3A_112 = tpu.memref_slice %arg3[%multiple_of3A_28, %dma_wait3A_111] : memref<6400x128xi32, #tpu.memory_space<hbm>> -> memref<4x128xi32, #tpu.memory_space<hbm>>
        %dma_wait3A_113 = arith.constant 0 : i32
        %dma_wait3A_114 = tpu.memref_slice %arg3[%multiple_of3A_28, %dma_wait3A_113] : memref<6400x128xi32, #tpu.memory_space<hbm>> -> memref<4x128xi32, #tpu.memory_space<hbm>>
        tpu.wait_dma2 semaphore(%run_scoped3A : memref<!tpu.dma_semaphore, #tpu.memory_space<semaphore_mem>>) src(%dma_wait3A_114 : memref<4x128xi32, #tpu.memory_space<hbm>>) dst(%arg5 : memref<4x128xi32, #tpu.memory_space<vmem>>)
        tpu.yield
      }) : () -> ()
      %dma_start3A = arith.constant 0 : i32
      %dma_start3A_29 = arith.constant 0 : i32
      %dma_start3A_30 = arith.constant 0 : i32
      %dma_start3A_31 = tpu.memref_slice %arg6[%dma_start3A_29, %dma_start3A_30] : memref<512x128xf32, #tpu.memory_space<vmem>> -> memref<128x128xf32, #tpu.memory_space<vmem>>
      %dma_start3A_32 = arith.constant 0 : i32
      %dma_start3A_33 = tpu.memref_slice %arg5[%dma_start3A, %dma_start3A_32] : memref<4x128xi32, #tpu.memory_space<vmem>> -> memref<1x128xi32, #tpu.memory_space<vmem>>
      %dma_start3A_34 = tpu.memref_squeeze %dma_start3A_33 : memref<1x128xi32, #tpu.memory_space<vmem>> -> memref<128xi32, #tpu.memory_space<vmem>>
      %dma_start3A_35 = arith.constant 0 : i32
      %dma_start3A_36 = arith.constant 0 : i32
      %dma_start3A_37 = tpu.memref_slice %arg2[%dma_start3A_35, %dma_start3A_36] : memref<25000x128xf32, #tpu.memory_space<hbm>> -> memref<25000x128xf32, #tpu.memory_space<hbm>>
      tpu.enqueue_indirect_dma source(%dma_start3A_37 : memref<25000x128xf32, #tpu.memory_space<hbm>>) target(%dma_start3A_31 : memref<128x128xf32, #tpu.memory_space<vmem>>) offsets(%dma_start3A_34 : memref<128xi32, #tpu.memory_space<vmem>>) semaphore(%arg7 : memref<!tpu.dma_semaphore, #tpu.memory_space<semaphore_mem>>)
      %dma_start3A_38 = arith.constant 1 : i32
      %dma_start3A_39 = arith.constant 128 : i32
      %dma_start3A_40 = arith.constant 0 : i32
      %dma_start3A_41 = tpu.memref_slice %arg6[%dma_start3A_39, %dma_start3A_40] : memref<512x128xf32, #tpu.memory_space<vmem>> -> memref<128x128xf32, #tpu.memory_space<vmem>>
      %dma_start3A_42 = arith.constant 0 : i32
      %dma_start3A_43 = tpu.memref_slice %arg5[%dma_start3A_38, %dma_start3A_42] : memref<4x128xi32, #tpu.memory_space<vmem>> -> memref<1x128xi32, #tpu.memory_space<vmem>>
      %dma_start3A_44 = tpu.memref_squeeze %dma_start3A_43 : memref<1x128xi32, #tpu.memory_space<vmem>> -> memref<128xi32, #tpu.memory_space<vmem>>
      %dma_start3A_45 = arith.constant 0 : i32
      %dma_start3A_46 = arith.constant 0 : i32
      %dma_start3A_47 = tpu.memref_slice %arg2[%dma_start3A_45, %dma_start3A_46] : memref<25000x128xf32, #tpu.memory_space<hbm>> -> memref<25000x128xf32, #tpu.memory_space<hbm>>
      tpu.enqueue_indirect_dma source(%dma_start3A_47 : memref<25000x128xf32, #tpu.memory_space<hbm>>) target(%dma_start3A_41 : memref<128x128xf32, #tpu.memory_space<vmem>>) offsets(%dma_start3A_44 : memref<128xi32, #tpu.memory_space<vmem>>) semaphore(%arg7 : memref<!tpu.dma_semaphore, #tpu.memory_space<semaphore_mem>>)
      %dma_start3A_48 = arith.constant 2 : i32
      %dma_start3A_49 = arith.constant 256 : i32
      %dma_start3A_50 = arith.constant 0 : i32
      %dma_start3A_51 = tpu.memref_slice %arg6[%dma_start3A_49, %dma_start3A_50] : memref<512x128xf32, #tpu.memory_space<vmem>> -> memref<128x128xf32, #tpu.memory_space<vmem>>
      %dma_start3A_52 = arith.constant 0 : i32
      %dma_start3A_53 = tpu.memref_slice %arg5[%dma_start3A_48, %dma_start3A_52] : memref<4x128xi32, #tpu.memory_space<vmem>> -> memref<1x128xi32, #tpu.memory_space<vmem>>
      %dma_start3A_54 = tpu.memref_squeeze %dma_start3A_53 : memref<1x128xi32, #tpu.memory_space<vmem>> -> memref<128xi32, #tpu.memory_space<vmem>>
      %dma_start3A_55 = arith.constant 0 : i32
      %dma_start3A_56 = arith.constant 0 : i32
      %dma_start3A_57 = tpu.memref_slice %arg2[%dma_start3A_55, %dma_start3A_56] : memref<25000x128xf32, #tpu.memory_space<hbm>> -> memref<25000x128xf32, #tpu.memory_space<hbm>>
      tpu.enqueue_indirect_dma source(%dma_start3A_57 : memref<25000x128xf32, #tpu.memory_space<hbm>>) target(%dma_start3A_51 : memref<128x128xf32, #tpu.memory_space<vmem>>) offsets(%dma_start3A_54 : memref<128xi32, #tpu.memory_space<vmem>>) semaphore(%arg7 : memref<!tpu.dma_semaphore, #tpu.memory_space<semaphore_mem>>)
      %dma_start3A_58 = arith.constant 3 : i32
      %dma_start3A_59 = arith.constant 384 : i32
      %dma_start3A_60 = arith.constant 0 : i32
      %dma_start3A_61 = tpu.memref_slice %arg6[%dma_start3A_59, %dma_start3A_60] : memref<512x128xf32, #tpu.memory_space<vmem>> -> memref<128x128xf32, #tpu.memory_space<vmem>>
      %dma_start3A_62 = arith.constant 0 : i32
      %dma_start3A_63 = tpu.memref_slice %arg5[%dma_start3A_58, %dma_start3A_62] : memref<4x128xi32, #tpu.memory_space<vmem>> -> memref<1x128xi32, #tpu.memory_space<vmem>>
      %dma_start3A_64 = tpu.memref_squeeze %dma_start3A_63 : memref<1x128xi32, #tpu.memory_space<vmem>> -> memref<128xi32, #tpu.memory_space<vmem>>
      %dma_start3A_65 = arith.constant 0 : i32
      %dma_start3A_66 = arith.constant 0 : i32
      %dma_start3A_67 = tpu.memref_slice %arg2[%dma_start3A_65, %dma_start3A_66] : memref<25000x128xf32, #tpu.memory_space<hbm>> -> memref<25000x128xf32, #tpu.memory_space<hbm>>
      tpu.enqueue_indirect_dma source(%dma_start3A_67 : memref<25000x128xf32, #tpu.memory_space<hbm>>) target(%dma_start3A_61 : memref<128x128xf32, #tpu.memory_space<vmem>>) offsets(%dma_start3A_64 : memref<128xi32, #tpu.memory_space<vmem>>) semaphore(%arg7 : memref<!tpu.dma_semaphore, #tpu.memory_space<semaphore_mem>>)
      %dma_wait3A = arith.constant 0 : i32
      %dma_wait3A_68 = arith.constant 0 : i32
      %dma_wait3A_69 = arith.constant 0 : i32
      %dma_wait3A_70 = tpu.memref_slice %arg6[%dma_wait3A_68, %dma_wait3A_69] : memref<512x128xf32, #tpu.memory_space<vmem>> -> memref<128x128xf32, #tpu.memory_space<vmem>>
      %dma_wait3A_71 = arith.constant 0 : i32
      %dma_wait3A_72 = tpu.memref_slice %arg5[%dma_wait3A, %dma_wait3A_71] : memref<4x128xi32, #tpu.memory_space<vmem>> -> memref<1x128xi32, #tpu.memory_space<vmem>>
      %dma_wait3A_73 = tpu.memref_squeeze %dma_wait3A_72 : memref<1x128xi32, #tpu.memory_space<vmem>> -> memref<128xi32, #tpu.memory_space<vmem>>
      %dma_wait3A_74 = arith.constant 0 : i32
      %dma_wait3A_75 = arith.constant 0 : i32
      %dma_wait3A_76 = tpu.memref_slice %arg2[%dma_wait3A_74, %dma_wait3A_75] : memref<25000x128xf32, #tpu.memory_space<hbm>> -> memref<25000x128xf32, #tpu.memory_space<hbm>>
      tpu.wait_indirect_dma semaphore(%arg7 : memref<!tpu.dma_semaphore, #tpu.memory_space<semaphore_mem>>) src(%dma_wait3A_76 : memref<25000x128xf32, #tpu.memory_space<hbm>>) dst(%dma_wait3A_70 : memref<128x128xf32, #tpu.memory_space<vmem>>)
      %dma_wait3A_77 = arith.constant 1 : i32
      %dma_wait3A_78 = arith.constant 128 : i32
      %dma_wait3A_79 = arith.constant 0 : i32
      %dma_wait3A_80 = tpu.memref_slice %arg6[%dma_wait3A_78, %dma_wait3A_79] : memref<512x128xf32, #tpu.memory_space<vmem>> -> memref<128x128xf32, #tpu.memory_space<vmem>>
      %dma_wait3A_81 = arith.constant 0 : i32
      %dma_wait3A_82 = tpu.memref_slice %arg5[%dma_wait3A_77, %dma_wait3A_81] : memref<4x128xi32, #tpu.memory_space<vmem>> -> memref<1x128xi32, #tpu.memory_space<vmem>>
      %dma_wait3A_83 = tpu.memref_squeeze %dma_wait3A_82 : memref<1x128xi32, #tpu.memory_space<vmem>> -> memref<128xi32, #tpu.memory_space<vmem>>
      %dma_wait3A_84 = arith.constant 0 : i32
      %dma_wait3A_85 = arith.constant 0 : i32
      %dma_wait3A_86 = tpu.memref_slice %arg2[%dma_wait3A_84, %dma_wait3A_85] : memref<25000x128xf32, #tpu.memory_space<hbm>> -> memref<25000x128xf32, #tpu.memory_space<hbm>>
      tpu.wait_indirect_dma semaphore(%arg7 : memref<!tpu.dma_semaphore, #tpu.memory_space<semaphore_mem>>) src(%dma_wait3A_86 : memref<25000x128xf32, #tpu.memory_space<hbm>>) dst(%dma_wait3A_80 : memref<128x128xf32, #tpu.memory_space<vmem>>)
      %dma_wait3A_87 = arith.constant 2 : i32
      %dma_wait3A_88 = arith.constant 256 : i32
      %dma_wait3A_89 = arith.constant 0 : i32
      %dma_wait3A_90 = tpu.memref_slice %arg6[%dma_wait3A_88, %dma_wait3A_89] : memref<512x128xf32, #tpu.memory_space<vmem>> -> memref<128x128xf32, #tpu.memory_space<vmem>>
      %dma_wait3A_91 = arith.constant 0 : i32
      %dma_wait3A_92 = tpu.memref_slice %arg5[%dma_wait3A_87, %dma_wait3A_91] : memref<4x128xi32, #tpu.memory_space<vmem>> -> memref<1x128xi32, #tpu.memory_space<vmem>>
      %dma_wait3A_93 = tpu.memref_squeeze %dma_wait3A_92 : memref<1x128xi32, #tpu.memory_space<vmem>> -> memref<128xi32, #tpu.memory_space<vmem>>
      %dma_wait3A_94 = arith.constant 0 : i32
      %dma_wait3A_95 = arith.constant 0 : i32
      %dma_wait3A_96 = tpu.memref_slice %arg2[%dma_wait3A_94, %dma_wait3A_95] : memref<25000x128xf32, #tpu.memory_space<hbm>> -> memref<25000x128xf32, #tpu.memory_space<hbm>>
      tpu.wait_indirect_dma semaphore(%arg7 : memref<!tpu.dma_semaphore, #tpu.memory_space<semaphore_mem>>) src(%dma_wait3A_96 : memref<25000x128xf32, #tpu.memory_space<hbm>>) dst(%dma_wait3A_90 : memref<128x128xf32, #tpu.memory_space<vmem>>)
      %dma_wait3A_97 = arith.constant 3 : i32
      %dma_wait3A_98 = arith.constant 384 : i32
      %dma_wait3A_99 = arith.constant 0 : i32
      %dma_wait3A_100 = tpu.memref_slice %arg6[%dma_wait3A_98, %dma_wait3A_99] : memref<512x128xf32, #tpu.memory_space<vmem>> -> memref<128x128xf32, #tpu.memory_space<vmem>>
      %dma_wait3A_101 = arith.constant 0 : i32
      %dma_wait3A_102 = tpu.memref_slice %arg5[%dma_wait3A_97, %dma_wait3A_101] : memref<4x128xi32, #tpu.memory_space<vmem>> -> memref<1x128xi32, #tpu.memory_space<vmem>>
      %dma_wait3A_103 = tpu.memref_squeeze %dma_wait3A_102 : memref<1x128xi32, #tpu.memory_space<vmem>> -> memref<128xi32, #tpu.memory_space<vmem>>
      %dma_wait3A_104 = arith.constant 0 : i32
      %dma_wait3A_105 = arith.constant 0 : i32
      %dma_wait3A_106 = tpu.memref_slice %arg2[%dma_wait3A_104, %dma_wait3A_105] : memref<25000x128xf32, #tpu.memory_space<hbm>> -> memref<25000x128xf32, #tpu.memory_space<hbm>>
      tpu.wait_indirect_dma semaphore(%arg7 : memref<!tpu.dma_semaphore, #tpu.memory_space<semaphore_mem>>) src(%dma_wait3A_106 : memref<25000x128xf32, #tpu.memory_space<hbm>>) dst(%dma_wait3A_100 : memref<128x128xf32, #tpu.memory_space<vmem>>)
      "tpu.region"() ({
        %run_scoped3A = tpu.sem_alloc : memref<!tpu.dma_semaphore, #tpu.memory_space<semaphore_mem>>
        %dma_start3A_107 = arith.constant 0 : i32
        %dma_start3A_108 = tpu.memref_slice %arg4[%multiple_of3A, %dma_start3A_107] : memref<819200x128xf32, #tpu.memory_space<hbm>> -> memref<512x128xf32, #tpu.memory_space<hbm>>
        %dma_start3A_109 = arith.constant 0 : i32
        %dma_start3A_110 = tpu.memref_slice %arg4[%multiple_of3A, %dma_start3A_109] : memref<819200x128xf32, #tpu.memory_space<hbm>> -> memref<512x128xf32, #tpu.memory_space<hbm>>
        tpu.enqueue_dma source(%arg6 : memref<512x128xf32, #tpu.memory_space<vmem>>) target(%dma_start3A_110 : memref<512x128xf32, #tpu.memory_space<hbm>>) target_semaphore(%run_scoped3A : memref<!tpu.dma_semaphore, #tpu.memory_space<semaphore_mem>>)
        %dma_wait3A_111 = arith.constant 0 : i32
        %dma_wait3A_112 = tpu.memref_slice %arg4[%multiple_of3A, %dma_wait3A_111] : memref<819200x128xf32, #tpu.memory_space<hbm>> -> memref<512x128xf32, #tpu.memory_space<hbm>>
        %dma_wait3A_113 = arith.constant 0 : i32
        %dma_wait3A_114 = tpu.memref_slice %arg4[%multiple_of3A, %dma_wait3A_113] : memref<819200x128xf32, #tpu.memory_space<hbm>> -> memref<512x128xf32, #tpu.memory_space<hbm>>
        tpu.wait_dma2 semaphore(%run_scoped3A : memref<!tpu.dma_semaphore, #tpu.memory_space<semaphore_mem>>) src(%arg6 : memref<512x128xf32, #tpu.memory_space<vmem>>) dst(%dma_wait3A_114 : memref<512x128xf32, #tpu.memory_space<hbm>>)
        tpu.yield
      }) : () -> ()
    }
    %scan3A_7 = arith.constant 50 : i32
    return
  }
}

#map = affine_map<(d0, d1) -> (0, 0)>
module attributes {stable_mosaic.version = 14 : i64} {
  func.func @_gather_sc_body(%arg0: i32, %arg1: i32, %arg2: memref<25000x128xf32, #tpu.memory_space<hbm>>, %arg3: memref<6400x128xi32, #tpu.memory_space<hbm>>, %arg4: memref<819200x128xf32, #tpu.memory_space<hbm>>, %arg5: memref<4x128xi32, #tpu.memory_space<vmem>>, %arg6: memref<512x128xf32, #tpu.memory_space<vmem>>, %arg7: memref<!tpu.dma_semaphore, #tpu.memory_space<semaphore_mem>>) attributes {dimension_semantics = [#tpu.dimension_semantics<core_parallel>, #tpu.dimension_semantics<subcore_parallel>], iteration_bounds = array<i64: 2, 16>, scalar_prefetch = 0 : i64, scratch_operands = 3 : i64, tpu.core_type = #tpu.core_type<sc_vector_subcore>, window_params = [{transform_indices = #map}, {transform_indices = #map}, {transform_indices = #map}]} {
    %mul3A = arith.constant 2 : i32
    %mul3A_0 = arith.muli %arg1, %mul3A : i32
    %add3A = arith.addi %mul3A_0, %arg0 : i32
    %mul3A_1 = arith.constant 25600 : i32
    %mul3A_2 = arith.muli %add3A, %mul3A_1 : i32
    %scan3A = arith.constant 0 : i32
    %scan3A_3 = arith.constant 0 : i32
    %scan3A_4 = arith.constant 50 : i32
    %scan3A_5 = arith.addi %scan3A_3, %scan3A_4 : i32
    %scan3A_6 = arith.constant 1 : i32
    scf.for %scan3A_8 = %scan3A_3 to %scan3A_5 step %scan3A_6  : i32 {
      %mul3A_9 = arith.constant 512 : i32
      %mul3A_10 = arith.muli %scan3A_8, %mul3A_9 : i32
      %add3A_11 = arith.addi %mul3A_2, %mul3A_10 : i32
      %multiple_of3A = tpu.assume_multiple %add3A_11, 512 : i32
      %jit3A = arith.constant 128 : i32
      %div3A = arith.divsi %multiple_of3A, %jit3A : i32
      %sign3A = arith.constant 0 : i32
      %sign3A_12 = arith.cmpi sgt, %multiple_of3A, %sign3A : i32
      %sign3A_13 = arith.extui %sign3A_12 : i1 to i32
      %sign3A_14 = arith.constant 0 : i32
      %sign3A_15 = arith.cmpi slt, %multiple_of3A, %sign3A_14 : i32
      %sign3A_16 = arith.extui %sign3A_15 : i1 to i32
      %sign3A_17 = arith.subi %sign3A_13, %sign3A_16 : i32
      %sign3A_18 = arith.constant 0 : i32
      %sign3A_19 = arith.cmpi sgt, %jit3A, %sign3A_18 : i32
      %sign3A_20 = arith.extui %sign3A_19 : i1 to i32
      %sign3A_21 = arith.constant 0 : i32
      %sign3A_22 = arith.cmpi slt, %jit3A, %sign3A_21 : i32
      %sign3A_23 = arith.extui %sign3A_22 : i1 to i32
      %sign3A_24 = arith.subi %sign3A_20, %sign3A_23 : i32
      %ne3A = arith.cmpi ne, %sign3A_17, %sign3A_24 : i32
      %rem3A = arith.remsi %multiple_of3A, %jit3A : i32
      %ne3A_25 = arith.constant 0 : i32
      %ne3A_26 = arith.cmpi ne, %rem3A, %ne3A_25 : i32
      %and3A = arith.andi %ne3A, %ne3A_26 : i1
      %sub3A = arith.constant 1 : i32
      %sub3A_27 = arith.subi %div3A, %sub3A : i32
      %select_n3A = arith.select %and3A, %sub3A_27, %div3A : i32
      %multiple_of3A_28 = tpu.assume_multiple %select_n3A, 4 : i32
      "tpu.region"() ({
        %run_scoped3A = tpu.sem_alloc : memref<!tpu.dma_semaphore, #tpu.memory_space<semaphore_mem>>
        %dma_start3A_107 = arith.constant 0 : i32
        %dma_start3A_108 = tpu.memref_slice %arg3[%multiple_of3A_28, %dma_start3A_107] : memref<6400x128xi32, #tpu.memory_space<hbm>> -> memref<4x128xi32, #tpu.memory_space<hbm>>
        %dma_start3A_109 = arith.constant 0 : i32
        %dma_start3A_110 = tpu.memref_slice %arg3[%multiple_of3A_28, %dma_start3A_109] : memref<6400x128xi32, #tpu.memory_space<hbm>> -> memref<4x128xi32, #tpu.memory_space<hbm>>
        tpu.enqueue_dma source(%dma_start3A_110 : memref<4x128xi32, #tpu.memory_space<hbm>>) target(%arg5 : memref<4x128xi32, #tpu.memory_space<vmem>>) target_semaphore(%run_scoped3A : memref<!tpu.dma_semaphore, #tpu.memory_space<semaphore_mem>>)
        %dma_wait3A_111 = arith.constant 0 : i32
        %dma_wait3A_112 = tpu.memref_slice %arg3[%multiple_of3A_28, %dma_wait3A_111] : memref<6400x128xi32, #tpu.memory_space<hbm>> -> memref<4x128xi32, #tpu.memory_space<hbm>>
        %dma_wait3A_113 = arith.constant 0 : i32
        %dma_wait3A_114 = tpu.memref_slice %arg3[%multiple_of3A_28, %dma_wait3A_113] : memref<6400x128xi32, #tpu.memory_space<hbm>> -> memref<4x128xi32, #tpu.memory_space<hbm>>
        tpu.wait_dma2 semaphore(%run_scoped3A : memref<!tpu.dma_semaphore, #tpu.memory_space<semaphore_mem>>) src(%dma_wait3A_114 : memref<4x128xi32, #tpu.memory_space<hbm>>) dst(%arg5 : memref<4x128xi32, #tpu.memory_space<vmem>>)
        tpu.yield
      }) : () -> ()
      %dma_start3A = arith.constant 0 : i32
      %dma_start3A_29 = arith.constant 0 : i32
      %dma_start3A_30 = arith.constant 0 : i32
      %dma_start3A_31 = tpu.memref_slice %arg6[%dma_start3A_29, %dma_start3A_30] : memref<512x128xf32, #tpu.memory_space<vmem>> -> memref<128x128xf32, #tpu.memory_space<vmem>>
      %dma_start3A_32 = arith.constant 0 : i32
      %dma_start3A_33 = tpu.memref_slice %arg5[%dma_start3A, %dma_start3A_32] : memref<4x128xi32, #tpu.memory_space<vmem>> -> memref<1x128xi32, #tpu.memory_space<vmem>>
      %dma_start3A_34 = tpu.memref_squeeze %dma_start3A_33 : memref<1x128xi32, #tpu.memory_space<vmem>> -> memref<128xi32, #tpu.memory_space<vmem>>
      %dma_start3A_35 = arith.constant 0 : i32
      %dma_start3A_36 = arith.constant 0 : i32
      %dma_start3A_37 = tpu.memref_slice %arg2[%dma_start3A_35, %dma_start3A_36] : memref<25000x128xf32, #tpu.memory_space<hbm>> -> memref<25000x128xf32, #tpu.memory_space<hbm>>
      tpu.enqueue_indirect_dma source(%dma_start3A_37 : memref<25000x128xf32, #tpu.memory_space<hbm>>) target(%dma_start3A_31 : memref<128x128xf32, #tpu.memory_space<vmem>>) offsets(%dma_start3A_34 : memref<128xi32, #tpu.memory_space<vmem>>) semaphore(%arg7 : memref<!tpu.dma_semaphore, #tpu.memory_space<semaphore_mem>>)
      %dma_start3A_38 = arith.constant 1 : i32
      %dma_start3A_39 = arith.constant 128 : i32
      %dma_start3A_40 = arith.constant 0 : i32
      %dma_start3A_41 = tpu.memref_slice %arg6[%dma_start3A_39, %dma_start3A_40] : memref<512x128xf32, #tpu.memory_space<vmem>> -> memref<128x128xf32, #tpu.memory_space<vmem>>
      %dma_start3A_42 = arith.constant 0 : i32
      %dma_start3A_43 = tpu.memref_slice %arg5[%dma_start3A_38, %dma_start3A_42] : memref<4x128xi32, #tpu.memory_space<vmem>> -> memref<1x128xi32, #tpu.memory_space<vmem>>
      %dma_start3A_44 = tpu.memref_squeeze %dma_start3A_43 : memref<1x128xi32, #tpu.memory_space<vmem>> -> memref<128xi32, #tpu.memory_space<vmem>>
      %dma_start3A_45 = arith.constant 0 : i32
      %dma_start3A_46 = arith.constant 0 : i32
      %dma_start3A_47 = tpu.memref_slice %arg2[%dma_start3A_45, %dma_start3A_46] : memref<25000x128xf32, #tpu.memory_space<hbm>> -> memref<25000x128xf32, #tpu.memory_space<hbm>>
      tpu.enqueue_indirect_dma source(%dma_start3A_47 : memref<25000x128xf32, #tpu.memory_space<hbm>>) target(%dma_start3A_41 : memref<128x128xf32, #tpu.memory_space<vmem>>) offsets(%dma_start3A_44 : memref<128xi32, #tpu.memory_space<vmem>>) semaphore(%arg7 : memref<!tpu.dma_semaphore, #tpu.memory_space<semaphore_mem>>)
      %dma_start3A_48 = arith.constant 2 : i32
      %dma_start3A_49 = arith.constant 256 : i32
      %dma_start3A_50 = arith.constant 0 : i32
      %dma_start3A_51 = tpu.memref_slice %arg6[%dma_start3A_49, %dma_start3A_50] : memref<512x128xf32, #tpu.memory_space<vmem>> -> memref<128x128xf32, #tpu.memory_space<vmem>>
      %dma_start3A_52 = arith.constant 0 : i32
      %dma_start3A_53 = tpu.memref_slice %arg5[%dma_start3A_48, %dma_start3A_52] : memref<4x128xi32, #tpu.memory_space<vmem>> -> memref<1x128xi32, #tpu.memory_space<vmem>>
      %dma_start3A_54 = tpu.memref_squeeze %dma_start3A_53 : memref<1x128xi32, #tpu.memory_space<vmem>> -> memref<128xi32, #tpu.memory_space<vmem>>
      %dma_start3A_55 = arith.constant 0 : i32
      %dma_start3A_56 = arith.constant 0 : i32
      %dma_start3A_57 = tpu.memref_slice %arg2[%dma_start3A_55, %dma_start3A_56] : memref<25000x128xf32, #tpu.memory_space<hbm>> -> memref<25000x128xf32, #tpu.memory_space<hbm>>
      tpu.enqueue_indirect_dma source(%dma_start3A_57 : memref<25000x128xf32, #tpu.memory_space<hbm>>) target(%dma_start3A_51 : memref<128x128xf32, #tpu.memory_space<vmem>>) offsets(%dma_start3A_54 : memref<128xi32, #tpu.memory_space<vmem>>) semaphore(%arg7 : memref<!tpu.dma_semaphore, #tpu.memory_space<semaphore_mem>>)
      %dma_start3A_58 = arith.constant 3 : i32
      %dma_start3A_59 = arith.constant 384 : i32
      %dma_start3A_60 = arith.constant 0 : i32
      %dma_start3A_61 = tpu.memref_slice %arg6[%dma_start3A_59, %dma_start3A_60] : memref<512x128xf32, #tpu.memory_space<vmem>> -> memref<128x128xf32, #tpu.memory_space<vmem>>
      %dma_start3A_62 = arith.constant 0 : i32
      %dma_start3A_63 = tpu.memref_slice %arg5[%dma_start3A_58, %dma_start3A_62] : memref<4x128xi32, #tpu.memory_space<vmem>> -> memref<1x128xi32, #tpu.memory_space<vmem>>
      %dma_start3A_64 = tpu.memref_squeeze %dma_start3A_63 : memref<1x128xi32, #tpu.memory_space<vmem>> -> memref<128xi32, #tpu.memory_space<vmem>>
      %dma_start3A_65 = arith.constant 0 : i32
      %dma_start3A_66 = arith.constant 0 : i32
      %dma_start3A_67 = tpu.memref_slice %arg2[%dma_start3A_65, %dma_start3A_66] : memref<25000x128xf32, #tpu.memory_space<hbm>> -> memref<25000x128xf32, #tpu.memory_space<hbm>>
      tpu.enqueue_indirect_dma source(%dma_start3A_67 : memref<25000x128xf32, #tpu.memory_space<hbm>>) target(%dma_start3A_61 : memref<128x128xf32, #tpu.memory_space<vmem>>) offsets(%dma_start3A_64 : memref<128xi32, #tpu.memory_space<vmem>>) semaphore(%arg7 : memref<!tpu.dma_semaphore, #tpu.memory_space<semaphore_mem>>)
      %dma_wait3A = arith.constant 0 : i32
      %dma_wait3A_68 = arith.constant 0 : i32
      %dma_wait3A_69 = arith.constant 0 : i32
      %dma_wait3A_70 = tpu.memref_slice %arg6[%dma_wait3A_68, %dma_wait3A_69] : memref<512x128xf32, #tpu.memory_space<vmem>> -> memref<128x128xf32, #tpu.memory_space<vmem>>
      %dma_wait3A_71 = arith.constant 0 : i32
      %dma_wait3A_72 = tpu.memref_slice %arg5[%dma_wait3A, %dma_wait3A_71] : memref<4x128xi32, #tpu.memory_space<vmem>> -> memref<1x128xi32, #tpu.memory_space<vmem>>
      %dma_wait3A_73 = tpu.memref_squeeze %dma_wait3A_72 : memref<1x128xi32, #tpu.memory_space<vmem>> -> memref<128xi32, #tpu.memory_space<vmem>>
      %dma_wait3A_74 = arith.constant 0 : i32
      %dma_wait3A_75 = arith.constant 0 : i32
      %dma_wait3A_76 = tpu.memref_slice %arg2[%dma_wait3A_74, %dma_wait3A_75] : memref<25000x128xf32, #tpu.memory_space<hbm>> -> memref<25000x128xf32, #tpu.memory_space<hbm>>
      tpu.wait_indirect_dma semaphore(%arg7 : memref<!tpu.dma_semaphore, #tpu.memory_space<semaphore_mem>>) src(%dma_wait3A_76 : memref<25000x128xf32, #tpu.memory_space<hbm>>) dst(%dma_wait3A_70 : memref<128x128xf32, #tpu.memory_space<vmem>>)
      %dma_wait3A_77 = arith.constant 1 : i32
      %dma_wait3A_78 = arith.constant 128 : i32
      %dma_wait3A_79 = arith.constant 0 : i32
      %dma_wait3A_80 = tpu.memref_slice %arg6[%dma_wait3A_78, %dma_wait3A_79] : memref<512x128xf32, #tpu.memory_space<vmem>> -> memref<128x128xf32, #tpu.memory_space<vmem>>
      %dma_wait3A_81 = arith.constant 0 : i32
      %dma_wait3A_82 = tpu.memref_slice %arg5[%dma_wait3A_77, %dma_wait3A_81] : memref<4x128xi32, #tpu.memory_space<vmem>> -> memref<1x128xi32, #tpu.memory_space<vmem>>
      %dma_wait3A_83 = tpu.memref_squeeze %dma_wait3A_82 : memref<1x128xi32, #tpu.memory_space<vmem>> -> memref<128xi32, #tpu.memory_space<vmem>>
      %dma_wait3A_84 = arith.constant 0 : i32
      %dma_wait3A_85 = arith.constant 0 : i32
      %dma_wait3A_86 = tpu.memref_slice %arg2[%dma_wait3A_84, %dma_wait3A_85] : memref<25000x128xf32, #tpu.memory_space<hbm>> -> memref<25000x128xf32, #tpu.memory_space<hbm>>
      tpu.wait_indirect_dma semaphore(%arg7 : memref<!tpu.dma_semaphore, #tpu.memory_space<semaphore_mem>>) src(%dma_wait3A_86 : memref<25000x128xf32, #tpu.memory_space<hbm>>) dst(%dma_wait3A_80 : memref<128x128xf32, #tpu.memory_space<vmem>>)
      %dma_wait3A_87 = arith.constant 2 : i32
      %dma_wait3A_88 = arith.constant 256 : i32
      %dma_wait3A_89 = arith.constant 0 : i32
      %dma_wait3A_90 = tpu.memref_slice %arg6[%dma_wait3A_88, %dma_wait3A_89] : memref<512x128xf32, #tpu.memory_space<vmem>> -> memref<128x128xf32, #tpu.memory_space<vmem>>
      %dma_wait3A_91 = arith.constant 0 : i32
      %dma_wait3A_92 = tpu.memref_slice %arg5[%dma_wait3A_87, %dma_wait3A_91] : memref<4x128xi32, #tpu.memory_space<vmem>> -> memref<1x128xi32, #tpu.memory_space<vmem>>
      %dma_wait3A_93 = tpu.memref_squeeze %dma_wait3A_92 : memref<1x128xi32, #tpu.memory_space<vmem>> -> memref<128xi32, #tpu.memory_space<vmem>>
      %dma_wait3A_94 = arith.constant 0 : i32
      %dma_wait3A_95 = arith.constant 0 : i32
      %dma_wait3A_96 = tpu.memref_slice %arg2[%dma_wait3A_94, %dma_wait3A_95] : memref<25000x128xf32, #tpu.memory_space<hbm>> -> memref<25000x128xf32, #tpu.memory_space<hbm>>
      tpu.wait_indirect_dma semaphore(%arg7 : memref<!tpu.dma_semaphore, #tpu.memory_space<semaphore_mem>>) src(%dma_wait3A_96 : memref<25000x128xf32, #tpu.memory_space<hbm>>) dst(%dma_wait3A_90 : memref<128x128xf32, #tpu.memory_space<vmem>>)
      %dma_wait3A_97 = arith.constant 3 : i32
      %dma_wait3A_98 = arith.constant 384 : i32
      %dma_wait3A_99 = arith.constant 0 : i32
      %dma_wait3A_100 = tpu.memref_slice %arg6[%dma_wait3A_98, %dma_wait3A_99] : memref<512x128xf32, #tpu.memory_space<vmem>> -> memref<128x128xf32, #tpu.memory_space<vmem>>
      %dma_wait3A_101 = arith.constant 0 : i32
      %dma_wait3A_102 = tpu.memref_slice %arg5[%dma_wait3A_97, %dma_wait3A_101] : memref<4x128xi32, #tpu.memory_space<vmem>> -> memref<1x128xi32, #tpu.memory_space<vmem>>
      %dma_wait3A_103 = tpu.memref_squeeze %dma_wait3A_102 : memref<1x128xi32, #tpu.memory_space<vmem>> -> memref<128xi32, #tpu.memory_space<vmem>>
      %dma_wait3A_104 = arith.constant 0 : i32
      %dma_wait3A_105 = arith.constant 0 : i32
      %dma_wait3A_106 = tpu.memref_slice %arg2[%dma_wait3A_104, %dma_wait3A_105] : memref<25000x128xf32, #tpu.memory_space<hbm>> -> memref<25000x128xf32, #tpu.memory_space<hbm>>
      tpu.wait_indirect_dma semaphore(%arg7 : memref<!tpu.dma_semaphore, #tpu.memory_space<semaphore_mem>>) src(%dma_wait3A_106 : memref<25000x128xf32, #tpu.memory_space<hbm>>) dst(%dma_wait3A_100 : memref<128x128xf32, #tpu.memory_space<vmem>>)
      "tpu.region"() ({
        %run_scoped3A = tpu.sem_alloc : memref<!tpu.dma_semaphore, #tpu.memory_space<semaphore_mem>>
        %dma_start3A_107 = arith.constant 0 : i32
        %dma_start3A_108 = tpu.memref_slice %arg4[%multiple_of3A, %dma_start3A_107] : memref<819200x128xf32, #tpu.memory_space<hbm>> -> memref<512x128xf32, #tpu.memory_space<hbm>>
        %dma_start3A_109 = arith.constant 0 : i32
        %dma_start3A_110 = tpu.memref_slice %arg4[%multiple_of3A, %dma_start3A_109] : memref<819200x128xf32, #tpu.memory_space<hbm>> -> memref<512x128xf32, #tpu.memory_space<hbm>>
        tpu.enqueue_dma source(%arg6 : memref<512x128xf32, #tpu.memory_space<vmem>>) target(%dma_start3A_110 : memref<512x128xf32, #tpu.memory_space<hbm>>) target_semaphore(%run_scoped3A : memref<!tpu.dma_semaphore, #tpu.memory_space<semaphore_mem>>)
        %dma_wait3A_111 = arith.constant 0 : i32
        %dma_wait3A_112 = tpu.memref_slice %arg4[%multiple_of3A, %dma_wait3A_111] : memref<819200x128xf32, #tpu.memory_space<hbm>> -> memref<512x128xf32, #tpu.memory_space<hbm>>
        %dma_wait3A_113 = arith.constant 0 : i32
        %dma_wait3A_114 = tpu.memref_slice %arg4[%multiple_of3A, %dma_wait3A_113] : memref<819200x128xf32, #tpu.memory_space<hbm>> -> memref<512x128xf32, #tpu.memory_space<hbm>>
        tpu.wait_dma2 semaphore(%run_scoped3A : memref<!tpu.dma_semaphore, #tpu.memory_space<semaphore_mem>>) src(%arg6 : memref<512x128xf32, #tpu.memory_space<vmem>>) dst(%dma_wait3A_114 : memref<512x128xf32, #tpu.memory_space<hbm>>)
        tpu.yield
      }) : () -> ()
    }
    %scan3A_7 = arith.constant 50 : i32
    return
  }
}

#map = affine_map<(d0, d1) -> (0, 0)>
#map1 = affine_map<(d0, d1) -> (0, 0, 0)>
module attributes {stable_mosaic.version = 14 : i64} {
  func.func @_scatter_sc_body(%arg0: i32, %arg1: i32, %arg2: memref<819200x128xf32, #tpu.memory_space<hbm>>, %arg3: memref<6400x128xi32, #tpu.memory_space<hbm>>, %arg4: memref<784x128xf32, #tpu.memory_space<hbm>>, %arg5: memref<2x12544x128xf32, #tpu.memory_space<hbm>>, %arg6: memref<1x128xi32, #tpu.memory_space<vmem>>, %arg7: memref<1x128xi32, #tpu.memory_space<vmem>>, %arg8: memref<128x128xf32, #tpu.memory_space<vmem>>, %arg9: memref<12544x128xf32, #tpu.memory_space<vmem_shared>>, %arg10: memref<!tpu.dma_semaphore, #tpu.memory_space<semaphore_mem>>) attributes {dimension_semantics = [#tpu.dimension_semantics<core_parallel>, #tpu.dimension_semantics<subcore_parallel>], iteration_bounds = array<i64: 2, 16>, scalar_prefetch = 0 : i64, scratch_operands = 5 : i64, tpu.core_type = #tpu.core_type<sc_vector_subcore>, window_params = [{transform_indices = #map}, {transform_indices = #map}, {transform_indices = #map}, {transform_indices = #map1}]} {
    %mul3A = arith.constant 12500 : i32
    %mul3A_0 = arith.muli %arg0, %mul3A : i32
    %mul3A_1 = arith.constant 784 : i32
    %mul3A_2 = arith.muli %arg1, %mul3A_1 : i32
    %multiple_of3A = tpu.assume_multiple %mul3A_2, 8 : i32
    "tpu.region"() ({
      %run_scoped3A = tpu.sem_alloc : memref<!tpu.dma_semaphore, #tpu.memory_space<semaphore_mem>>
      %dma_start3A = arith.constant 0 : i32
      %dma_start3A_17 = tpu.memref_slice %arg9[%multiple_of3A, %dma_start3A] : memref<12544x128xf32, #tpu.memory_space<vmem_shared>> -> memref<784x128xf32, #tpu.memory_space<vmem_shared>>
      tpu.enqueue_dma source(%arg4 : memref<784x128xf32, #tpu.memory_space<hbm>>) target(%dma_start3A_17 : memref<784x128xf32, #tpu.memory_space<vmem_shared>>) target_semaphore(%run_scoped3A : memref<!tpu.dma_semaphore, #tpu.memory_space<semaphore_mem>>)
      %dma_wait3A = arith.constant 0 : i32
      %dma_wait3A_18 = tpu.memref_slice %arg9[%multiple_of3A, %dma_wait3A] : memref<12544x128xf32, #tpu.memory_space<vmem_shared>> -> memref<784x128xf32, #tpu.memory_space<vmem_shared>>
      tpu.wait_dma2 semaphore(%run_scoped3A : memref<!tpu.dma_semaphore, #tpu.memory_space<semaphore_mem>>) src(%arg4 : memref<784x128xf32, #tpu.memory_space<hbm>>) dst(%dma_wait3A_18 : memref<784x128xf32, #tpu.memory_space<vmem_shared>>)
      tpu.yield
    }) : () -> ()
    %barrier3A = arith.constant 0 : index
    tpu.barrier barrier_id(%barrier3A)
    %mul3A_3 = arith.constant 51200 : i32
    %mul3A_4 = arith.muli %arg1, %mul3A_3 : i32
    %scan3A = arith.constant 0 : i32
    %scan3A_5 = arith.constant 0 : i32
    %scan3A_6 = arith.constant 400 : i32
    %scan3A_7 = arith.addi %scan3A_5, %scan3A_6 : i32
    %scan3A_8 = arith.constant 1 : i32
    scf.for %scan3A_17 = %scan3A_5 to %scan3A_7 step %scan3A_8  : i32 {
      %mul3A_18 = arith.constant 128 : i32
      %mul3A_19 = arith.muli %scan3A_17, %mul3A_18 : i32
      %add3A = arith.addi %mul3A_4, %mul3A_19 : i32
      %multiple_of3A_20 = tpu.assume_multiple %add3A, 128 : i32
      %jit3A = arith.constant 128 : i32
      %div3A = arith.divsi %multiple_of3A_20, %jit3A : i32
      %sign3A = arith.constant 0 : i32
      %sign3A_21 = arith.cmpi sgt, %multiple_of3A_20, %sign3A : i32
      %sign3A_22 = arith.extui %sign3A_21 : i1 to i32
      %sign3A_23 = arith.constant 0 : i32
      %sign3A_24 = arith.cmpi slt, %multiple_of3A_20, %sign3A_23 : i32
      %sign3A_25 = arith.extui %sign3A_24 : i1 to i32
      %sign3A_26 = arith.subi %sign3A_22, %sign3A_25 : i32
      %sign3A_27 = arith.constant 0 : i32
      %sign3A_28 = arith.cmpi sgt, %jit3A, %sign3A_27 : i32
      %sign3A_29 = arith.extui %sign3A_28 : i1 to i32
      %sign3A_30 = arith.constant 0 : i32
      %sign3A_31 = arith.cmpi slt, %jit3A, %sign3A_30 : i32
      %sign3A_32 = arith.extui %sign3A_31 : i1 to i32
      %sign3A_33 = arith.subi %sign3A_29, %sign3A_32 : i32
      %ne3A = arith.cmpi ne, %sign3A_26, %sign3A_33 : i32
      %rem3A = arith.remsi %multiple_of3A_20, %jit3A : i32
      %ne3A_34 = arith.constant 0 : i32
      %ne3A_35 = arith.cmpi ne, %rem3A, %ne3A_34 : i32
      %and3A = arith.andi %ne3A, %ne3A_35 : i1
      %sub3A = arith.constant 1 : i32
      %sub3A_36 = arith.subi %div3A, %sub3A : i32
      %select_n3A = arith.select %and3A, %sub3A_36, %div3A : i32
      "tpu.region"() ({
        %run_scoped3A_216 = tpu.sem_alloc : memref<!tpu.dma_semaphore, #tpu.memory_space<semaphore_mem>>
        %dma_start3A = arith.constant 0 : i32
        %dma_start3A_217 = tpu.memref_slice %arg3[%select_n3A, %dma_start3A] : memref<6400x128xi32, #tpu.memory_space<hbm>> -> memref<1x128xi32, #tpu.memory_space<hbm>>
        %dma_start3A_218 = arith.constant 0 : i32
        %dma_start3A_219 = tpu.memref_slice %arg3[%select_n3A, %dma_start3A_218] : memref<6400x128xi32, #tpu.memory_space<hbm>> -> memref<1x128xi32, #tpu.memory_space<hbm>>
        tpu.enqueue_dma source(%dma_start3A_219 : memref<1x128xi32, #tpu.memory_space<hbm>>) target(%arg6 : memref<1x128xi32, #tpu.memory_space<vmem>>) target_semaphore(%run_scoped3A_216 : memref<!tpu.dma_semaphore, #tpu.memory_space<semaphore_mem>>)
        %dma_wait3A = arith.constant 0 : i32
        %dma_wait3A_220 = tpu.memref_slice %arg3[%select_n3A, %dma_wait3A] : memref<6400x128xi32, #tpu.memory_space<hbm>> -> memref<1x128xi32, #tpu.memory_space<hbm>>
        %dma_wait3A_221 = arith.constant 0 : i32
        %dma_wait3A_222 = tpu.memref_slice %arg3[%select_n3A, %dma_wait3A_221] : memref<6400x128xi32, #tpu.memory_space<hbm>> -> memref<1x128xi32, #tpu.memory_space<hbm>>
        tpu.wait_dma2 semaphore(%run_scoped3A_216 : memref<!tpu.dma_semaphore, #tpu.memory_space<semaphore_mem>>) src(%dma_wait3A_222 : memref<1x128xi32, #tpu.memory_space<hbm>>) dst(%arg6 : memref<1x128xi32, #tpu.memory_space<vmem>>)
        tpu.yield
      }) : () -> ()
      %get3A = arith.constant 0 : i32
      %get3A_37 = arith.index_cast %get3A : i32 to index
      %get3A_38 = arith.constant 0 : index
      %get3A_39 = tpu.vector_load %arg6[%get3A_37, %get3A_38] {strides = array<i32>} : memref<1x128xi32, #tpu.memory_space<vmem>>, vector<1x16xi32>,
      %get3A_40 = vector.shape_cast %get3A_39 : vector<1x16xi32> to vector<16xi32>
      %sub3A_41 = vector.broadcast %mul3A_0 : i32 to vector<16xi32>
      %sub3A_42 = arith.subi %get3A_40, %sub3A_41 : vector<16xi32>
      %ge3A = arith.constant 0 : i32
      %ge3A_43 = vector.broadcast %ge3A : i32 to vector<16xi32>
      %ge3A_44 = arith.cmpi sge, %sub3A_42, %ge3A_43 : vector<16xi32>
      %lt3A = arith.constant 12500 : i32
      %lt3A_45 = vector.broadcast %lt3A : i32 to vector<16xi32>
      %lt3A_46 = arith.cmpi slt, %sub3A_42, %lt3A_45 : vector<16xi32>
      %and3A_47 = arith.andi %ge3A_44, %lt3A_46 : vector<16xi1>
      %jit3A_48 = arith.constant 12500 : i32
      %broadcast_in_dim3A = vector.broadcast %jit3A_48 : i32 to vector<16xi32>
      %select_n3A_49 = arith.select %and3A_47, %sub3A_42, %broadcast_in_dim3A : vector<16xi1>, vector<16xi32>
      %swap3A = arith.constant 0 : i32
      %swap3A_50 = arith.index_cast %swap3A : i32 to index
      %swap3A_51 = arith.constant 0 : index
      %swap3A_52 = tpu.vector_load %arg7[%swap3A_50, %swap3A_51] {strides = array<i32>} : memref<1x128xi32, #tpu.memory_space<vmem>>, vector<1x16xi32>,
      %swap3A_53 = vector.shape_cast %swap3A_52 : vector<1x16xi32> to vector<16xi32>
      %swap3A_54 = vector.shape_cast %select_n3A_49 : vector<16xi32> to vector<1x16xi32>
      tpu.vector_store %arg7[%swap3A_50, %swap3A_51], %swap3A_54 {strides = array<i32>} : memref<1x128xi32, #tpu.memory_space<vmem>>, vector<1x16xi32>,
      %get3A_55 = arith.constant 0 : i32
      %get3A_56 = arith.index_cast %get3A_55 : i32 to index
      %get3A_57 = arith.constant 16 : index
      %get3A_58 = tpu.vector_load %arg6[%get3A_56, %get3A_57] {strides = array<i32>} : memref<1x128xi32, #tpu.memory_space<vmem>>, vector<1x16xi32>,
      %get3A_59 = vector.shape_cast %get3A_58 : vector<1x16xi32> to vector<16xi32>
      %sub3A_60 = vector.broadcast %mul3A_0 : i32 to vector<16xi32>
      %sub3A_61 = arith.subi %get3A_59, %sub3A_60 : vector<16xi32>
      %ge3A_62 = arith.constant 0 : i32
      %ge3A_63 = vector.broadcast %ge3A_62 : i32 to vector<16xi32>
      %ge3A_64 = arith.cmpi sge, %sub3A_61, %ge3A_63 : vector<16xi32>
      %lt3A_65 = arith.constant 12500 : i32
      %lt3A_66 = vector.broadcast %lt3A_65 : i32 to vector<16xi32>
      %lt3A_67 = arith.cmpi slt, %sub3A_61, %lt3A_66 : vector<16xi32>
      %and3A_68 = arith.andi %ge3A_64, %lt3A_67 : vector<16xi1>
      %jit3A_69 = arith.constant 12500 : i32
      %broadcast_in_dim3A_70 = vector.broadcast %jit3A_69 : i32 to vector<16xi32>
      %select_n3A_71 = arith.select %and3A_68, %sub3A_61, %broadcast_in_dim3A_70 : vector<16xi1>, vector<16xi32>
      %swap3A_72 = arith.constant 0 : i32
      %swap3A_73 = arith.index_cast %swap3A_72 : i32 to index
      %swap3A_74 = arith.constant 16 : index
      %swap3A_75 = tpu.vector_load %arg7[%swap3A_73, %swap3A_74] {strides = array<i32>} : memref<1x128xi32, #tpu.memory_space<vmem>>, vector<1x16xi32>,
      %swap3A_76 = vector.shape_cast %swap3A_75 : vector<1x16xi32> to vector<16xi32>
      %swap3A_77 = vector.shape_cast %select_n3A_71 : vector<16xi32> to vector<1x16xi32>
      tpu.vector_store %arg7[%swap3A_73, %swap3A_74], %swap3A_77 {strides = array<i32>} : memref<1x128xi32, #tpu.memory_space<vmem>>, vector<1x16xi32>,
      %get3A_78 = arith.constant 0 : i32
      %get3A_79 = arith.index_cast %get3A_78 : i32 to index
      %get3A_80 = arith.constant 32 : index
      %get3A_81 = tpu.vector_load %arg6[%get3A_79, %get3A_80] {strides = array<i32>} : memref<1x128xi32, #tpu.memory_space<vmem>>, vector<1x16xi32>,
      %get3A_82 = vector.shape_cast %get3A_81 : vector<1x16xi32> to vector<16xi32>
      %sub3A_83 = vector.broadcast %mul3A_0 : i32 to vector<16xi32>
      %sub3A_84 = arith.subi %get3A_82, %sub3A_83 : vector<16xi32>
      %ge3A_85 = arith.constant 0 : i32
      %ge3A_86 = vector.broadcast %ge3A_85 : i32 to vector<16xi32>
      %ge3A_87 = arith.cmpi sge, %sub3A_84, %ge3A_86 : vector<16xi32>
      %lt3A_88 = arith.constant 12500 : i32
      %lt3A_89 = vector.broadcast %lt3A_88 : i32 to vector<16xi32>
      %lt3A_90 = arith.cmpi slt, %sub3A_84, %lt3A_89 : vector<16xi32>
      %and3A_91 = arith.andi %ge3A_87, %lt3A_90 : vector<16xi1>
      %jit3A_92 = arith.constant 12500 : i32
      %broadcast_in_dim3A_93 = vector.broadcast %jit3A_92 : i32 to vector<16xi32>
      %select_n3A_94 = arith.select %and3A_91, %sub3A_84, %broadcast_in_dim3A_93 : vector<16xi1>, vector<16xi32>
      %swap3A_95 = arith.constant 0 : i32
      %swap3A_96 = arith.index_cast %swap3A_95 : i32 to index
      %swap3A_97 = arith.constant 32 : index
      %swap3A_98 = tpu.vector_load %arg7[%swap3A_96, %swap3A_97] {strides = array<i32>} : memref<1x128xi32, #tpu.memory_space<vmem>>, vector<1x16xi32>,
      %swap3A_99 = vector.shape_cast %swap3A_98 : vector<1x16xi32> to vector<16xi32>
      %swap3A_100 = vector.shape_cast %select_n3A_94 : vector<16xi32> to vector<1x16xi32>
      tpu.vector_store %arg7[%swap3A_96, %swap3A_97], %swap3A_100 {strides = array<i32>} : memref<1x128xi32, #tpu.memory_space<vmem>>, vector<1x16xi32>,
      %get3A_101 = arith.constant 0 : i32
      %get3A_102 = arith.index_cast %get3A_101 : i32 to index
      %get3A_103 = arith.constant 48 : index
      %get3A_104 = tpu.vector_load %arg6[%get3A_102, %get3A_103] {strides = array<i32>} : memref<1x128xi32, #tpu.memory_space<vmem>>, vector<1x16xi32>,
      %get3A_105 = vector.shape_cast %get3A_104 : vector<1x16xi32> to vector<16xi32>
      %sub3A_106 = vector.broadcast %mul3A_0 : i32 to vector<16xi32>
      %sub3A_107 = arith.subi %get3A_105, %sub3A_106 : vector<16xi32>
      %ge3A_108 = arith.constant 0 : i32
      %ge3A_109 = vector.broadcast %ge3A_108 : i32 to vector<16xi32>
      %ge3A_110 = arith.cmpi sge, %sub3A_107, %ge3A_109 : vector<16xi32>
      %lt3A_111 = arith.constant 12500 : i32
      %lt3A_112 = vector.broadcast %lt3A_111 : i32 to vector<16xi32>
      %lt3A_113 = arith.cmpi slt, %sub3A_107, %lt3A_112 : vector<16xi32>
      %and3A_114 = arith.andi %ge3A_110, %lt3A_113 : vector<16xi1>
      %jit3A_115 = arith.constant 12500 : i32
      %broadcast_in_dim3A_116 = vector.broadcast %jit3A_115 : i32 to vector<16xi32>
      %select_n3A_117 = arith.select %and3A_114, %sub3A_107, %broadcast_in_dim3A_116 : vector<16xi1>, vector<16xi32>
      %swap3A_118 = arith.constant 0 : i32
      %swap3A_119 = arith.index_cast %swap3A_118 : i32 to index
      %swap3A_120 = arith.constant 48 : index
      %swap3A_121 = tpu.vector_load %arg7[%swap3A_119, %swap3A_120] {strides = array<i32>} : memref<1x128xi32, #tpu.memory_space<vmem>>, vector<1x16xi32>,
      %swap3A_122 = vector.shape_cast %swap3A_121 : vector<1x16xi32> to vector<16xi32>
      %swap3A_123 = vector.shape_cast %select_n3A_117 : vector<16xi32> to vector<1x16xi32>
      tpu.vector_store %arg7[%swap3A_119, %swap3A_120], %swap3A_123 {strides = array<i32>} : memref<1x128xi32, #tpu.memory_space<vmem>>, vector<1x16xi32>,
      %get3A_124 = arith.constant 0 : i32
      %get3A_125 = arith.index_cast %get3A_124 : i32 to index
      %get3A_126 = arith.constant 64 : index
      %get3A_127 = tpu.vector_load %arg6[%get3A_125, %get3A_126] {strides = array<i32>} : memref<1x128xi32, #tpu.memory_space<vmem>>, vector<1x16xi32>,
      %get3A_128 = vector.shape_cast %get3A_127 : vector<1x16xi32> to vector<16xi32>
      %sub3A_129 = vector.broadcast %mul3A_0 : i32 to vector<16xi32>
      %sub3A_130 = arith.subi %get3A_128, %sub3A_129 : vector<16xi32>
      %ge3A_131 = arith.constant 0 : i32
      %ge3A_132 = vector.broadcast %ge3A_131 : i32 to vector<16xi32>
      %ge3A_133 = arith.cmpi sge, %sub3A_130, %ge3A_132 : vector<16xi32>
      %lt3A_134 = arith.constant 12500 : i32
      %lt3A_135 = vector.broadcast %lt3A_134 : i32 to vector<16xi32>
      %lt3A_136 = arith.cmpi slt, %sub3A_130, %lt3A_135 : vector<16xi32>
      %and3A_137 = arith.andi %ge3A_133, %lt3A_136 : vector<16xi1>
      %jit3A_138 = arith.constant 12500 : i32
      %broadcast_in_dim3A_139 = vector.broadcast %jit3A_138 : i32 to vector<16xi32>
      %select_n3A_140 = arith.select %and3A_137, %sub3A_130, %broadcast_in_dim3A_139 : vector<16xi1>, vector<16xi32>
      %swap3A_141 = arith.constant 0 : i32
      %swap3A_142 = arith.index_cast %swap3A_141 : i32 to index
      %swap3A_143 = arith.constant 64 : index
      %swap3A_144 = tpu.vector_load %arg7[%swap3A_142, %swap3A_143] {strides = array<i32>} : memref<1x128xi32, #tpu.memory_space<vmem>>, vector<1x16xi32>,
      %swap3A_145 = vector.shape_cast %swap3A_144 : vector<1x16xi32> to vector<16xi32>
      %swap3A_146 = vector.shape_cast %select_n3A_140 : vector<16xi32> to vector<1x16xi32>
      tpu.vector_store %arg7[%swap3A_142, %swap3A_143], %swap3A_146 {strides = array<i32>} : memref<1x128xi32, #tpu.memory_space<vmem>>, vector<1x16xi32>,
      %get3A_147 = arith.constant 0 : i32
      %get3A_148 = arith.index_cast %get3A_147 : i32 to index
      %get3A_149 = arith.constant 80 : index
      %get3A_150 = tpu.vector_load %arg6[%get3A_148, %get3A_149] {strides = array<i32>} : memref<1x128xi32, #tpu.memory_space<vmem>>, vector<1x16xi32>,
      %get3A_151 = vector.shape_cast %get3A_150 : vector<1x16xi32> to vector<16xi32>
      %sub3A_152 = vector.broadcast %mul3A_0 : i32 to vector<16xi32>
      %sub3A_153 = arith.subi %get3A_151, %sub3A_152 : vector<16xi32>
      %ge3A_154 = arith.constant 0 : i32
      %ge3A_155 = vector.broadcast %ge3A_154 : i32 to vector<16xi32>
      %ge3A_156 = arith.cmpi sge, %sub3A_153, %ge3A_155 : vector<16xi32>
      %lt3A_157 = arith.constant 12500 : i32
      %lt3A_158 = vector.broadcast %lt3A_157 : i32 to vector<16xi32>
      %lt3A_159 = arith.cmpi slt, %sub3A_153, %lt3A_158 : vector<16xi32>
      %and3A_160 = arith.andi %ge3A_156, %lt3A_159 : vector<16xi1>
      %jit3A_161 = arith.constant 12500 : i32
      %broadcast_in_dim3A_162 = vector.broadcast %jit3A_161 : i32 to vector<16xi32>
      %select_n3A_163 = arith.select %and3A_160, %sub3A_153, %broadcast_in_dim3A_162 : vector<16xi1>, vector<16xi32>
      %swap3A_164 = arith.constant 0 : i32
      %swap3A_165 = arith.index_cast %swap3A_164 : i32 to index
      %swap3A_166 = arith.constant 80 : index
      %swap3A_167 = tpu.vector_load %arg7[%swap3A_165, %swap3A_166] {strides = array<i32>} : memref<1x128xi32, #tpu.memory_space<vmem>>, vector<1x16xi32>,
      %swap3A_168 = vector.shape_cast %swap3A_167 : vector<1x16xi32> to vector<16xi32>
      %swap3A_169 = vector.shape_cast %select_n3A_163 : vector<16xi32> to vector<1x16xi32>
      tpu.vector_store %arg7[%swap3A_165, %swap3A_166], %swap3A_169 {strides = array<i32>} : memref<1x128xi32, #tpu.memory_space<vmem>>, vector<1x16xi32>,
      %get3A_170 = arith.constant 0 : i32
      %get3A_171 = arith.index_cast %get3A_170 : i32 to index
      %get3A_172 = arith.constant 96 : index
      %get3A_173 = tpu.vector_load %arg6[%get3A_171, %get3A_172] {strides = array<i32>} : memref<1x128xi32, #tpu.memory_space<vmem>>, vector<1x16xi32>,
      %get3A_174 = vector.shape_cast %get3A_173 : vector<1x16xi32> to vector<16xi32>
      %sub3A_175 = vector.broadcast %mul3A_0 : i32 to vector<16xi32>
      %sub3A_176 = arith.subi %get3A_174, %sub3A_175 : vector<16xi32>
      %ge3A_177 = arith.constant 0 : i32
      %ge3A_178 = vector.broadcast %ge3A_177 : i32 to vector<16xi32>
      %ge3A_179 = arith.cmpi sge, %sub3A_176, %ge3A_178 : vector<16xi32>
      %lt3A_180 = arith.constant 12500 : i32
      %lt3A_181 = vector.broadcast %lt3A_180 : i32 to vector<16xi32>
      %lt3A_182 = arith.cmpi slt, %sub3A_176, %lt3A_181 : vector<16xi32>
      %and3A_183 = arith.andi %ge3A_179, %lt3A_182 : vector<16xi1>
      %jit3A_184 = arith.constant 12500 : i32
      %broadcast_in_dim3A_185 = vector.broadcast %jit3A_184 : i32 to vector<16xi32>
      %select_n3A_186 = arith.select %and3A_183, %sub3A_176, %broadcast_in_dim3A_185 : vector<16xi1>, vector<16xi32>
      %swap3A_187 = arith.constant 0 : i32
      %swap3A_188 = arith.index_cast %swap3A_187 : i32 to index
      %swap3A_189 = arith.constant 96 : index
      %swap3A_190 = tpu.vector_load %arg7[%swap3A_188, %swap3A_189] {strides = array<i32>} : memref<1x128xi32, #tpu.memory_space<vmem>>, vector<1x16xi32>,
      %swap3A_191 = vector.shape_cast %swap3A_190 : vector<1x16xi32> to vector<16xi32>
      %swap3A_192 = vector.shape_cast %select_n3A_186 : vector<16xi32> to vector<1x16xi32>
      tpu.vector_store %arg7[%swap3A_188, %swap3A_189], %swap3A_192 {strides = array<i32>} : memref<1x128xi32, #tpu.memory_space<vmem>>, vector<1x16xi32>,
      %get3A_193 = arith.constant 0 : i32
      %get3A_194 = arith.index_cast %get3A_193 : i32 to index
      %get3A_195 = arith.constant 112 : index
      %get3A_196 = tpu.vector_load %arg6[%get3A_194, %get3A_195] {strides = array<i32>} : memref<1x128xi32, #tpu.memory_space<vmem>>, vector<1x16xi32>,
      %get3A_197 = vector.shape_cast %get3A_196 : vector<1x16xi32> to vector<16xi32>
      %sub3A_198 = vector.broadcast %mul3A_0 : i32 to vector<16xi32>
      %sub3A_199 = arith.subi %get3A_197, %sub3A_198 : vector<16xi32>
      %ge3A_200 = arith.constant 0 : i32
      %ge3A_201 = vector.broadcast %ge3A_200 : i32 to vector<16xi32>
      %ge3A_202 = arith.cmpi sge, %sub3A_199, %ge3A_201 : vector<16xi32>
      %lt3A_203 = arith.constant 12500 : i32
      %lt3A_204 = vector.broadcast %lt3A_203 : i32 to vector<16xi32>
      %lt3A_205 = arith.cmpi slt, %sub3A_199, %lt3A_204 : vector<16xi32>
      %and3A_206 = arith.andi %ge3A_202, %lt3A_205 : vector<16xi1>
      %jit3A_207 = arith.constant 12500 : i32
      %broadcast_in_dim3A_208 = vector.broadcast %jit3A_207 : i32 to vector<16xi32>
      %select_n3A_209 = arith.select %and3A_206, %sub3A_199, %broadcast_in_dim3A_208 : vector<16xi1>, vector<16xi32>
      %swap3A_210 = arith.constant 0 : i32
      %swap3A_211 = arith.index_cast %swap3A_210 : i32 to index
      %swap3A_212 = arith.constant 112 : index
      %swap3A_213 = tpu.vector_load %arg7[%swap3A_211, %swap3A_212] {strides = array<i32>} : memref<1x128xi32, #tpu.memory_space<vmem>>, vector<1x16xi32>,
      %swap3A_214 = vector.shape_cast %swap3A_213 : vector<1x16xi32> to vector<16xi32>
      %swap3A_215 = vector.shape_cast %select_n3A_209 : vector<16xi32> to vector<1x16xi32>
      tpu.vector_store %arg7[%swap3A_211, %swap3A_212], %swap3A_215 {strides = array<i32>} : memref<1x128xi32, #tpu.memory_space<vmem>>, vector<1x16xi32>,
      "tpu.region"() ({
        %run_scoped3A_216 = tpu.sem_alloc : memref<!tpu.dma_semaphore, #tpu.memory_space<semaphore_mem>>
        %dma_start3A = arith.constant 0 : i32
        %dma_start3A_217 = tpu.memref_slice %arg2[%multiple_of3A_20, %dma_start3A] : memref<819200x128xf32, #tpu.memory_space<hbm>> -> memref<128x128xf32, #tpu.memory_space<hbm>>
        %dma_start3A_218 = arith.constant 0 : i32
        %dma_start3A_219 = tpu.memref_slice %arg2[%multiple_of3A_20, %dma_start3A_218] : memref<819200x128xf32, #tpu.memory_space<hbm>> -> memref<128x128xf32, #tpu.memory_space<hbm>>
        tpu.enqueue_dma source(%dma_start3A_219 : memref<128x128xf32, #tpu.memory_space<hbm>>) target(%arg8 : memref<128x128xf32, #tpu.memory_space<vmem>>) target_semaphore(%run_scoped3A_216 : memref<!tpu.dma_semaphore, #tpu.memory_space<semaphore_mem>>)
        %dma_wait3A = arith.constant 0 : i32
        %dma_wait3A_220 = tpu.memref_slice %arg2[%multiple_of3A_20, %dma_wait3A] : memref<819200x128xf32, #tpu.memory_space<hbm>> -> memref<128x128xf32, #tpu.memory_space<hbm>>
        %dma_wait3A_221 = arith.constant 0 : i32
        %dma_wait3A_222 = tpu.memref_slice %arg2[%multiple_of3A_20, %dma_wait3A_221] : memref<819200x128xf32, #tpu.memory_space<hbm>> -> memref<128x128xf32, #tpu.memory_space<hbm>>
        tpu.wait_dma2 semaphore(%run_scoped3A_216 : memref<!tpu.dma_semaphore, #tpu.memory_space<semaphore_mem>>) src(%dma_wait3A_222 : memref<128x128xf32, #tpu.memory_space<hbm>>) dst(%arg8 : memref<128x128xf32, #tpu.memory_space<vmem>>)
        tpu.yield
      }) : () -> ()
      %run_scoped3A = arith.constant 0 : i32
      "tpu.region"() ({
        %run_scoped3A_216 = tpu.sem_alloc : memref<!tpu.dma_semaphore, #tpu.memory_space<semaphore_mem>>
        %dma_start3A = arith.constant 0 : i32
        %dma_start3A_217 = tpu.memref_slice %arg7[%run_scoped3A, %dma_start3A] : memref<1x128xi32, #tpu.memory_space<vmem>> -> memref<1x128xi32, #tpu.memory_space<vmem>>
        %dma_start3A_218 = tpu.memref_squeeze %dma_start3A_217 : memref<1x128xi32, #tpu.memory_space<vmem>> -> memref<128xi32, #tpu.memory_space<vmem>>
        %dma_start3A_219 = arith.constant 0 : i32
        %dma_start3A_220 = arith.constant 0 : i32
        %dma_start3A_221 = tpu.memref_slice %arg9[%dma_start3A_219, %dma_start3A_220] : memref<12544x128xf32, #tpu.memory_space<vmem_shared>> -> memref<12544x128xf32, #tpu.memory_space<vmem_shared>>
        tpu.enqueue_indirect_dma source(%arg8 : memref<128x128xf32, #tpu.memory_space<vmem>>) target(%dma_start3A_221 : memref<12544x128xf32, #tpu.memory_space<vmem_shared>>) offsets(%dma_start3A_218 : memref<128xi32, #tpu.memory_space<vmem>>) semaphore(%run_scoped3A_216 : memref<!tpu.dma_semaphore, #tpu.memory_space<semaphore_mem>>) {add = true}
        %dma_wait3A = arith.constant 0 : i32
        %dma_wait3A_222 = tpu.memref_slice %arg7[%run_scoped3A, %dma_wait3A] : memref<1x128xi32, #tpu.memory_space<vmem>> -> memref<1x128xi32, #tpu.memory_space<vmem>>
        %dma_wait3A_223 = tpu.memref_squeeze %dma_wait3A_222 : memref<1x128xi32, #tpu.memory_space<vmem>> -> memref<128xi32, #tpu.memory_space<vmem>>
        %dma_wait3A_224 = arith.constant 0 : i32
        %dma_wait3A_225 = arith.constant 0 : i32
        %dma_wait3A_226 = tpu.memref_slice %arg9[%dma_wait3A_224, %dma_wait3A_225] : memref<12544x128xf32, #tpu.memory_space<vmem_shared>> -> memref<12544x128xf32, #tpu.memory_space<vmem_shared>>
        tpu.wait_indirect_dma semaphore(%run_scoped3A_216 : memref<!tpu.dma_semaphore, #tpu.memory_space<semaphore_mem>>) src(%arg8 : memref<128x128xf32, #tpu.memory_space<vmem>>) dst(%dma_wait3A_226 : memref<12544x128xf32, #tpu.memory_space<vmem_shared>>)
        tpu.yield
      }) : () -> ()
    }
    %scan3A_9 = arith.constant 400 : i32
    %barrier3A_10 = arith.constant 0 : index
    tpu.barrier barrier_id(%barrier3A_10)
    %mul3A_11 = arith.constant 784 : i32
    %mul3A_12 = arith.muli %arg1, %mul3A_11 : i32
    %multiple_of3A_13 = tpu.assume_multiple %mul3A_12, 8 : i32
    %mul3A_14 = arith.constant 784 : i32
    %mul3A_15 = arith.muli %arg1, %mul3A_14 : i32
    %multiple_of3A_16 = tpu.assume_multiple %mul3A_15, 8 : i32
    "tpu.region"() ({
      %run_scoped3A = tpu.sem_alloc : memref<!tpu.dma_semaphore, #tpu.memory_space<semaphore_mem>>
      %dma_start3A = arith.constant 0 : i32
      %dma_start3A_17 = tpu.memref_slice %arg5[%arg0, %multiple_of3A_16, %dma_start3A] : memref<2x12544x128xf32, #tpu.memory_space<hbm>> -> memref<1x784x128xf32, #tpu.memory_space<hbm>>
      %dma_start3A_18 = tpu.memref_squeeze %dma_start3A_17 : memref<1x784x128xf32, #tpu.memory_space<hbm>> -> memref<784x128xf32, #tpu.memory_space<hbm>>
      %dma_start3A_19 = arith.constant 0 : i32
      %dma_start3A_20 = tpu.memref_slice %arg9[%multiple_of3A_13, %dma_start3A_19] : memref<12544x128xf32, #tpu.memory_space<vmem_shared>> -> memref<784x128xf32, #tpu.memory_space<vmem_shared>>
      tpu.enqueue_dma source(%dma_start3A_20 : memref<784x128xf32, #tpu.memory_space<vmem_shared>>) target(%dma_start3A_18 : memref<784x128xf32, #tpu.memory_space<hbm>>) target_semaphore(%run_scoped3A : memref<!tpu.dma_semaphore, #tpu.memory_space<semaphore_mem>>)
      %dma_wait3A = arith.constant 0 : i32
      %dma_wait3A_21 = tpu.memref_slice %arg5[%arg0, %multiple_of3A_16, %dma_wait3A] : memref<2x12544x128xf32, #tpu.memory_space<hbm>> -> memref<1x784x128xf32, #tpu.memory_space<hbm>>
      %dma_wait3A_22 = tpu.memref_squeeze %dma_wait3A_21 : memref<1x784x128xf32, #tpu.memory_space<hbm>> -> memref<784x128xf32, #tpu.memory_space<hbm>>
      %dma_wait3A_23 = arith.constant 0 : i32
      %dma_wait3A_24 = tpu.memref_slice %arg9[%multiple_of3A_13, %dma_wait3A_23] : memref<12544x128xf32, #tpu.memory_space<vmem_shared>> -> memref<784x128xf32, #tpu.memory_space<vmem_shared>>
      tpu.wait_dma2 semaphore(%run_scoped3A : memref<!tpu.dma_semaphore, #tpu.memory_space<semaphore_mem>>) src(%dma_wait3A_24 : memref<784x128xf32, #tpu.memory_space<vmem_shared>>) dst(%dma_wait3A_22 : memref<784x128xf32, #tpu.memory_space<hbm>>)
      tpu.yield
    }) : () -> ()
    return
  }
}

#map = affine_map<(d0, d1) -> (0, 0)>
#map1 = affine_map<(d0, d1) -> (0, 0, 0)>
module attributes {stable_mosaic.version = 14 : i64} {
  func.func @_scatter_sc_body(%arg0: i32, %arg1: i32, %arg2: memref<819200x128xf32, #tpu.memory_space<hbm>>, %arg3: memref<6400x128xi32, #tpu.memory_space<hbm>>, %arg4: memref<784x128xf32, #tpu.memory_space<hbm>>, %arg5: memref<2x12544x128xf32, #tpu.memory_space<hbm>>, %arg6: memref<1x128xi32, #tpu.memory_space<vmem>>, %arg7: memref<1x128xi32, #tpu.memory_space<vmem>>, %arg8: memref<128x128xf32, #tpu.memory_space<vmem>>, %arg9: memref<12544x128xf32, #tpu.memory_space<vmem_shared>>, %arg10: memref<!tpu.dma_semaphore, #tpu.memory_space<semaphore_mem>>) attributes {dimension_semantics = [#tpu.dimension_semantics<core_parallel>, #tpu.dimension_semantics<subcore_parallel>], iteration_bounds = array<i64: 2, 16>, scalar_prefetch = 0 : i64, scratch_operands = 5 : i64, tpu.core_type = #tpu.core_type<sc_vector_subcore>, window_params = [{transform_indices = #map}, {transform_indices = #map}, {transform_indices = #map}, {transform_indices = #map1}]} {
    %mul3A = arith.constant 12500 : i32
    %mul3A_0 = arith.muli %arg0, %mul3A : i32
    %mul3A_1 = arith.constant 784 : i32
    %mul3A_2 = arith.muli %arg1, %mul3A_1 : i32
    %multiple_of3A = tpu.assume_multiple %mul3A_2, 8 : i32
    "tpu.region"() ({
      %run_scoped3A = tpu.sem_alloc : memref<!tpu.dma_semaphore, #tpu.memory_space<semaphore_mem>>
      %dma_start3A = arith.constant 0 : i32
      %dma_start3A_17 = tpu.memref_slice %arg9[%multiple_of3A, %dma_start3A] : memref<12544x128xf32, #tpu.memory_space<vmem_shared>> -> memref<784x128xf32, #tpu.memory_space<vmem_shared>>
      tpu.enqueue_dma source(%arg4 : memref<784x128xf32, #tpu.memory_space<hbm>>) target(%dma_start3A_17 : memref<784x128xf32, #tpu.memory_space<vmem_shared>>) target_semaphore(%run_scoped3A : memref<!tpu.dma_semaphore, #tpu.memory_space<semaphore_mem>>)
      %dma_wait3A = arith.constant 0 : i32
      %dma_wait3A_18 = tpu.memref_slice %arg9[%multiple_of3A, %dma_wait3A] : memref<12544x128xf32, #tpu.memory_space<vmem_shared>> -> memref<784x128xf32, #tpu.memory_space<vmem_shared>>
      tpu.wait_dma2 semaphore(%run_scoped3A : memref<!tpu.dma_semaphore, #tpu.memory_space<semaphore_mem>>) src(%arg4 : memref<784x128xf32, #tpu.memory_space<hbm>>) dst(%dma_wait3A_18 : memref<784x128xf32, #tpu.memory_space<vmem_shared>>)
      tpu.yield
    }) : () -> ()
    %barrier3A = arith.constant 0 : index
    tpu.barrier barrier_id(%barrier3A)
    %mul3A_3 = arith.constant 51200 : i32
    %mul3A_4 = arith.muli %arg1, %mul3A_3 : i32
    %scan3A = arith.constant 0 : i32
    %scan3A_5 = arith.constant 0 : i32
    %scan3A_6 = arith.constant 400 : i32
    %scan3A_7 = arith.addi %scan3A_5, %scan3A_6 : i32
    %scan3A_8 = arith.constant 1 : i32
    scf.for %scan3A_17 = %scan3A_5 to %scan3A_7 step %scan3A_8  : i32 {
      %mul3A_18 = arith.constant 128 : i32
      %mul3A_19 = arith.muli %scan3A_17, %mul3A_18 : i32
      %add3A = arith.addi %mul3A_4, %mul3A_19 : i32
      %multiple_of3A_20 = tpu.assume_multiple %add3A, 128 : i32
      %jit3A = arith.constant 128 : i32
      %div3A = arith.divsi %multiple_of3A_20, %jit3A : i32
      %sign3A = arith.constant 0 : i32
      %sign3A_21 = arith.cmpi sgt, %multiple_of3A_20, %sign3A : i32
      %sign3A_22 = arith.extui %sign3A_21 : i1 to i32
      %sign3A_23 = arith.constant 0 : i32
      %sign3A_24 = arith.cmpi slt, %multiple_of3A_20, %sign3A_23 : i32
      %sign3A_25 = arith.extui %sign3A_24 : i1 to i32
      %sign3A_26 = arith.subi %sign3A_22, %sign3A_25 : i32
      %sign3A_27 = arith.constant 0 : i32
      %sign3A_28 = arith.cmpi sgt, %jit3A, %sign3A_27 : i32
      %sign3A_29 = arith.extui %sign3A_28 : i1 to i32
      %sign3A_30 = arith.constant 0 : i32
      %sign3A_31 = arith.cmpi slt, %jit3A, %sign3A_30 : i32
      %sign3A_32 = arith.extui %sign3A_31 : i1 to i32
      %sign3A_33 = arith.subi %sign3A_29, %sign3A_32 : i32
      %ne3A = arith.cmpi ne, %sign3A_26, %sign3A_33 : i32
      %rem3A = arith.remsi %multiple_of3A_20, %jit3A : i32
      %ne3A_34 = arith.constant 0 : i32
      %ne3A_35 = arith.cmpi ne, %rem3A, %ne3A_34 : i32
      %and3A = arith.andi %ne3A, %ne3A_35 : i1
      %sub3A = arith.constant 1 : i32
      %sub3A_36 = arith.subi %div3A, %sub3A : i32
      %select_n3A = arith.select %and3A, %sub3A_36, %div3A : i32
      "tpu.region"() ({
        %run_scoped3A_216 = tpu.sem_alloc : memref<!tpu.dma_semaphore, #tpu.memory_space<semaphore_mem>>
        %dma_start3A = arith.constant 0 : i32
        %dma_start3A_217 = tpu.memref_slice %arg3[%select_n3A, %dma_start3A] : memref<6400x128xi32, #tpu.memory_space<hbm>> -> memref<1x128xi32, #tpu.memory_space<hbm>>
        %dma_start3A_218 = arith.constant 0 : i32
        %dma_start3A_219 = tpu.memref_slice %arg3[%select_n3A, %dma_start3A_218] : memref<6400x128xi32, #tpu.memory_space<hbm>> -> memref<1x128xi32, #tpu.memory_space<hbm>>
        tpu.enqueue_dma source(%dma_start3A_219 : memref<1x128xi32, #tpu.memory_space<hbm>>) target(%arg6 : memref<1x128xi32, #tpu.memory_space<vmem>>) target_semaphore(%run_scoped3A_216 : memref<!tpu.dma_semaphore, #tpu.memory_space<semaphore_mem>>)
        %dma_wait3A = arith.constant 0 : i32
        %dma_wait3A_220 = tpu.memref_slice %arg3[%select_n3A, %dma_wait3A] : memref<6400x128xi32, #tpu.memory_space<hbm>> -> memref<1x128xi32, #tpu.memory_space<hbm>>
        %dma_wait3A_221 = arith.constant 0 : i32
        %dma_wait3A_222 = tpu.memref_slice %arg3[%select_n3A, %dma_wait3A_221] : memref<6400x128xi32, #tpu.memory_space<hbm>> -> memref<1x128xi32, #tpu.memory_space<hbm>>
        tpu.wait_dma2 semaphore(%run_scoped3A_216 : memref<!tpu.dma_semaphore, #tpu.memory_space<semaphore_mem>>) src(%dma_wait3A_222 : memref<1x128xi32, #tpu.memory_space<hbm>>) dst(%arg6 : memref<1x128xi32, #tpu.memory_space<vmem>>)
        tpu.yield
      }) : () -> ()
      %get3A = arith.constant 0 : i32
      %get3A_37 = arith.index_cast %get3A : i32 to index
      %get3A_38 = arith.constant 0 : index
      %get3A_39 = tpu.vector_load %arg6[%get3A_37, %get3A_38] {strides = array<i32>} : memref<1x128xi32, #tpu.memory_space<vmem>>, vector<1x16xi32>,
      %get3A_40 = vector.shape_cast %get3A_39 : vector<1x16xi32> to vector<16xi32>
      %sub3A_41 = vector.broadcast %mul3A_0 : i32 to vector<16xi32>
      %sub3A_42 = arith.subi %get3A_40, %sub3A_41 : vector<16xi32>
      %ge3A = arith.constant 0 : i32
      %ge3A_43 = vector.broadcast %ge3A : i32 to vector<16xi32>
      %ge3A_44 = arith.cmpi sge, %sub3A_42, %ge3A_43 : vector<16xi32>
      %lt3A = arith.constant 12500 : i32
      %lt3A_45 = vector.broadcast %lt3A : i32 to vector<16xi32>
      %lt3A_46 = arith.cmpi slt, %sub3A_42, %lt3A_45 : vector<16xi32>
      %and3A_47 = arith.andi %ge3A_44, %lt3A_46 : vector<16xi1>
      %jit3A_48 = arith.constant 12500 : i32
      %broadcast_in_dim3A = vector.broadcast %jit3A_48 : i32 to vector<16xi32>
      %select_n3A_49 = arith.select %and3A_47, %sub3A_42, %broadcast_in_dim3A : vector<16xi1>, vector<16xi32>
      %swap3A = arith.constant 0 : i32
      %swap3A_50 = arith.index_cast %swap3A : i32 to index
      %swap3A_51 = arith.constant 0 : index
      %swap3A_52 = tpu.vector_load %arg7[%swap3A_50, %swap3A_51] {strides = array<i32>} : memref<1x128xi32, #tpu.memory_space<vmem>>, vector<1x16xi32>,
      %swap3A_53 = vector.shape_cast %swap3A_52 : vector<1x16xi32> to vector<16xi32>
      %swap3A_54 = vector.shape_cast %select_n3A_49 : vector<16xi32> to vector<1x16xi32>
      tpu.vector_store %arg7[%swap3A_50, %swap3A_51], %swap3A_54 {strides = array<i32>} : memref<1x128xi32, #tpu.memory_space<vmem>>, vector<1x16xi32>,
      %get3A_55 = arith.constant 0 : i32
      %get3A_56 = arith.index_cast %get3A_55 : i32 to index
      %get3A_57 = arith.constant 16 : index
      %get3A_58 = tpu.vector_load %arg6[%get3A_56, %get3A_57] {strides = array<i32>} : memref<1x128xi32, #tpu.memory_space<vmem>>, vector<1x16xi32>,
      %get3A_59 = vector.shape_cast %get3A_58 : vector<1x16xi32> to vector<16xi32>
      %sub3A_60 = vector.broadcast %mul3A_0 : i32 to vector<16xi32>
      %sub3A_61 = arith.subi %get3A_59, %sub3A_60 : vector<16xi32>
      %ge3A_62 = arith.constant 0 : i32
      %ge3A_63 = vector.broadcast %ge3A_62 : i32 to vector<16xi32>
      %ge3A_64 = arith.cmpi sge, %sub3A_61, %ge3A_63 : vector<16xi32>
      %lt3A_65 = arith.constant 12500 : i32
      %lt3A_66 = vector.broadcast %lt3A_65 : i32 to vector<16xi32>
      %lt3A_67 = arith.cmpi slt, %sub3A_61, %lt3A_66 : vector<16xi32>
      %and3A_68 = arith.andi %ge3A_64, %lt3A_67 : vector<16xi1>
      %jit3A_69 = arith.constant 12500 : i32
      %broadcast_in_dim3A_70 = vector.broadcast %jit3A_69 : i32 to vector<16xi32>
      %select_n3A_71 = arith.select %and3A_68, %sub3A_61, %broadcast_in_dim3A_70 : vector<16xi1>, vector<16xi32>
      %swap3A_72 = arith.constant 0 : i32
      %swap3A_73 = arith.index_cast %swap3A_72 : i32 to index
      %swap3A_74 = arith.constant 16 : index
      %swap3A_75 = tpu.vector_load %arg7[%swap3A_73, %swap3A_74] {strides = array<i32>} : memref<1x128xi32, #tpu.memory_space<vmem>>, vector<1x16xi32>,
      %swap3A_76 = vector.shape_cast %swap3A_75 : vector<1x16xi32> to vector<16xi32>
      %swap3A_77 = vector.shape_cast %select_n3A_71 : vector<16xi32> to vector<1x16xi32>
      tpu.vector_store %arg7[%swap3A_73, %swap3A_74], %swap3A_77 {strides = array<i32>} : memref<1x128xi32, #tpu.memory_space<vmem>>, vector<1x16xi32>,
      %get3A_78 = arith.constant 0 : i32
      %get3A_79 = arith.index_cast %get3A_78 : i32 to index
      %get3A_80 = arith.constant 32 : index
      %get3A_81 = tpu.vector_load %arg6[%get3A_79, %get3A_80] {strides = array<i32>} : memref<1x128xi32, #tpu.memory_space<vmem>>, vector<1x16xi32>,
      %get3A_82 = vector.shape_cast %get3A_81 : vector<1x16xi32> to vector<16xi32>
      %sub3A_83 = vector.broadcast %mul3A_0 : i32 to vector<16xi32>
      %sub3A_84 = arith.subi %get3A_82, %sub3A_83 : vector<16xi32>
      %ge3A_85 = arith.constant 0 : i32
      %ge3A_86 = vector.broadcast %ge3A_85 : i32 to vector<16xi32>
      %ge3A_87 = arith.cmpi sge, %sub3A_84, %ge3A_86 : vector<16xi32>
      %lt3A_88 = arith.constant 12500 : i32
      %lt3A_89 = vector.broadcast %lt3A_88 : i32 to vector<16xi32>
      %lt3A_90 = arith.cmpi slt, %sub3A_84, %lt3A_89 : vector<16xi32>
      %and3A_91 = arith.andi %ge3A_87, %lt3A_90 : vector<16xi1>
      %jit3A_92 = arith.constant 12500 : i32
      %broadcast_in_dim3A_93 = vector.broadcast %jit3A_92 : i32 to vector<16xi32>
      %select_n3A_94 = arith.select %and3A_91, %sub3A_84, %broadcast_in_dim3A_93 : vector<16xi1>, vector<16xi32>
      %swap3A_95 = arith.constant 0 : i32
      %swap3A_96 = arith.index_cast %swap3A_95 : i32 to index
      %swap3A_97 = arith.constant 32 : index
      %swap3A_98 = tpu.vector_load %arg7[%swap3A_96, %swap3A_97] {strides = array<i32>} : memref<1x128xi32, #tpu.memory_space<vmem>>, vector<1x16xi32>,
      %swap3A_99 = vector.shape_cast %swap3A_98 : vector<1x16xi32> to vector<16xi32>
      %swap3A_100 = vector.shape_cast %select_n3A_94 : vector<16xi32> to vector<1x16xi32>
      tpu.vector_store %arg7[%swap3A_96, %swap3A_97], %swap3A_100 {strides = array<i32>} : memref<1x128xi32, #tpu.memory_space<vmem>>, vector<1x16xi32>,
      %get3A_101 = arith.constant 0 : i32
      %get3A_102 = arith.index_cast %get3A_101 : i32 to index
      %get3A_103 = arith.constant 48 : index
      %get3A_104 = tpu.vector_load %arg6[%get3A_102, %get3A_103] {strides = array<i32>} : memref<1x128xi32, #tpu.memory_space<vmem>>, vector<1x16xi32>,
      %get3A_105 = vector.shape_cast %get3A_104 : vector<1x16xi32> to vector<16xi32>
      %sub3A_106 = vector.broadcast %mul3A_0 : i32 to vector<16xi32>
      %sub3A_107 = arith.subi %get3A_105, %sub3A_106 : vector<16xi32>
      %ge3A_108 = arith.constant 0 : i32
      %ge3A_109 = vector.broadcast %ge3A_108 : i32 to vector<16xi32>
      %ge3A_110 = arith.cmpi sge, %sub3A_107, %ge3A_109 : vector<16xi32>
      %lt3A_111 = arith.constant 12500 : i32
      %lt3A_112 = vector.broadcast %lt3A_111 : i32 to vector<16xi32>
      %lt3A_113 = arith.cmpi slt, %sub3A_107, %lt3A_112 : vector<16xi32>
      %and3A_114 = arith.andi %ge3A_110, %lt3A_113 : vector<16xi1>
      %jit3A_115 = arith.constant 12500 : i32
      %broadcast_in_dim3A_116 = vector.broadcast %jit3A_115 : i32 to vector<16xi32>
      %select_n3A_117 = arith.select %and3A_114, %sub3A_107, %broadcast_in_dim3A_116 : vector<16xi1>, vector<16xi32>
      %swap3A_118 = arith.constant 0 : i32
      %swap3A_119 = arith.index_cast %swap3A_118 : i32 to index
      %swap3A_120 = arith.constant 48 : index
      %swap3A_121 = tpu.vector_load %arg7[%swap3A_119, %swap3A_120] {strides = array<i32>} : memref<1x128xi32, #tpu.memory_space<vmem>>, vector<1x16xi32>,
      %swap3A_122 = vector.shape_cast %swap3A_121 : vector<1x16xi32> to vector<16xi32>
      %swap3A_123 = vector.shape_cast %select_n3A_117 : vector<16xi32> to vector<1x16xi32>
      tpu.vector_store %arg7[%swap3A_119, %swap3A_120], %swap3A_123 {strides = array<i32>} : memref<1x128xi32, #tpu.memory_space<vmem>>, vector<1x16xi32>,
      %get3A_124 = arith.constant 0 : i32
      %get3A_125 = arith.index_cast %get3A_124 : i32 to index
      %get3A_126 = arith.constant 64 : index
      %get3A_127 = tpu.vector_load %arg6[%get3A_125, %get3A_126] {strides = array<i32>} : memref<1x128xi32, #tpu.memory_space<vmem>>, vector<1x16xi32>,
      %get3A_128 = vector.shape_cast %get3A_127 : vector<1x16xi32> to vector<16xi32>
      %sub3A_129 = vector.broadcast %mul3A_0 : i32 to vector<16xi32>
      %sub3A_130 = arith.subi %get3A_128, %sub3A_129 : vector<16xi32>
      %ge3A_131 = arith.constant 0 : i32
      %ge3A_132 = vector.broadcast %ge3A_131 : i32 to vector<16xi32>
      %ge3A_133 = arith.cmpi sge, %sub3A_130, %ge3A_132 : vector<16xi32>
      %lt3A_134 = arith.constant 12500 : i32
      %lt3A_135 = vector.broadcast %lt3A_134 : i32 to vector<16xi32>
      %lt3A_136 = arith.cmpi slt, %sub3A_130, %lt3A_135 : vector<16xi32>
      %and3A_137 = arith.andi %ge3A_133, %lt3A_136 : vector<16xi1>
      %jit3A_138 = arith.constant 12500 : i32
      %broadcast_in_dim3A_139 = vector.broadcast %jit3A_138 : i32 to vector<16xi32>
      %select_n3A_140 = arith.select %and3A_137, %sub3A_130, %broadcast_in_dim3A_139 : vector<16xi1>, vector<16xi32>
      %swap3A_141 = arith.constant 0 : i32
      %swap3A_142 = arith.index_cast %swap3A_141 : i32 to index
      %swap3A_143 = arith.constant 64 : index
      %swap3A_144 = tpu.vector_load %arg7[%swap3A_142, %swap3A_143] {strides = array<i32>} : memref<1x128xi32, #tpu.memory_space<vmem>>, vector<1x16xi32>,
      %swap3A_145 = vector.shape_cast %swap3A_144 : vector<1x16xi32> to vector<16xi32>
      %swap3A_146 = vector.shape_cast %select_n3A_140 : vector<16xi32> to vector<1x16xi32>
      tpu.vector_store %arg7[%swap3A_142, %swap3A_143], %swap3A_146 {strides = array<i32>} : memref<1x128xi32, #tpu.memory_space<vmem>>, vector<1x16xi32>,
      %get3A_147 = arith.constant 0 : i32
      %get3A_148 = arith.index_cast %get3A_147 : i32 to index
      %get3A_149 = arith.constant 80 : index
      %get3A_150 = tpu.vector_load %arg6[%get3A_148, %get3A_149] {strides = array<i32>} : memref<1x128xi32, #tpu.memory_space<vmem>>, vector<1x16xi32>,
      %get3A_151 = vector.shape_cast %get3A_150 : vector<1x16xi32> to vector<16xi32>
      %sub3A_152 = vector.broadcast %mul3A_0 : i32 to vector<16xi32>
      %sub3A_153 = arith.subi %get3A_151, %sub3A_152 : vector<16xi32>
      %ge3A_154 = arith.constant 0 : i32
      %ge3A_155 = vector.broadcast %ge3A_154 : i32 to vector<16xi32>
      %ge3A_156 = arith.cmpi sge, %sub3A_153, %ge3A_155 : vector<16xi32>
      %lt3A_157 = arith.constant 12500 : i32
      %lt3A_158 = vector.broadcast %lt3A_157 : i32 to vector<16xi32>
      %lt3A_159 = arith.cmpi slt, %sub3A_153, %lt3A_158 : vector<16xi32>
      %and3A_160 = arith.andi %ge3A_156, %lt3A_159 : vector<16xi1>
      %jit3A_161 = arith.constant 12500 : i32
      %broadcast_in_dim3A_162 = vector.broadcast %jit3A_161 : i32 to vector<16xi32>
      %select_n3A_163 = arith.select %and3A_160, %sub3A_153, %broadcast_in_dim3A_162 : vector<16xi1>, vector<16xi32>
      %swap3A_164 = arith.constant 0 : i32
      %swap3A_165 = arith.index_cast %swap3A_164 : i32 to index
      %swap3A_166 = arith.constant 80 : index
      %swap3A_167 = tpu.vector_load %arg7[%swap3A_165, %swap3A_166] {strides = array<i32>} : memref<1x128xi32, #tpu.memory_space<vmem>>, vector<1x16xi32>,
      %swap3A_168 = vector.shape_cast %swap3A_167 : vector<1x16xi32> to vector<16xi32>
      %swap3A_169 = vector.shape_cast %select_n3A_163 : vector<16xi32> to vector<1x16xi32>
      tpu.vector_store %arg7[%swap3A_165, %swap3A_166], %swap3A_169 {strides = array<i32>} : memref<1x128xi32, #tpu.memory_space<vmem>>, vector<1x16xi32>,
      %get3A_170 = arith.constant 0 : i32
      %get3A_171 = arith.index_cast %get3A_170 : i32 to index
      %get3A_172 = arith.constant 96 : index
      %get3A_173 = tpu.vector_load %arg6[%get3A_171, %get3A_172] {strides = array<i32>} : memref<1x128xi32, #tpu.memory_space<vmem>>, vector<1x16xi32>,
      %get3A_174 = vector.shape_cast %get3A_173 : vector<1x16xi32> to vector<16xi32>
      %sub3A_175 = vector.broadcast %mul3A_0 : i32 to vector<16xi32>
      %sub3A_176 = arith.subi %get3A_174, %sub3A_175 : vector<16xi32>
      %ge3A_177 = arith.constant 0 : i32
      %ge3A_178 = vector.broadcast %ge3A_177 : i32 to vector<16xi32>
      %ge3A_179 = arith.cmpi sge, %sub3A_176, %ge3A_178 : vector<16xi32>
      %lt3A_180 = arith.constant 12500 : i32
      %lt3A_181 = vector.broadcast %lt3A_180 : i32 to vector<16xi32>
      %lt3A_182 = arith.cmpi slt, %sub3A_176, %lt3A_181 : vector<16xi32>
      %and3A_183 = arith.andi %ge3A_179, %lt3A_182 : vector<16xi1>
      %jit3A_184 = arith.constant 12500 : i32
      %broadcast_in_dim3A_185 = vector.broadcast %jit3A_184 : i32 to vector<16xi32>
      %select_n3A_186 = arith.select %and3A_183, %sub3A_176, %broadcast_in_dim3A_185 : vector<16xi1>, vector<16xi32>
      %swap3A_187 = arith.constant 0 : i32
      %swap3A_188 = arith.index_cast %swap3A_187 : i32 to index
      %swap3A_189 = arith.constant 96 : index
      %swap3A_190 = tpu.vector_load %arg7[%swap3A_188, %swap3A_189] {strides = array<i32>} : memref<1x128xi32, #tpu.memory_space<vmem>>, vector<1x16xi32>,
      %swap3A_191 = vector.shape_cast %swap3A_190 : vector<1x16xi32> to vector<16xi32>
      %swap3A_192 = vector.shape_cast %select_n3A_186 : vector<16xi32> to vector<1x16xi32>
      tpu.vector_store %arg7[%swap3A_188, %swap3A_189], %swap3A_192 {strides = array<i32>} : memref<1x128xi32, #tpu.memory_space<vmem>>, vector<1x16xi32>,
      %get3A_193 = arith.constant 0 : i32
      %get3A_194 = arith.index_cast %get3A_193 : i32 to index
      %get3A_195 = arith.constant 112 : index
      %get3A_196 = tpu.vector_load %arg6[%get3A_194, %get3A_195] {strides = array<i32>} : memref<1x128xi32, #tpu.memory_space<vmem>>, vector<1x16xi32>,
      %get3A_197 = vector.shape_cast %get3A_196 : vector<1x16xi32> to vector<16xi32>
      %sub3A_198 = vector.broadcast %mul3A_0 : i32 to vector<16xi32>
      %sub3A_199 = arith.subi %get3A_197, %sub3A_198 : vector<16xi32>
      %ge3A_200 = arith.constant 0 : i32
      %ge3A_201 = vector.broadcast %ge3A_200 : i32 to vector<16xi32>
      %ge3A_202 = arith.cmpi sge, %sub3A_199, %ge3A_201 : vector<16xi32>
      %lt3A_203 = arith.constant 12500 : i32
      %lt3A_204 = vector.broadcast %lt3A_203 : i32 to vector<16xi32>
      %lt3A_205 = arith.cmpi slt, %sub3A_199, %lt3A_204 : vector<16xi32>
      %and3A_206 = arith.andi %ge3A_202, %lt3A_205 : vector<16xi1>
      %jit3A_207 = arith.constant 12500 : i32
      %broadcast_in_dim3A_208 = vector.broadcast %jit3A_207 : i32 to vector<16xi32>
      %select_n3A_209 = arith.select %and3A_206, %sub3A_199, %broadcast_in_dim3A_208 : vector<16xi1>, vector<16xi32>
      %swap3A_210 = arith.constant 0 : i32
      %swap3A_211 = arith.index_cast %swap3A_210 : i32 to index
      %swap3A_212 = arith.constant 112 : index
      %swap3A_213 = tpu.vector_load %arg7[%swap3A_211, %swap3A_212] {strides = array<i32>} : memref<1x128xi32, #tpu.memory_space<vmem>>, vector<1x16xi32>,
      %swap3A_214 = vector.shape_cast %swap3A_213 : vector<1x16xi32> to vector<16xi32>
      %swap3A_215 = vector.shape_cast %select_n3A_209 : vector<16xi32> to vector<1x16xi32>
      tpu.vector_store %arg7[%swap3A_211, %swap3A_212], %swap3A_215 {strides = array<i32>} : memref<1x128xi32, #tpu.memory_space<vmem>>, vector<1x16xi32>,
      "tpu.region"() ({
        %run_scoped3A_216 = tpu.sem_alloc : memref<!tpu.dma_semaphore, #tpu.memory_space<semaphore_mem>>
        %dma_start3A = arith.constant 0 : i32
        %dma_start3A_217 = tpu.memref_slice %arg2[%multiple_of3A_20, %dma_start3A] : memref<819200x128xf32, #tpu.memory_space<hbm>> -> memref<128x128xf32, #tpu.memory_space<hbm>>
        %dma_start3A_218 = arith.constant 0 : i32
        %dma_start3A_219 = tpu.memref_slice %arg2[%multiple_of3A_20, %dma_start3A_218] : memref<819200x128xf32, #tpu.memory_space<hbm>> -> memref<128x128xf32, #tpu.memory_space<hbm>>
        tpu.enqueue_dma source(%dma_start3A_219 : memref<128x128xf32, #tpu.memory_space<hbm>>) target(%arg8 : memref<128x128xf32, #tpu.memory_space<vmem>>) target_semaphore(%run_scoped3A_216 : memref<!tpu.dma_semaphore, #tpu.memory_space<semaphore_mem>>)
        %dma_wait3A = arith.constant 0 : i32
        %dma_wait3A_220 = tpu.memref_slice %arg2[%multiple_of3A_20, %dma_wait3A] : memref<819200x128xf32, #tpu.memory_space<hbm>> -> memref<128x128xf32, #tpu.memory_space<hbm>>
        %dma_wait3A_221 = arith.constant 0 : i32
        %dma_wait3A_222 = tpu.memref_slice %arg2[%multiple_of3A_20, %dma_wait3A_221] : memref<819200x128xf32, #tpu.memory_space<hbm>> -> memref<128x128xf32, #tpu.memory_space<hbm>>
        tpu.wait_dma2 semaphore(%run_scoped3A_216 : memref<!tpu.dma_semaphore, #tpu.memory_space<semaphore_mem>>) src(%dma_wait3A_222 : memref<128x128xf32, #tpu.memory_space<hbm>>) dst(%arg8 : memref<128x128xf32, #tpu.memory_space<vmem>>)
        tpu.yield
      }) : () -> ()
      %run_scoped3A = arith.constant 0 : i32
      "tpu.region"() ({
        %run_scoped3A_216 = tpu.sem_alloc : memref<!tpu.dma_semaphore, #tpu.memory_space<semaphore_mem>>
        %dma_start3A = arith.constant 0 : i32
        %dma_start3A_217 = tpu.memref_slice %arg7[%run_scoped3A, %dma_start3A] : memref<1x128xi32, #tpu.memory_space<vmem>> -> memref<1x128xi32, #tpu.memory_space<vmem>>
        %dma_start3A_218 = tpu.memref_squeeze %dma_start3A_217 : memref<1x128xi32, #tpu.memory_space<vmem>> -> memref<128xi32, #tpu.memory_space<vmem>>
        %dma_start3A_219 = arith.constant 0 : i32
        %dma_start3A_220 = arith.constant 0 : i32
        %dma_start3A_221 = tpu.memref_slice %arg9[%dma_start3A_219, %dma_start3A_220] : memref<12544x128xf32, #tpu.memory_space<vmem_shared>> -> memref<12544x128xf32, #tpu.memory_space<vmem_shared>>
        tpu.enqueue_indirect_dma source(%arg8 : memref<128x128xf32, #tpu.memory_space<vmem>>) target(%dma_start3A_221 : memref<12544x128xf32, #tpu.memory_space<vmem_shared>>) offsets(%dma_start3A_218 : memref<128xi32, #tpu.memory_space<vmem>>) semaphore(%run_scoped3A_216 : memref<!tpu.dma_semaphore, #tpu.memory_space<semaphore_mem>>) {add = true}
        %dma_wait3A = arith.constant 0 : i32
        %dma_wait3A_222 = tpu.memref_slice %arg7[%run_scoped3A, %dma_wait3A] : memref<1x128xi32, #tpu.memory_space<vmem>> -> memref<1x128xi32, #tpu.memory_space<vmem>>
        %dma_wait3A_223 = tpu.memref_squeeze %dma_wait3A_222 : memref<1x128xi32, #tpu.memory_space<vmem>> -> memref<128xi32, #tpu.memory_space<vmem>>
        %dma_wait3A_224 = arith.constant 0 : i32
        %dma_wait3A_225 = arith.constant 0 : i32
        %dma_wait3A_226 = tpu.memref_slice %arg9[%dma_wait3A_224, %dma_wait3A_225] : memref<12544x128xf32, #tpu.memory_space<vmem_shared>> -> memref<12544x128xf32, #tpu.memory_space<vmem_shared>>
        tpu.wait_indirect_dma semaphore(%run_scoped3A_216 : memref<!tpu.dma_semaphore, #tpu.memory_space<semaphore_mem>>) src(%arg8 : memref<128x128xf32, #tpu.memory_space<vmem>>) dst(%dma_wait3A_226 : memref<12544x128xf32, #tpu.memory_space<vmem_shared>>)
        tpu.yield
      }) : () -> ()
    }
    %scan3A_9 = arith.constant 400 : i32
    %barrier3A_10 = arith.constant 0 : index
    tpu.barrier barrier_id(%barrier3A_10)
    %mul3A_11 = arith.constant 784 : i32
    %mul3A_12 = arith.muli %arg1, %mul3A_11 : i32
    %multiple_of3A_13 = tpu.assume_multiple %mul3A_12, 8 : i32
    %mul3A_14 = arith.constant 784 : i32
    %mul3A_15 = arith.muli %arg1, %mul3A_14 : i32
    %multiple_of3A_16 = tpu.assume_multiple %mul3A_15, 8 : i32
    "tpu.region"() ({
      %run_scoped3A = tpu.sem_alloc : memref<!tpu.dma_semaphore, #tpu.memory_space<semaphore_mem>>
      %dma_start3A = arith.constant 0 : i32
      %dma_start3A_17 = tpu.memref_slice %arg5[%arg0, %multiple_of3A_16, %dma_start3A] : memref<2x12544x128xf32, #tpu.memory_space<hbm>> -> memref<1x784x128xf32, #tpu.memory_space<hbm>>
      %dma_start3A_18 = tpu.memref_squeeze %dma_start3A_17 : memref<1x784x128xf32, #tpu.memory_space<hbm>> -> memref<784x128xf32, #tpu.memory_space<hbm>>
      %dma_start3A_19 = arith.constant 0 : i32
      %dma_start3A_20 = tpu.memref_slice %arg9[%multiple_of3A_13, %dma_start3A_19] : memref<12544x128xf32, #tpu.memory_space<vmem_shared>> -> memref<784x128xf32, #tpu.memory_space<vmem_shared>>
      tpu.enqueue_dma source(%dma_start3A_20 : memref<784x128xf32, #tpu.memory_space<vmem_shared>>) target(%dma_start3A_18 : memref<784x128xf32, #tpu.memory_space<hbm>>) target_semaphore(%run_scoped3A : memref<!tpu.dma_semaphore, #tpu.memory_space<semaphore_mem>>)
      %dma_wait3A = arith.constant 0 : i32
      %dma_wait3A_21 = tpu.memref_slice %arg5[%arg0, %multiple_of3A_16, %dma_wait3A] : memref<2x12544x128xf32, #tpu.memory_space<hbm>> -> memref<1x784x128xf32, #tpu.memory_space<hbm>>
      %dma_wait3A_22 = tpu.memref_squeeze %dma_wait3A_21 : memref<1x784x128xf32, #tpu.memory_space<hbm>> -> memref<784x128xf32, #tpu.memory_space<hbm>>
      %dma_wait3A_23 = arith.constant 0 : i32
      %dma_wait3A_24 = tpu.memref_slice %arg9[%multiple_of3A_13, %dma_wait3A_23] : memref<12544x128xf32, #tpu.memory_space<vmem_shared>> -> memref<784x128xf32, #tpu.memory_space<vmem_shared>>
      tpu.wait_dma2 semaphore(%run_scoped3A : memref<!tpu.dma_semaphore, #tpu.memory_space<semaphore_mem>>) src(%dma_wait3A_24 : memref<784x128xf32, #tpu.memory_space<vmem_shared>>) dst(%dma_wait3A_22 : memref<784x128xf32, #tpu.memory_space<hbm>>)
      tpu.yield
    }) : () -> ()
    return
  }
}

#map = affine_map<(d0, d1) -> (0, 0)>
module attributes {stable_mosaic.version = 14 : i64} {
  func.func @_gather_sc_body(%arg0: i32, %arg1: i32, %arg2: memref<25000x128xf32, #tpu.memory_space<hbm>>, %arg3: memref<6400x128xi32, #tpu.memory_space<hbm>>, %arg4: memref<819200x128xf32, #tpu.memory_space<hbm>>, %arg5: memref<4x128xi32, #tpu.memory_space<vmem>>, %arg6: memref<512x128xf32, #tpu.memory_space<vmem>>, %arg7: memref<!tpu.dma_semaphore, #tpu.memory_space<semaphore_mem>>) attributes {dimension_semantics = [#tpu.dimension_semantics<core_parallel>, #tpu.dimension_semantics<subcore_parallel>], iteration_bounds = array<i64: 2, 16>, scalar_prefetch = 0 : i64, scratch_operands = 3 : i64, tpu.core_type = #tpu.core_type<sc_vector_subcore>, window_params = [{transform_indices = #map}, {transform_indices = #map}, {transform_indices = #map}]} {
    %mul3A = arith.constant 2 : i32
    %mul3A_0 = arith.muli %arg1, %mul3A : i32
    %add3A = arith.addi %mul3A_0, %arg0 : i32
    %mul3A_1 = arith.constant 25600 : i32
    %mul3A_2 = arith.muli %add3A, %mul3A_1 : i32
    %scan3A = arith.constant 0 : i32
    %scan3A_3 = arith.constant 0 : i32
    %scan3A_4 = arith.constant 50 : i32
    %scan3A_5 = arith.addi %scan3A_3, %scan3A_4 : i32
    %scan3A_6 = arith.constant 1 : i32
    scf.for %scan3A_8 = %scan3A_3 to %scan3A_5 step %scan3A_6  : i32 {
      %mul3A_9 = arith.constant 512 : i32
      %mul3A_10 = arith.muli %scan3A_8, %mul3A_9 : i32
      %add3A_11 = arith.addi %mul3A_2, %mul3A_10 : i32
      %multiple_of3A = tpu.assume_multiple %add3A_11, 512 : i32
      %jit3A = arith.constant 128 : i32
      %div3A = arith.divsi %multiple_of3A, %jit3A : i32
      %sign3A = arith.constant 0 : i32
      %sign3A_12 = arith.cmpi sgt, %multiple_of3A, %sign3A : i32
      %sign3A_13 = arith.extui %sign3A_12 : i1 to i32
      %sign3A_14 = arith.constant 0 : i32
      %sign3A_15 = arith.cmpi slt, %multiple_of3A, %sign3A_14 : i32
      %sign3A_16 = arith.extui %sign3A_15 : i1 to i32
      %sign3A_17 = arith.subi %sign3A_13, %sign3A_16 : i32
      %sign3A_18 = arith.constant 0 : i32
      %sign3A_19 = arith.cmpi sgt, %jit3A, %sign3A_18 : i32
      %sign3A_20 = arith.extui %sign3A_19 : i1 to i32
      %sign3A_21 = arith.constant 0 : i32
      %sign3A_22 = arith.cmpi slt, %jit3A, %sign3A_21 : i32
      %sign3A_23 = arith.extui %sign3A_22 : i1 to i32
      %sign3A_24 = arith.subi %sign3A_20, %sign3A_23 : i32
      %ne3A = arith.cmpi ne, %sign3A_17, %sign3A_24 : i32
      %rem3A = arith.remsi %multiple_of3A, %jit3A : i32
      %ne3A_25 = arith.constant 0 : i32
      %ne3A_26 = arith.cmpi ne, %rem3A, %ne3A_25 : i32
      %and3A = arith.andi %ne3A, %ne3A_26 : i1
      %sub3A = arith.constant 1 : i32
      %sub3A_27 = arith.subi %div3A, %sub3A : i32
      %select_n3A = arith.select %and3A, %sub3A_27, %div3A : i32
      %multiple_of3A_28 = tpu.assume_multiple %select_n3A, 4 : i32
      "tpu.region"() ({
        %run_scoped3A = tpu.sem_alloc : memref<!tpu.dma_semaphore, #tpu.memory_space<semaphore_mem>>
        %dma_start3A_107 = arith.constant 0 : i32
        %dma_start3A_108 = tpu.memref_slice %arg3[%multiple_of3A_28, %dma_start3A_107] : memref<6400x128xi32, #tpu.memory_space<hbm>> -> memref<4x128xi32, #tpu.memory_space<hbm>>
        %dma_start3A_109 = arith.constant 0 : i32
        %dma_start3A_110 = tpu.memref_slice %arg3[%multiple_of3A_28, %dma_start3A_109] : memref<6400x128xi32, #tpu.memory_space<hbm>> -> memref<4x128xi32, #tpu.memory_space<hbm>>
        tpu.enqueue_dma source(%dma_start3A_110 : memref<4x128xi32, #tpu.memory_space<hbm>>) target(%arg5 : memref<4x128xi32, #tpu.memory_space<vmem>>) target_semaphore(%run_scoped3A : memref<!tpu.dma_semaphore, #tpu.memory_space<semaphore_mem>>)
        %dma_wait3A_111 = arith.constant 0 : i32
        %dma_wait3A_112 = tpu.memref_slice %arg3[%multiple_of3A_28, %dma_wait3A_111] : memref<6400x128xi32, #tpu.memory_space<hbm>> -> memref<4x128xi32, #tpu.memory_space<hbm>>
        %dma_wait3A_113 = arith.constant 0 : i32
        %dma_wait3A_114 = tpu.memref_slice %arg3[%multiple_of3A_28, %dma_wait3A_113] : memref<6400x128xi32, #tpu.memory_space<hbm>> -> memref<4x128xi32, #tpu.memory_space<hbm>>
        tpu.wait_dma2 semaphore(%run_scoped3A : memref<!tpu.dma_semaphore, #tpu.memory_space<semaphore_mem>>) src(%dma_wait3A_114 : memref<4x128xi32, #tpu.memory_space<hbm>>) dst(%arg5 : memref<4x128xi32, #tpu.memory_space<vmem>>)
        tpu.yield
      }) : () -> ()
      %dma_start3A = arith.constant 0 : i32
      %dma_start3A_29 = arith.constant 0 : i32
      %dma_start3A_30 = arith.constant 0 : i32
      %dma_start3A_31 = tpu.memref_slice %arg6[%dma_start3A_29, %dma_start3A_30] : memref<512x128xf32, #tpu.memory_space<vmem>> -> memref<128x128xf32, #tpu.memory_space<vmem>>
      %dma_start3A_32 = arith.constant 0 : i32
      %dma_start3A_33 = tpu.memref_slice %arg5[%dma_start3A, %dma_start3A_32] : memref<4x128xi32, #tpu.memory_space<vmem>> -> memref<1x128xi32, #tpu.memory_space<vmem>>
      %dma_start3A_34 = tpu.memref_squeeze %dma_start3A_33 : memref<1x128xi32, #tpu.memory_space<vmem>> -> memref<128xi32, #tpu.memory_space<vmem>>
      %dma_start3A_35 = arith.constant 0 : i32
      %dma_start3A_36 = arith.constant 0 : i32
      %dma_start3A_37 = tpu.memref_slice %arg2[%dma_start3A_35, %dma_start3A_36] : memref<25000x128xf32, #tpu.memory_space<hbm>> -> memref<25000x128xf32, #tpu.memory_space<hbm>>
      tpu.enqueue_indirect_dma source(%dma_start3A_37 : memref<25000x128xf32, #tpu.memory_space<hbm>>) target(%dma_start3A_31 : memref<128x128xf32, #tpu.memory_space<vmem>>) offsets(%dma_start3A_34 : memref<128xi32, #tpu.memory_space<vmem>>) semaphore(%arg7 : memref<!tpu.dma_semaphore, #tpu.memory_space<semaphore_mem>>)
      %dma_start3A_38 = arith.constant 1 : i32
      %dma_start3A_39 = arith.constant 128 : i32
      %dma_start3A_40 = arith.constant 0 : i32
      %dma_start3A_41 = tpu.memref_slice %arg6[%dma_start3A_39, %dma_start3A_40] : memref<512x128xf32, #tpu.memory_space<vmem>> -> memref<128x128xf32, #tpu.memory_space<vmem>>
      %dma_start3A_42 = arith.constant 0 : i32
      %dma_start3A_43 = tpu.memref_slice %arg5[%dma_start3A_38, %dma_start3A_42] : memref<4x128xi32, #tpu.memory_space<vmem>> -> memref<1x128xi32, #tpu.memory_space<vmem>>
      %dma_start3A_44 = tpu.memref_squeeze %dma_start3A_43 : memref<1x128xi32, #tpu.memory_space<vmem>> -> memref<128xi32, #tpu.memory_space<vmem>>
      %dma_start3A_45 = arith.constant 0 : i32
      %dma_start3A_46 = arith.constant 0 : i32
      %dma_start3A_47 = tpu.memref_slice %arg2[%dma_start3A_45, %dma_start3A_46] : memref<25000x128xf32, #tpu.memory_space<hbm>> -> memref<25000x128xf32, #tpu.memory_space<hbm>>
      tpu.enqueue_indirect_dma source(%dma_start3A_47 : memref<25000x128xf32, #tpu.memory_space<hbm>>) target(%dma_start3A_41 : memref<128x128xf32, #tpu.memory_space<vmem>>) offsets(%dma_start3A_44 : memref<128xi32, #tpu.memory_space<vmem>>) semaphore(%arg7 : memref<!tpu.dma_semaphore, #tpu.memory_space<semaphore_mem>>)
      %dma_start3A_48 = arith.constant 2 : i32
      %dma_start3A_49 = arith.constant 256 : i32
      %dma_start3A_50 = arith.constant 0 : i32
      %dma_start3A_51 = tpu.memref_slice %arg6[%dma_start3A_49, %dma_start3A_50] : memref<512x128xf32, #tpu.memory_space<vmem>> -> memref<128x128xf32, #tpu.memory_space<vmem>>
      %dma_start3A_52 = arith.constant 0 : i32
      %dma_start3A_53 = tpu.memref_slice %arg5[%dma_start3A_48, %dma_start3A_52] : memref<4x128xi32, #tpu.memory_space<vmem>> -> memref<1x128xi32, #tpu.memory_space<vmem>>
      %dma_start3A_54 = tpu.memref_squeeze %dma_start3A_53 : memref<1x128xi32, #tpu.memory_space<vmem>> -> memref<128xi32, #tpu.memory_space<vmem>>
      %dma_start3A_55 = arith.constant 0 : i32
      %dma_start3A_56 = arith.constant 0 : i32
      %dma_start3A_57 = tpu.memref_slice %arg2[%dma_start3A_55, %dma_start3A_56] : memref<25000x128xf32, #tpu.memory_space<hbm>> -> memref<25000x128xf32, #tpu.memory_space<hbm>>
      tpu.enqueue_indirect_dma source(%dma_start3A_57 : memref<25000x128xf32, #tpu.memory_space<hbm>>) target(%dma_start3A_51 : memref<128x128xf32, #tpu.memory_space<vmem>>) offsets(%dma_start3A_54 : memref<128xi32, #tpu.memory_space<vmem>>) semaphore(%arg7 : memref<!tpu.dma_semaphore, #tpu.memory_space<semaphore_mem>>)
      %dma_start3A_58 = arith.constant 3 : i32
      %dma_start3A_59 = arith.constant 384 : i32
      %dma_start3A_60 = arith.constant 0 : i32
      %dma_start3A_61 = tpu.memref_slice %arg6[%dma_start3A_59, %dma_start3A_60] : memref<512x128xf32, #tpu.memory_space<vmem>> -> memref<128x128xf32, #tpu.memory_space<vmem>>
      %dma_start3A_62 = arith.constant 0 : i32
      %dma_start3A_63 = tpu.memref_slice %arg5[%dma_start3A_58, %dma_start3A_62] : memref<4x128xi32, #tpu.memory_space<vmem>> -> memref<1x128xi32, #tpu.memory_space<vmem>>
      %dma_start3A_64 = tpu.memref_squeeze %dma_start3A_63 : memref<1x128xi32, #tpu.memory_space<vmem>> -> memref<128xi32, #tpu.memory_space<vmem>>
      %dma_start3A_65 = arith.constant 0 : i32
      %dma_start3A_66 = arith.constant 0 : i32
      %dma_start3A_67 = tpu.memref_slice %arg2[%dma_start3A_65, %dma_start3A_66] : memref<25000x128xf32, #tpu.memory_space<hbm>> -> memref<25000x128xf32, #tpu.memory_space<hbm>>
      tpu.enqueue_indirect_dma source(%dma_start3A_67 : memref<25000x128xf32, #tpu.memory_space<hbm>>) target(%dma_start3A_61 : memref<128x128xf32, #tpu.memory_space<vmem>>) offsets(%dma_start3A_64 : memref<128xi32, #tpu.memory_space<vmem>>) semaphore(%arg7 : memref<!tpu.dma_semaphore, #tpu.memory_space<semaphore_mem>>)
      %dma_wait3A = arith.constant 0 : i32
      %dma_wait3A_68 = arith.constant 0 : i32
      %dma_wait3A_69 = arith.constant 0 : i32
      %dma_wait3A_70 = tpu.memref_slice %arg6[%dma_wait3A_68, %dma_wait3A_69] : memref<512x128xf32, #tpu.memory_space<vmem>> -> memref<128x128xf32, #tpu.memory_space<vmem>>
      %dma_wait3A_71 = arith.constant 0 : i32
      %dma_wait3A_72 = tpu.memref_slice %arg5[%dma_wait3A, %dma_wait3A_71] : memref<4x128xi32, #tpu.memory_space<vmem>> -> memref<1x128xi32, #tpu.memory_space<vmem>>
      %dma_wait3A_73 = tpu.memref_squeeze %dma_wait3A_72 : memref<1x128xi32, #tpu.memory_space<vmem>> -> memref<128xi32, #tpu.memory_space<vmem>>
      %dma_wait3A_74 = arith.constant 0 : i32
      %dma_wait3A_75 = arith.constant 0 : i32
      %dma_wait3A_76 = tpu.memref_slice %arg2[%dma_wait3A_74, %dma_wait3A_75] : memref<25000x128xf32, #tpu.memory_space<hbm>> -> memref<25000x128xf32, #tpu.memory_space<hbm>>
      tpu.wait_indirect_dma semaphore(%arg7 : memref<!tpu.dma_semaphore, #tpu.memory_space<semaphore_mem>>) src(%dma_wait3A_76 : memref<25000x128xf32, #tpu.memory_space<hbm>>) dst(%dma_wait3A_70 : memref<128x128xf32, #tpu.memory_space<vmem>>)
      %dma_wait3A_77 = arith.constant 1 : i32
      %dma_wait3A_78 = arith.constant 128 : i32
      %dma_wait3A_79 = arith.constant 0 : i32
      %dma_wait3A_80 = tpu.memref_slice %arg6[%dma_wait3A_78, %dma_wait3A_79] : memref<512x128xf32, #tpu.memory_space<vmem>> -> memref<128x128xf32, #tpu.memory_space<vmem>>
      %dma_wait3A_81 = arith.constant 0 : i32
      %dma_wait3A_82 = tpu.memref_slice %arg5[%dma_wait3A_77, %dma_wait3A_81] : memref<4x128xi32, #tpu.memory_space<vmem>> -> memref<1x128xi32, #tpu.memory_space<vmem>>
      %dma_wait3A_83 = tpu.memref_squeeze %dma_wait3A_82 : memref<1x128xi32, #tpu.memory_space<vmem>> -> memref<128xi32, #tpu.memory_space<vmem>>
      %dma_wait3A_84 = arith.constant 0 : i32
      %dma_wait3A_85 = arith.constant 0 : i32
      %dma_wait3A_86 = tpu.memref_slice %arg2[%dma_wait3A_84, %dma_wait3A_85] : memref<25000x128xf32, #tpu.memory_space<hbm>> -> memref<25000x128xf32, #tpu.memory_space<hbm>>
      tpu.wait_indirect_dma semaphore(%arg7 : memref<!tpu.dma_semaphore, #tpu.memory_space<semaphore_mem>>) src(%dma_wait3A_86 : memref<25000x128xf32, #tpu.memory_space<hbm>>) dst(%dma_wait3A_80 : memref<128x128xf32, #tpu.memory_space<vmem>>)
      %dma_wait3A_87 = arith.constant 2 : i32
      %dma_wait3A_88 = arith.constant 256 : i32
      %dma_wait3A_89 = arith.constant 0 : i32
      %dma_wait3A_90 = tpu.memref_slice %arg6[%dma_wait3A_88, %dma_wait3A_89] : memref<512x128xf32, #tpu.memory_space<vmem>> -> memref<128x128xf32, #tpu.memory_space<vmem>>
      %dma_wait3A_91 = arith.constant 0 : i32
      %dma_wait3A_92 = tpu.memref_slice %arg5[%dma_wait3A_87, %dma_wait3A_91] : memref<4x128xi32, #tpu.memory_space<vmem>> -> memref<1x128xi32, #tpu.memory_space<vmem>>
      %dma_wait3A_93 = tpu.memref_squeeze %dma_wait3A_92 : memref<1x128xi32, #tpu.memory_space<vmem>> -> memref<128xi32, #tpu.memory_space<vmem>>
      %dma_wait3A_94 = arith.constant 0 : i32
      %dma_wait3A_95 = arith.constant 0 : i32
      %dma_wait3A_96 = tpu.memref_slice %arg2[%dma_wait3A_94, %dma_wait3A_95] : memref<25000x128xf32, #tpu.memory_space<hbm>> -> memref<25000x128xf32, #tpu.memory_space<hbm>>
      tpu.wait_indirect_dma semaphore(%arg7 : memref<!tpu.dma_semaphore, #tpu.memory_space<semaphore_mem>>) src(%dma_wait3A_96 : memref<25000x128xf32, #tpu.memory_space<hbm>>) dst(%dma_wait3A_90 : memref<128x128xf32, #tpu.memory_space<vmem>>)
      %dma_wait3A_97 = arith.constant 3 : i32
      %dma_wait3A_98 = arith.constant 384 : i32
      %dma_wait3A_99 = arith.constant 0 : i32
      %dma_wait3A_100 = tpu.memref_slice %arg6[%dma_wait3A_98, %dma_wait3A_99] : memref<512x128xf32, #tpu.memory_space<vmem>> -> memref<128x128xf32, #tpu.memory_space<vmem>>
      %dma_wait3A_101 = arith.constant 0 : i32
      %dma_wait3A_102 = tpu.memref_slice %arg5[%dma_wait3A_97, %dma_wait3A_101] : memref<4x128xi32, #tpu.memory_space<vmem>> -> memref<1x128xi32, #tpu.memory_space<vmem>>
      %dma_wait3A_103 = tpu.memref_squeeze %dma_wait3A_102 : memref<1x128xi32, #tpu.memory_space<vmem>> -> memref<128xi32, #tpu.memory_space<vmem>>
      %dma_wait3A_104 = arith.constant 0 : i32
      %dma_wait3A_105 = arith.constant 0 : i32
      %dma_wait3A_106 = tpu.memref_slice %arg2[%dma_wait3A_104, %dma_wait3A_105] : memref<25000x128xf32, #tpu.memory_space<hbm>> -> memref<25000x128xf32, #tpu.memory_space<hbm>>
      tpu.wait_indirect_dma semaphore(%arg7 : memref<!tpu.dma_semaphore, #tpu.memory_space<semaphore_mem>>) src(%dma_wait3A_106 : memref<25000x128xf32, #tpu.memory_space<hbm>>) dst(%dma_wait3A_100 : memref<128x128xf32, #tpu.memory_space<vmem>>)
      "tpu.region"() ({
        %run_scoped3A = tpu.sem_alloc : memref<!tpu.dma_semaphore, #tpu.memory_space<semaphore_mem>>
        %dma_start3A_107 = arith.constant 0 : i32
        %dma_start3A_108 = tpu.memref_slice %arg4[%multiple_of3A, %dma_start3A_107] : memref<819200x128xf32, #tpu.memory_space<hbm>> -> memref<512x128xf32, #tpu.memory_space<hbm>>
        %dma_start3A_109 = arith.constant 0 : i32
        %dma_start3A_110 = tpu.memref_slice %arg4[%multiple_of3A, %dma_start3A_109] : memref<819200x128xf32, #tpu.memory_space<hbm>> -> memref<512x128xf32, #tpu.memory_space<hbm>>
        tpu.enqueue_dma source(%arg6 : memref<512x128xf32, #tpu.memory_space<vmem>>) target(%dma_start3A_110 : memref<512x128xf32, #tpu.memory_space<hbm>>) target_semaphore(%run_scoped3A : memref<!tpu.dma_semaphore, #tpu.memory_space<semaphore_mem>>)
        %dma_wait3A_111 = arith.constant 0 : i32
        %dma_wait3A_112 = tpu.memref_slice %arg4[%multiple_of3A, %dma_wait3A_111] : memref<819200x128xf32, #tpu.memory_space<hbm>> -> memref<512x128xf32, #tpu.memory_space<hbm>>
        %dma_wait3A_113 = arith.constant 0 : i32
        %dma_wait3A_114 = tpu.memref_slice %arg4[%multiple_of3A, %dma_wait3A_113] : memref<819200x128xf32, #tpu.memory_space<hbm>> -> memref<512x128xf32, #tpu.memory_space<hbm>>
        tpu.wait_dma2 semaphore(%run_scoped3A : memref<!tpu.dma_semaphore, #tpu.memory_space<semaphore_mem>>) src(%arg6 : memref<512x128xf32, #tpu.memory_space<vmem>>) dst(%dma_wait3A_114 : memref<512x128xf32, #tpu.memory_space<hbm>>)
        tpu.yield
      }) : () -> ()
    }
    %scan3A_7 = arith.constant 50 : i32
    return
  }
}

#map = affine_map<(d0, d1) -> (0, 0)>
#map1 = affine_map<(d0, d1) -> (0, 0, 0)>
module attributes {stable_mosaic.version = 14 : i64} {
  func.func @_scatter_sc_body(%arg0: i32, %arg1: i32, %arg2: memref<819200x128xf32, #tpu.memory_space<hbm>>, %arg3: memref<6400x128xi32, #tpu.memory_space<hbm>>, %arg4: memref<784x128xf32, #tpu.memory_space<hbm>>, %arg5: memref<2x12544x128xf32, #tpu.memory_space<hbm>>, %arg6: memref<1x128xi32, #tpu.memory_space<vmem>>, %arg7: memref<1x128xi32, #tpu.memory_space<vmem>>, %arg8: memref<128x128xf32, #tpu.memory_space<vmem>>, %arg9: memref<12544x128xf32, #tpu.memory_space<vmem_shared>>, %arg10: memref<!tpu.dma_semaphore, #tpu.memory_space<semaphore_mem>>) attributes {dimension_semantics = [#tpu.dimension_semantics<core_parallel>, #tpu.dimension_semantics<subcore_parallel>], iteration_bounds = array<i64: 2, 16>, scalar_prefetch = 0 : i64, scratch_operands = 5 : i64, tpu.core_type = #tpu.core_type<sc_vector_subcore>, window_params = [{transform_indices = #map}, {transform_indices = #map}, {transform_indices = #map}, {transform_indices = #map1}]} {
    %mul3A = arith.constant 12500 : i32
    %mul3A_0 = arith.muli %arg0, %mul3A : i32
    %mul3A_1 = arith.constant 784 : i32
    %mul3A_2 = arith.muli %arg1, %mul3A_1 : i32
    %multiple_of3A = tpu.assume_multiple %mul3A_2, 8 : i32
    "tpu.region"() ({
      %run_scoped3A = tpu.sem_alloc : memref<!tpu.dma_semaphore, #tpu.memory_space<semaphore_mem>>
      %dma_start3A = arith.constant 0 : i32
      %dma_start3A_17 = tpu.memref_slice %arg9[%multiple_of3A, %dma_start3A] : memref<12544x128xf32, #tpu.memory_space<vmem_shared>> -> memref<784x128xf32, #tpu.memory_space<vmem_shared>>
      tpu.enqueue_dma source(%arg4 : memref<784x128xf32, #tpu.memory_space<hbm>>) target(%dma_start3A_17 : memref<784x128xf32, #tpu.memory_space<vmem_shared>>) target_semaphore(%run_scoped3A : memref<!tpu.dma_semaphore, #tpu.memory_space<semaphore_mem>>)
      %dma_wait3A = arith.constant 0 : i32
      %dma_wait3A_18 = tpu.memref_slice %arg9[%multiple_of3A, %dma_wait3A] : memref<12544x128xf32, #tpu.memory_space<vmem_shared>> -> memref<784x128xf32, #tpu.memory_space<vmem_shared>>
      tpu.wait_dma2 semaphore(%run_scoped3A : memref<!tpu.dma_semaphore, #tpu.memory_space<semaphore_mem>>) src(%arg4 : memref<784x128xf32, #tpu.memory_space<hbm>>) dst(%dma_wait3A_18 : memref<784x128xf32, #tpu.memory_space<vmem_shared>>)
      tpu.yield
    }) : () -> ()
    %barrier3A = arith.constant 0 : index
    tpu.barrier barrier_id(%barrier3A)
    %mul3A_3 = arith.constant 51200 : i32
    %mul3A_4 = arith.muli %arg1, %mul3A_3 : i32
    %scan3A = arith.constant 0 : i32
    %scan3A_5 = arith.constant 0 : i32
    %scan3A_6 = arith.constant 400 : i32
    %scan3A_7 = arith.addi %scan3A_5, %scan3A_6 : i32
    %scan3A_8 = arith.constant 1 : i32
    scf.for %scan3A_17 = %scan3A_5 to %scan3A_7 step %scan3A_8  : i32 {
      %mul3A_18 = arith.constant 128 : i32
      %mul3A_19 = arith.muli %scan3A_17, %mul3A_18 : i32
      %add3A = arith.addi %mul3A_4, %mul3A_19 : i32
      %multiple_of3A_20 = tpu.assume_multiple %add3A, 128 : i32
      %jit3A = arith.constant 128 : i32
      %div3A = arith.divsi %multiple_of3A_20, %jit3A : i32
      %sign3A = arith.constant 0 : i32
      %sign3A_21 = arith.cmpi sgt, %multiple_of3A_20, %sign3A : i32
      %sign3A_22 = arith.extui %sign3A_21 : i1 to i32
      %sign3A_23 = arith.constant 0 : i32
      %sign3A_24 = arith.cmpi slt, %multiple_of3A_20, %sign3A_23 : i32
      %sign3A_25 = arith.extui %sign3A_24 : i1 to i32
      %sign3A_26 = arith.subi %sign3A_22, %sign3A_25 : i32
      %sign3A_27 = arith.constant 0 : i32
      %sign3A_28 = arith.cmpi sgt, %jit3A, %sign3A_27 : i32
      %sign3A_29 = arith.extui %sign3A_28 : i1 to i32
      %sign3A_30 = arith.constant 0 : i32
      %sign3A_31 = arith.cmpi slt, %jit3A, %sign3A_30 : i32
      %sign3A_32 = arith.extui %sign3A_31 : i1 to i32
      %sign3A_33 = arith.subi %sign3A_29, %sign3A_32 : i32
      %ne3A = arith.cmpi ne, %sign3A_26, %sign3A_33 : i32
      %rem3A = arith.remsi %multiple_of3A_20, %jit3A : i32
      %ne3A_34 = arith.constant 0 : i32
      %ne3A_35 = arith.cmpi ne, %rem3A, %ne3A_34 : i32
      %and3A = arith.andi %ne3A, %ne3A_35 : i1
      %sub3A = arith.constant 1 : i32
      %sub3A_36 = arith.subi %div3A, %sub3A : i32
      %select_n3A = arith.select %and3A, %sub3A_36, %div3A : i32
      "tpu.region"() ({
        %run_scoped3A_216 = tpu.sem_alloc : memref<!tpu.dma_semaphore, #tpu.memory_space<semaphore_mem>>
        %dma_start3A = arith.constant 0 : i32
        %dma_start3A_217 = tpu.memref_slice %arg3[%select_n3A, %dma_start3A] : memref<6400x128xi32, #tpu.memory_space<hbm>> -> memref<1x128xi32, #tpu.memory_space<hbm>>
        %dma_start3A_218 = arith.constant 0 : i32
        %dma_start3A_219 = tpu.memref_slice %arg3[%select_n3A, %dma_start3A_218] : memref<6400x128xi32, #tpu.memory_space<hbm>> -> memref<1x128xi32, #tpu.memory_space<hbm>>
        tpu.enqueue_dma source(%dma_start3A_219 : memref<1x128xi32, #tpu.memory_space<hbm>>) target(%arg6 : memref<1x128xi32, #tpu.memory_space<vmem>>) target_semaphore(%run_scoped3A_216 : memref<!tpu.dma_semaphore, #tpu.memory_space<semaphore_mem>>)
        %dma_wait3A = arith.constant 0 : i32
        %dma_wait3A_220 = tpu.memref_slice %arg3[%select_n3A, %dma_wait3A] : memref<6400x128xi32, #tpu.memory_space<hbm>> -> memref<1x128xi32, #tpu.memory_space<hbm>>
        %dma_wait3A_221 = arith.constant 0 : i32
        %dma_wait3A_222 = tpu.memref_slice %arg3[%select_n3A, %dma_wait3A_221] : memref<6400x128xi32, #tpu.memory_space<hbm>> -> memref<1x128xi32, #tpu.memory_space<hbm>>
        tpu.wait_dma2 semaphore(%run_scoped3A_216 : memref<!tpu.dma_semaphore, #tpu.memory_space<semaphore_mem>>) src(%dma_wait3A_222 : memref<1x128xi32, #tpu.memory_space<hbm>>) dst(%arg6 : memref<1x128xi32, #tpu.memory_space<vmem>>)
        tpu.yield
      }) : () -> ()
      %get3A = arith.constant 0 : i32
      %get3A_37 = arith.index_cast %get3A : i32 to index
      %get3A_38 = arith.constant 0 : index
      %get3A_39 = tpu.vector_load %arg6[%get3A_37, %get3A_38] {strides = array<i32>} : memref<1x128xi32, #tpu.memory_space<vmem>>, vector<1x16xi32>,
      %get3A_40 = vector.shape_cast %get3A_39 : vector<1x16xi32> to vector<16xi32>
      %sub3A_41 = vector.broadcast %mul3A_0 : i32 to vector<16xi32>
      %sub3A_42 = arith.subi %get3A_40, %sub3A_41 : vector<16xi32>
      %ge3A = arith.constant 0 : i32
      %ge3A_43 = vector.broadcast %ge3A : i32 to vector<16xi32>
      %ge3A_44 = arith.cmpi sge, %sub3A_42, %ge3A_43 : vector<16xi32>
      %lt3A = arith.constant 12500 : i32
      %lt3A_45 = vector.broadcast %lt3A : i32 to vector<16xi32>
      %lt3A_46 = arith.cmpi slt, %sub3A_42, %lt3A_45 : vector<16xi32>
      %and3A_47 = arith.andi %ge3A_44, %lt3A_46 : vector<16xi1>
      %jit3A_48 = arith.constant 12500 : i32
      %broadcast_in_dim3A = vector.broadcast %jit3A_48 : i32 to vector<16xi32>
      %select_n3A_49 = arith.select %and3A_47, %sub3A_42, %broadcast_in_dim3A : vector<16xi1>, vector<16xi32>
      %swap3A = arith.constant 0 : i32
      %swap3A_50 = arith.index_cast %swap3A : i32 to index
      %swap3A_51 = arith.constant 0 : index
      %swap3A_52 = tpu.vector_load %arg7[%swap3A_50, %swap3A_51] {strides = array<i32>} : memref<1x128xi32, #tpu.memory_space<vmem>>, vector<1x16xi32>,
      %swap3A_53 = vector.shape_cast %swap3A_52 : vector<1x16xi32> to vector<16xi32>
      %swap3A_54 = vector.shape_cast %select_n3A_49 : vector<16xi32> to vector<1x16xi32>
      tpu.vector_store %arg7[%swap3A_50, %swap3A_51], %swap3A_54 {strides = array<i32>} : memref<1x128xi32, #tpu.memory_space<vmem>>, vector<1x16xi32>,
      %get3A_55 = arith.constant 0 : i32
      %get3A_56 = arith.index_cast %get3A_55 : i32 to index
      %get3A_57 = arith.constant 16 : index
      %get3A_58 = tpu.vector_load %arg6[%get3A_56, %get3A_57] {strides = array<i32>} : memref<1x128xi32, #tpu.memory_space<vmem>>, vector<1x16xi32>,
      %get3A_59 = vector.shape_cast %get3A_58 : vector<1x16xi32> to vector<16xi32>
      %sub3A_60 = vector.broadcast %mul3A_0 : i32 to vector<16xi32>
      %sub3A_61 = arith.subi %get3A_59, %sub3A_60 : vector<16xi32>
      %ge3A_62 = arith.constant 0 : i32
      %ge3A_63 = vector.broadcast %ge3A_62 : i32 to vector<16xi32>
      %ge3A_64 = arith.cmpi sge, %sub3A_61, %ge3A_63 : vector<16xi32>
      %lt3A_65 = arith.constant 12500 : i32
      %lt3A_66 = vector.broadcast %lt3A_65 : i32 to vector<16xi32>
      %lt3A_67 = arith.cmpi slt, %sub3A_61, %lt3A_66 : vector<16xi32>
      %and3A_68 = arith.andi %ge3A_64, %lt3A_67 : vector<16xi1>
      %jit3A_69 = arith.constant 12500 : i32
      %broadcast_in_dim3A_70 = vector.broadcast %jit3A_69 : i32 to vector<16xi32>
      %select_n3A_71 = arith.select %and3A_68, %sub3A_61, %broadcast_in_dim3A_70 : vector<16xi1>, vector<16xi32>
      %swap3A_72 = arith.constant 0 : i32
      %swap3A_73 = arith.index_cast %swap3A_72 : i32 to index
      %swap3A_74 = arith.constant 16 : index
      %swap3A_75 = tpu.vector_load %arg7[%swap3A_73, %swap3A_74] {strides = array<i32>} : memref<1x128xi32, #tpu.memory_space<vmem>>, vector<1x16xi32>,
      %swap3A_76 = vector.shape_cast %swap3A_75 : vector<1x16xi32> to vector<16xi32>
      %swap3A_77 = vector.shape_cast %select_n3A_71 : vector<16xi32> to vector<1x16xi32>
      tpu.vector_store %arg7[%swap3A_73, %swap3A_74], %swap3A_77 {strides = array<i32>} : memref<1x128xi32, #tpu.memory_space<vmem>>, vector<1x16xi32>,
      %get3A_78 = arith.constant 0 : i32
      %get3A_79 = arith.index_cast %get3A_78 : i32 to index
      %get3A_80 = arith.constant 32 : index
      %get3A_81 = tpu.vector_load %arg6[%get3A_79, %get3A_80] {strides = array<i32>} : memref<1x128xi32, #tpu.memory_space<vmem>>, vector<1x16xi32>,
      %get3A_82 = vector.shape_cast %get3A_81 : vector<1x16xi32> to vector<16xi32>
      %sub3A_83 = vector.broadcast %mul3A_0 : i32 to vector<16xi32>
      %sub3A_84 = arith.subi %get3A_82, %sub3A_83 : vector<16xi32>
      %ge3A_85 = arith.constant 0 : i32
      %ge3A_86 = vector.broadcast %ge3A_85 : i32 to vector<16xi32>
      %ge3A_87 = arith.cmpi sge, %sub3A_84, %ge3A_86 : vector<16xi32>
      %lt3A_88 = arith.constant 12500 : i32
      %lt3A_89 = vector.broadcast %lt3A_88 : i32 to vector<16xi32>
      %lt3A_90 = arith.cmpi slt, %sub3A_84, %lt3A_89 : vector<16xi32>
      %and3A_91 = arith.andi %ge3A_87, %lt3A_90 : vector<16xi1>
      %jit3A_92 = arith.constant 12500 : i32
      %broadcast_in_dim3A_93 = vector.broadcast %jit3A_92 : i32 to vector<16xi32>
      %select_n3A_94 = arith.select %and3A_91, %sub3A_84, %broadcast_in_dim3A_93 : vector<16xi1>, vector<16xi32>
      %swap3A_95 = arith.constant 0 : i32
      %swap3A_96 = arith.index_cast %swap3A_95 : i32 to index
      %swap3A_97 = arith.constant 32 : index
      %swap3A_98 = tpu.vector_load %arg7[%swap3A_96, %swap3A_97] {strides = array<i32>} : memref<1x128xi32, #tpu.memory_space<vmem>>, vector<1x16xi32>,
      %swap3A_99 = vector.shape_cast %swap3A_98 : vector<1x16xi32> to vector<16xi32>
      %swap3A_100 = vector.shape_cast %select_n3A_94 : vector<16xi32> to vector<1x16xi32>
      tpu.vector_store %arg7[%swap3A_96, %swap3A_97], %swap3A_100 {strides = array<i32>} : memref<1x128xi32, #tpu.memory_space<vmem>>, vector<1x16xi32>,
      %get3A_101 = arith.constant 0 : i32
      %get3A_102 = arith.index_cast %get3A_101 : i32 to index
      %get3A_103 = arith.constant 48 : index
      %get3A_104 = tpu.vector_load %arg6[%get3A_102, %get3A_103] {strides = array<i32>} : memref<1x128xi32, #tpu.memory_space<vmem>>, vector<1x16xi32>,
      %get3A_105 = vector.shape_cast %get3A_104 : vector<1x16xi32> to vector<16xi32>
      %sub3A_106 = vector.broadcast %mul3A_0 : i32 to vector<16xi32>
      %sub3A_107 = arith.subi %get3A_105, %sub3A_106 : vector<16xi32>
      %ge3A_108 = arith.constant 0 : i32
      %ge3A_109 = vector.broadcast %ge3A_108 : i32 to vector<16xi32>
      %ge3A_110 = arith.cmpi sge, %sub3A_107, %ge3A_109 : vector<16xi32>
      %lt3A_111 = arith.constant 12500 : i32
      %lt3A_112 = vector.broadcast %lt3A_111 : i32 to vector<16xi32>
      %lt3A_113 = arith.cmpi slt, %sub3A_107, %lt3A_112 : vector<16xi32>
      %and3A_114 = arith.andi %ge3A_110, %lt3A_113 : vector<16xi1>
      %jit3A_115 = arith.constant 12500 : i32
      %broadcast_in_dim3A_116 = vector.broadcast %jit3A_115 : i32 to vector<16xi32>
      %select_n3A_117 = arith.select %and3A_114, %sub3A_107, %broadcast_in_dim3A_116 : vector<16xi1>, vector<16xi32>
      %swap3A_118 = arith.constant 0 : i32
      %swap3A_119 = arith.index_cast %swap3A_118 : i32 to index
      %swap3A_120 = arith.constant 48 : index
      %swap3A_121 = tpu.vector_load %arg7[%swap3A_119, %swap3A_120] {strides = array<i32>} : memref<1x128xi32, #tpu.memory_space<vmem>>, vector<1x16xi32>,
      %swap3A_122 = vector.shape_cast %swap3A_121 : vector<1x16xi32> to vector<16xi32>
      %swap3A_123 = vector.shape_cast %select_n3A_117 : vector<16xi32> to vector<1x16xi32>
      tpu.vector_store %arg7[%swap3A_119, %swap3A_120], %swap3A_123 {strides = array<i32>} : memref<1x128xi32, #tpu.memory_space<vmem>>, vector<1x16xi32>,
      %get3A_124 = arith.constant 0 : i32
      %get3A_125 = arith.index_cast %get3A_124 : i32 to index
      %get3A_126 = arith.constant 64 : index
      %get3A_127 = tpu.vector_load %arg6[%get3A_125, %get3A_126] {strides = array<i32>} : memref<1x128xi32, #tpu.memory_space<vmem>>, vector<1x16xi32>,
      %get3A_128 = vector.shape_cast %get3A_127 : vector<1x16xi32> to vector<16xi32>
      %sub3A_129 = vector.broadcast %mul3A_0 : i32 to vector<16xi32>
      %sub3A_130 = arith.subi %get3A_128, %sub3A_129 : vector<16xi32>
      %ge3A_131 = arith.constant 0 : i32
      %ge3A_132 = vector.broadcast %ge3A_131 : i32 to vector<16xi32>
      %ge3A_133 = arith.cmpi sge, %sub3A_130, %ge3A_132 : vector<16xi32>
      %lt3A_134 = arith.constant 12500 : i32
      %lt3A_135 = vector.broadcast %lt3A_134 : i32 to vector<16xi32>
      %lt3A_136 = arith.cmpi slt, %sub3A_130, %lt3A_135 : vector<16xi32>
      %and3A_137 = arith.andi %ge3A_133, %lt3A_136 : vector<16xi1>
      %jit3A_138 = arith.constant 12500 : i32
      %broadcast_in_dim3A_139 = vector.broadcast %jit3A_138 : i32 to vector<16xi32>
      %select_n3A_140 = arith.select %and3A_137, %sub3A_130, %broadcast_in_dim3A_139 : vector<16xi1>, vector<16xi32>
      %swap3A_141 = arith.constant 0 : i32
      %swap3A_142 = arith.index_cast %swap3A_141 : i32 to index
      %swap3A_143 = arith.constant 64 : index
      %swap3A_144 = tpu.vector_load %arg7[%swap3A_142, %swap3A_143] {strides = array<i32>} : memref<1x128xi32, #tpu.memory_space<vmem>>, vector<1x16xi32>,
      %swap3A_145 = vector.shape_cast %swap3A_144 : vector<1x16xi32> to vector<16xi32>
      %swap3A_146 = vector.shape_cast %select_n3A_140 : vector<16xi32> to vector<1x16xi32>
      tpu.vector_store %arg7[%swap3A_142, %swap3A_143], %swap3A_146 {strides = array<i32>} : memref<1x128xi32, #tpu.memory_space<vmem>>, vector<1x16xi32>,
      %get3A_147 = arith.constant 0 : i32
      %get3A_148 = arith.index_cast %get3A_147 : i32 to index
      %get3A_149 = arith.constant 80 : index
      %get3A_150 = tpu.vector_load %arg6[%get3A_148, %get3A_149] {strides = array<i32>} : memref<1x128xi32, #tpu.memory_space<vmem>>, vector<1x16xi32>,
      %get3A_151 = vector.shape_cast %get3A_150 : vector<1x16xi32> to vector<16xi32>
      %sub3A_152 = vector.broadcast %mul3A_0 : i32 to vector<16xi32>
      %sub3A_153 = arith.subi %get3A_151, %sub3A_152 : vector<16xi32>
      %ge3A_154 = arith.constant 0 : i32
      %ge3A_155 = vector.broadcast %ge3A_154 : i32 to vector<16xi32>
      %ge3A_156 = arith.cmpi sge, %sub3A_153, %ge3A_155 : vector<16xi32>
      %lt3A_157 = arith.constant 12500 : i32
      %lt3A_158 = vector.broadcast %lt3A_157 : i32 to vector<16xi32>
      %lt3A_159 = arith.cmpi slt, %sub3A_153, %lt3A_158 : vector<16xi32>
      %and3A_160 = arith.andi %ge3A_156, %lt3A_159 : vector<16xi1>
      %jit3A_161 = arith.constant 12500 : i32
      %broadcast_in_dim3A_162 = vector.broadcast %jit3A_161 : i32 to vector<16xi32>
      %select_n3A_163 = arith.select %and3A_160, %sub3A_153, %broadcast_in_dim3A_162 : vector<16xi1>, vector<16xi32>
      %swap3A_164 = arith.constant 0 : i32
      %swap3A_165 = arith.index_cast %swap3A_164 : i32 to index
      %swap3A_166 = arith.constant 80 : index
      %swap3A_167 = tpu.vector_load %arg7[%swap3A_165, %swap3A_166] {strides = array<i32>} : memref<1x128xi32, #tpu.memory_space<vmem>>, vector<1x16xi32>,
      %swap3A_168 = vector.shape_cast %swap3A_167 : vector<1x16xi32> to vector<16xi32>
      %swap3A_169 = vector.shape_cast %select_n3A_163 : vector<16xi32> to vector<1x16xi32>
      tpu.vector_store %arg7[%swap3A_165, %swap3A_166], %swap3A_169 {strides = array<i32>} : memref<1x128xi32, #tpu.memory_space<vmem>>, vector<1x16xi32>,
      %get3A_170 = arith.constant 0 : i32
      %get3A_171 = arith.index_cast %get3A_170 : i32 to index
      %get3A_172 = arith.constant 96 : index
      %get3A_173 = tpu.vector_load %arg6[%get3A_171, %get3A_172] {strides = array<i32>} : memref<1x128xi32, #tpu.memory_space<vmem>>, vector<1x16xi32>,
      %get3A_174 = vector.shape_cast %get3A_173 : vector<1x16xi32> to vector<16xi32>
      %sub3A_175 = vector.broadcast %mul3A_0 : i32 to vector<16xi32>
      %sub3A_176 = arith.subi %get3A_174, %sub3A_175 : vector<16xi32>
      %ge3A_177 = arith.constant 0 : i32
      %ge3A_178 = vector.broadcast %ge3A_177 : i32 to vector<16xi32>
      %ge3A_179 = arith.cmpi sge, %sub3A_176, %ge3A_178 : vector<16xi32>
      %lt3A_180 = arith.constant 12500 : i32
      %lt3A_181 = vector.broadcast %lt3A_180 : i32 to vector<16xi32>
      %lt3A_182 = arith.cmpi slt, %sub3A_176, %lt3A_181 : vector<16xi32>
      %and3A_183 = arith.andi %ge3A_179, %lt3A_182 : vector<16xi1>
      %jit3A_184 = arith.constant 12500 : i32
      %broadcast_in_dim3A_185 = vector.broadcast %jit3A_184 : i32 to vector<16xi32>
      %select_n3A_186 = arith.select %and3A_183, %sub3A_176, %broadcast_in_dim3A_185 : vector<16xi1>, vector<16xi32>
      %swap3A_187 = arith.constant 0 : i32
      %swap3A_188 = arith.index_cast %swap3A_187 : i32 to index
      %swap3A_189 = arith.constant 96 : index
      %swap3A_190 = tpu.vector_load %arg7[%swap3A_188, %swap3A_189] {strides = array<i32>} : memref<1x128xi32, #tpu.memory_space<vmem>>, vector<1x16xi32>,
      %swap3A_191 = vector.shape_cast %swap3A_190 : vector<1x16xi32> to vector<16xi32>
      %swap3A_192 = vector.shape_cast %select_n3A_186 : vector<16xi32> to vector<1x16xi32>
      tpu.vector_store %arg7[%swap3A_188, %swap3A_189], %swap3A_192 {strides = array<i32>} : memref<1x128xi32, #tpu.memory_space<vmem>>, vector<1x16xi32>,
      %get3A_193 = arith.constant 0 : i32
      %get3A_194 = arith.index_cast %get3A_193 : i32 to index
      %get3A_195 = arith.constant 112 : index
      %get3A_196 = tpu.vector_load %arg6[%get3A_194, %get3A_195] {strides = array<i32>} : memref<1x128xi32, #tpu.memory_space<vmem>>, vector<1x16xi32>,
      %get3A_197 = vector.shape_cast %get3A_196 : vector<1x16xi32> to vector<16xi32>
      %sub3A_198 = vector.broadcast %mul3A_0 : i32 to vector<16xi32>
      %sub3A_199 = arith.subi %get3A_197, %sub3A_198 : vector<16xi32>
      %ge3A_200 = arith.constant 0 : i32
      %ge3A_201 = vector.broadcast %ge3A_200 : i32 to vector<16xi32>
      %ge3A_202 = arith.cmpi sge, %sub3A_199, %ge3A_201 : vector<16xi32>
      %lt3A_203 = arith.constant 12500 : i32
      %lt3A_204 = vector.broadcast %lt3A_203 : i32 to vector<16xi32>
      %lt3A_205 = arith.cmpi slt, %sub3A_199, %lt3A_204 : vector<16xi32>
      %and3A_206 = arith.andi %ge3A_202, %lt3A_205 : vector<16xi1>
      %jit3A_207 = arith.constant 12500 : i32
      %broadcast_in_dim3A_208 = vector.broadcast %jit3A_207 : i32 to vector<16xi32>
      %select_n3A_209 = arith.select %and3A_206, %sub3A_199, %broadcast_in_dim3A_208 : vector<16xi1>, vector<16xi32>
      %swap3A_210 = arith.constant 0 : i32
      %swap3A_211 = arith.index_cast %swap3A_210 : i32 to index
      %swap3A_212 = arith.constant 112 : index
      %swap3A_213 = tpu.vector_load %arg7[%swap3A_211, %swap3A_212] {strides = array<i32>} : memref<1x128xi32, #tpu.memory_space<vmem>>, vector<1x16xi32>,
      %swap3A_214 = vector.shape_cast %swap3A_213 : vector<1x16xi32> to vector<16xi32>
      %swap3A_215 = vector.shape_cast %select_n3A_209 : vector<16xi32> to vector<1x16xi32>
      tpu.vector_store %arg7[%swap3A_211, %swap3A_212], %swap3A_215 {strides = array<i32>} : memref<1x128xi32, #tpu.memory_space<vmem>>, vector<1x16xi32>,
      "tpu.region"() ({
        %run_scoped3A_216 = tpu.sem_alloc : memref<!tpu.dma_semaphore, #tpu.memory_space<semaphore_mem>>
        %dma_start3A = arith.constant 0 : i32
        %dma_start3A_217 = tpu.memref_slice %arg2[%multiple_of3A_20, %dma_start3A] : memref<819200x128xf32, #tpu.memory_space<hbm>> -> memref<128x128xf32, #tpu.memory_space<hbm>>
        %dma_start3A_218 = arith.constant 0 : i32
        %dma_start3A_219 = tpu.memref_slice %arg2[%multiple_of3A_20, %dma_start3A_218] : memref<819200x128xf32, #tpu.memory_space<hbm>> -> memref<128x128xf32, #tpu.memory_space<hbm>>
        tpu.enqueue_dma source(%dma_start3A_219 : memref<128x128xf32, #tpu.memory_space<hbm>>) target(%arg8 : memref<128x128xf32, #tpu.memory_space<vmem>>) target_semaphore(%run_scoped3A_216 : memref<!tpu.dma_semaphore, #tpu.memory_space<semaphore_mem>>)
        %dma_wait3A = arith.constant 0 : i32
        %dma_wait3A_220 = tpu.memref_slice %arg2[%multiple_of3A_20, %dma_wait3A] : memref<819200x128xf32, #tpu.memory_space<hbm>> -> memref<128x128xf32, #tpu.memory_space<hbm>>
        %dma_wait3A_221 = arith.constant 0 : i32
        %dma_wait3A_222 = tpu.memref_slice %arg2[%multiple_of3A_20, %dma_wait3A_221] : memref<819200x128xf32, #tpu.memory_space<hbm>> -> memref<128x128xf32, #tpu.memory_space<hbm>>
        tpu.wait_dma2 semaphore(%run_scoped3A_216 : memref<!tpu.dma_semaphore, #tpu.memory_space<semaphore_mem>>) src(%dma_wait3A_222 : memref<128x128xf32, #tpu.memory_space<hbm>>) dst(%arg8 : memref<128x128xf32, #tpu.memory_space<vmem>>)
        tpu.yield
      }) : () -> ()
      %run_scoped3A = arith.constant 0 : i32
      "tpu.region"() ({
        %run_scoped3A_216 = tpu.sem_alloc : memref<!tpu.dma_semaphore, #tpu.memory_space<semaphore_mem>>
        %dma_start3A = arith.constant 0 : i32
        %dma_start3A_217 = tpu.memref_slice %arg7[%run_scoped3A, %dma_start3A] : memref<1x128xi32, #tpu.memory_space<vmem>> -> memref<1x128xi32, #tpu.memory_space<vmem>>
        %dma_start3A_218 = tpu.memref_squeeze %dma_start3A_217 : memref<1x128xi32, #tpu.memory_space<vmem>> -> memref<128xi32, #tpu.memory_space<vmem>>
        %dma_start3A_219 = arith.constant 0 : i32
        %dma_start3A_220 = arith.constant 0 : i32
        %dma_start3A_221 = tpu.memref_slice %arg9[%dma_start3A_219, %dma_start3A_220] : memref<12544x128xf32, #tpu.memory_space<vmem_shared>> -> memref<12544x128xf32, #tpu.memory_space<vmem_shared>>
        tpu.enqueue_indirect_dma source(%arg8 : memref<128x128xf32, #tpu.memory_space<vmem>>) target(%dma_start3A_221 : memref<12544x128xf32, #tpu.memory_space<vmem_shared>>) offsets(%dma_start3A_218 : memref<128xi32, #tpu.memory_space<vmem>>) semaphore(%run_scoped3A_216 : memref<!tpu.dma_semaphore, #tpu.memory_space<semaphore_mem>>) {add = true}
        %dma_wait3A = arith.constant 0 : i32
        %dma_wait3A_222 = tpu.memref_slice %arg7[%run_scoped3A, %dma_wait3A] : memref<1x128xi32, #tpu.memory_space<vmem>> -> memref<1x128xi32, #tpu.memory_space<vmem>>
        %dma_wait3A_223 = tpu.memref_squeeze %dma_wait3A_222 : memref<1x128xi32, #tpu.memory_space<vmem>> -> memref<128xi32, #tpu.memory_space<vmem>>
        %dma_wait3A_224 = arith.constant 0 : i32
        %dma_wait3A_225 = arith.constant 0 : i32
        %dma_wait3A_226 = tpu.memref_slice %arg9[%dma_wait3A_224, %dma_wait3A_225] : memref<12544x128xf32, #tpu.memory_space<vmem_shared>> -> memref<12544x128xf32, #tpu.memory_space<vmem_shared>>
        tpu.wait_indirect_dma semaphore(%run_scoped3A_216 : memref<!tpu.dma_semaphore, #tpu.memory_space<semaphore_mem>>) src(%arg8 : memref<128x128xf32, #tpu.memory_space<vmem>>) dst(%dma_wait3A_226 : memref<12544x128xf32, #tpu.memory_space<vmem_shared>>)
        tpu.yield
      }) : () -> ()
    }
    %scan3A_9 = arith.constant 400 : i32
    %barrier3A_10 = arith.constant 0 : index
    tpu.barrier barrier_id(%barrier3A_10)
    %mul3A_11 = arith.constant 784 : i32
    %mul3A_12 = arith.muli %arg1, %mul3A_11 : i32
    %multiple_of3A_13 = tpu.assume_multiple %mul3A_12, 8 : i32
    %mul3A_14 = arith.constant 784 : i32
    %mul3A_15 = arith.muli %arg1, %mul3A_14 : i32
    %multiple_of3A_16 = tpu.assume_multiple %mul3A_15, 8 : i32
    "tpu.region"() ({
      %run_scoped3A = tpu.sem_alloc : memref<!tpu.dma_semaphore, #tpu.memory_space<semaphore_mem>>
      %dma_start3A = arith.constant 0 : i32
      %dma_start3A_17 = tpu.memref_slice %arg5[%arg0, %multiple_of3A_16, %dma_start3A] : memref<2x12544x128xf32, #tpu.memory_space<hbm>> -> memref<1x784x128xf32, #tpu.memory_space<hbm>>
      %dma_start3A_18 = tpu.memref_squeeze %dma_start3A_17 : memref<1x784x128xf32, #tpu.memory_space<hbm>> -> memref<784x128xf32, #tpu.memory_space<hbm>>
      %dma_start3A_19 = arith.constant 0 : i32
      %dma_start3A_20 = tpu.memref_slice %arg9[%multiple_of3A_13, %dma_start3A_19] : memref<12544x128xf32, #tpu.memory_space<vmem_shared>> -> memref<784x128xf32, #tpu.memory_space<vmem_shared>>
      tpu.enqueue_dma source(%dma_start3A_20 : memref<784x128xf32, #tpu.memory_space<vmem_shared>>) target(%dma_start3A_18 : memref<784x128xf32, #tpu.memory_space<hbm>>) target_semaphore(%run_scoped3A : memref<!tpu.dma_semaphore, #tpu.memory_space<semaphore_mem>>)
      %dma_wait3A = arith.constant 0 : i32
      %dma_wait3A_21 = tpu.memref_slice %arg5[%arg0, %multiple_of3A_16, %dma_wait3A] : memref<2x12544x128xf32, #tpu.memory_space<hbm>> -> memref<1x784x128xf32, #tpu.memory_space<hbm>>
      %dma_wait3A_22 = tpu.memref_squeeze %dma_wait3A_21 : memref<1x784x128xf32, #tpu.memory_space<hbm>> -> memref<784x128xf32, #tpu.memory_space<hbm>>
      %dma_wait3A_23 = arith.constant 0 : i32
      %dma_wait3A_24 = tpu.memref_slice %arg9[%multiple_of3A_13, %dma_wait3A_23] : memref<12544x128xf32, #tpu.memory_space<vmem_shared>> -> memref<784x128xf32, #tpu.memory_space<vmem_shared>>
      tpu.wait_dma2 semaphore(%run_scoped3A : memref<!tpu.dma_semaphore, #tpu.memory_space<semaphore_mem>>) src(%dma_wait3A_24 : memref<784x128xf32, #tpu.memory_space<vmem_shared>>) dst(%dma_wait3A_22 : memref<784x128xf32, #tpu.memory_space<hbm>>)
      tpu.yield
    }) : () -> ()
    return
  }
}

module attributes {stable_mosaic.version = 14 : i64} {
  func.func @_embed_body(%arg0: i32, %arg1: memref<2000x16xf32, #tpu.memory_space<vmem>>, %arg2: memref<16x64xf32, #tpu.memory_space<vmem>>, %arg3: memref<1x64xf32, #tpu.memory_space<vmem>>, %arg4: memref<1x1x2000xi32, #tpu.memory_space<vmem>>, %arg5: memref<2000x64xf32, #tpu.memory_space<vmem>>, %arg6: memref<64x64xf32, #tpu.memory_space<vmem>>) attributes {dimension_semantics = [#tpu.dimension_semantics<arbitrary>], iteration_bounds = array<i64: 25>, scalar_prefetch = 0 : i64, scratch_operands = 0 : i64, tpu.core_type = #tpu.core_type<tc>, window_params = [{transform_indices = @transform_0, window_bounds = array<i64: 2000, 16>}, {pipeline_mode = #tpu.pipeline_mode<synchronous>, transform_indices = @transform_1, window_bounds = array<i64: 16, 64>}, {pipeline_mode = #tpu.pipeline_mode<synchronous>, transform_indices = @transform_2, window_bounds = array<i64: 1, 64>}, {transform_indices = @transform_3, window_bounds = array<i64: 1, 1, 2000>}, {transform_indices = @transform_4, window_bounds = array<i64: 2000, 64>}, {pipeline_mode = #tpu.pipeline_mode<synchronous>, transform_indices = @transform_5, window_bounds = array<i64: 64, 64>}]} {
    %get3A = arith.constant 0 : index
    %get3A_0 = arith.constant 0 : index
    %get3A_1 = vector.load %arg1[%get3A, %get3A_0] : memref<2000x16xf32, #tpu.memory_space<vmem>>, vector<2000x16xf32>
    %get3A_2 = arith.constant 0 : index
    %get3A_3 = arith.constant 0 : index
    %get3A_4 = vector.load %arg2[%get3A_2, %get3A_3] : memref<16x64xf32, #tpu.memory_space<vmem>>, vector<16x64xf32>
    %dot_general3A = arith.constant dense<0.000000e+00> : vector<2000x64xf32>
    %dot_general3A_5 = tpu.matmul %get3A_1, %get3A_4, %dot_general3A {dimension_numbers = #tpu.dot_dimension_numbers<[1], [0], [0], [1], [0, 0, 1, 1], [], []>, transpose_lhs_hint = false} : vector<2000x16xf32>, vector<16x64xf32>, vector<2000x64xf32> -> vector<2000x64xf32>
    %get3A_6 = arith.constant 0 : index
    %get3A_7 = arith.constant 0 : index
    %get3A_8 = vector.load %arg3[%get3A_6, %get3A_7] : memref<1x64xf32, #tpu.memory_space<vmem>>, vector<1x64xf32>
    %add3A = vector.broadcast %get3A_8 : vector<1x64xf32> to vector<2000x64xf32>
    %add3A_9 = arith.addf %dot_general3A_5, %add3A : vector<2000x64xf32>
    %swap3A = arith.constant 0 : index
    %swap3A_10 = arith.constant 0 : index
    %swap3A_11 = vector.load %arg5[%swap3A, %swap3A_10] : memref<2000x64xf32, #tpu.memory_space<vmem>>, vector<2000x64xf32>
    tpu.vector_store %arg5[%swap3A, %swap3A_10], %add3A_9 {strides = array<i32>} : memref<2000x64xf32, #tpu.memory_space<vmem>>, vector<2000x64xf32>,
    %get3A_12 = arith.constant 0 : index
    %get3A_13 = arith.constant 0 : index
    %get3A_14 = arith.constant 0 : index
    %get3A_15 = vector.load %arg4[%get3A_12, %get3A_13, %get3A_14] : memref<1x1x2000xi32, #tpu.memory_space<vmem>>, vector<1x1x2000xi32>
    %reshape3A = vector.shape_cast %get3A_15 : vector<1x1x2000xi32> to vector<2000x1xi32>
    %iota3A = tpu.iota {dimensions = array<i32: 1>} : vector<1x64xi32>
    %eq3A = vector.broadcast %reshape3A : vector<2000x1xi32> to vector<2000x64xi32>
    %eq3A_16 = vector.broadcast %iota3A : vector<1x64xi32> to vector<2000x64xi32>
    %eq3A_17 = arith.cmpi eq, %eq3A, %eq3A_16 : vector<2000x64xi32>
    %convert_element_type3A = arith.extui %eq3A_17 : vector<2000x64xi1> to vector<2000x64xi32>
    %convert_element_type3A_18 = arith.sitofp %convert_element_type3A : vector<2000x64xi32> to vector<2000x64xf32>
    %eq3A_19 = arith.constant 0 : i32
    %eq3A_20 = arith.cmpi eq, %arg0, %eq3A_19 : i32
    %convert_element_type3A_21 = arith.extui %eq3A_20 : i1 to i32
    %cond3A = arith.constant 0 : i32
    %cond3A_22 = arith.cmpi ne, %convert_element_type3A_21, %cond3A : i32
    scf.if %cond3A_22 {
      %broadcast_in_dim3A = arith.constant 0.000000e+00 : f32
      %broadcast_in_dim3A_32 = vector.broadcast %broadcast_in_dim3A : f32 to vector<64x64xf32>
      %swap3A_33 = arith.constant 0 : index
      %swap3A_34 = arith.constant 0 : index
      %swap3A_35 = vector.load %arg6[%swap3A_33, %swap3A_34] : memref<64x64xf32, #tpu.memory_space<vmem>>, vector<64x64xf32>
      tpu.vector_store %arg6[%swap3A_33, %swap3A_34], %broadcast_in_dim3A_32 {strides = array<i32>} : memref<64x64xf32, #tpu.memory_space<vmem>>, vector<64x64xf32>,
    } else {
    }
    %get3A_23 = arith.constant 0 : index
    %get3A_24 = arith.constant 0 : index
    %get3A_25 = vector.load %arg6[%get3A_23, %get3A_24] : memref<64x64xf32, #tpu.memory_space<vmem>>, vector<64x64xf32>
    %dot_general3A_26 = arith.constant dense<0.000000e+00> : vector<64x64xf32>
    %dot_general3A_27 = tpu.matmul %convert_element_type3A_18, %add3A_9, %dot_general3A_26 {dimension_numbers = #tpu.dot_dimension_numbers<[0], [0], [1], [1], [0, 1, 1, 1], [], []>, transpose_lhs_hint = false} : vector<2000x64xf32>, vector<2000x64xf32>, vector<64x64xf32> -> vector<64x64xf32>
    %add3A_28 = arith.addf %get3A_25, %dot_general3A_27 : vector<64x64xf32>
    %swap3A_29 = arith.constant 0 : index
    %swap3A_30 = arith.constant 0 : index
    %swap3A_31 = vector.load %arg6[%swap3A_29, %swap3A_30] : memref<64x64xf32, #tpu.memory_space<vmem>>, vector<64x64xf32>
    tpu.vector_store %arg6[%swap3A_29, %swap3A_30], %add3A_28 {strides = array<i32>} : memref<64x64xf32, #tpu.memory_space<vmem>>, vector<64x64xf32>,
    return
  }
  func.func @transform_0(%arg0: i32) -> (i32, i32) {
    %c0_i32 = arith.constant 0 : i32
    %c0_i32_0 = arith.constant 0 : i32
    return %arg0, %c0_i32 : i32, i32
  }
  func.func @transform_1(%arg0: i32) -> (i32, i32) {
    %c0_i32 = arith.constant 0 : i32
    %c0_i32_0 = arith.constant 0 : i32
    %c0_i32_1 = arith.constant 0 : i32
    return %c0_i32, %c0_i32_0 : i32, i32
  }
  func.func @transform_2(%arg0: i32) -> (i32, i32) {
    %c0_i32 = arith.constant 0 : i32
    %c0_i32_0 = arith.constant 0 : i32
    %c0_i32_1 = arith.constant 0 : i32
    return %c0_i32, %c0_i32_0 : i32, i32
  }
  func.func @transform_3(%arg0: i32) -> (i32, i32, i32) {
    %c0_i32 = arith.constant 0 : i32
    %c0_i32_0 = arith.constant 0 : i32
    %c0_i32_1 = arith.constant 0 : i32
    return %arg0, %c0_i32, %c0_i32_0 : i32, i32, i32
  }
  func.func @transform_4(%arg0: i32) -> (i32, i32) {
    %c0_i32 = arith.constant 0 : i32
    %c0_i32_0 = arith.constant 0 : i32
    return %arg0, %c0_i32 : i32, i32
  }
  func.func @transform_5(%arg0: i32) -> (i32, i32) {
    %c0_i32 = arith.constant 0 : i32
    %c0_i32_0 = arith.constant 0 : i32
    %c0_i32_1 = arith.constant 0 : i32
    return %c0_i32, %c0_i32_0 : i32, i32
  }
}

module attributes {stable_mosaic.version = 14 : i64} {
  func.func @_msg_body(%arg0: i32, %arg1: memref<4096x128xf32, #tpu.memory_space<vmem>>, %arg2: memref<1x1x4096xi32, #tpu.memory_space<vmem>>, %arg3: memref<1x1x4096xi32, #tpu.memory_space<vmem>>, %arg4: memref<1x1x4096xi32, #tpu.memory_space<vmem>>, %arg5: memref<8x64xf32, #tpu.memory_space<vmem>>, %arg6: memref<4096x128xf32, #tpu.memory_space<vmem>>) attributes {dimension_semantics = [#tpu.dimension_semantics<arbitrary>], iteration_bounds = array<i64: 200>, scalar_prefetch = 0 : i64, scratch_operands = 0 : i64, tpu.core_type = #tpu.core_type<tc>, window_params = [{transform_indices = @transform_0, window_bounds = array<i64: 4096, 128>}, {transform_indices = @transform_1, window_bounds = array<i64: 1, 1, 4096>}, {transform_indices = @transform_2, window_bounds = array<i64: 1, 1, 4096>}, {transform_indices = @transform_3, window_bounds = array<i64: 1, 1, 4096>}, {pipeline_mode = #tpu.pipeline_mode<synchronous>, transform_indices = @transform_4, window_bounds = array<i64: 8, 64>}, {transform_indices = @transform_5, window_bounds = array<i64: 4096, 128>}]} {
    %get3A = arith.constant 0 : index
    %get3A_0 = arith.constant 0 : index
    %get3A_1 = arith.constant 0 : index
    %get3A_2 = vector.load %arg2[%get3A, %get3A_0, %get3A_1] : memref<1x1x4096xi32, #tpu.memory_space<vmem>>, vector<1x1x4096xi32>
    %reshape3A = vector.shape_cast %get3A_2 : vector<1x1x4096xi32> to vector<4096x1xi32>
    %iota3A = tpu.iota {dimensions = array<i32: 1>} : vector<1x8xi32>
    %eq3A = vector.broadcast %reshape3A : vector<4096x1xi32> to vector<4096x8xi32>
    %eq3A_3 = vector.broadcast %iota3A : vector<1x8xi32> to vector<4096x8xi32>
    %eq3A_4 = arith.cmpi eq, %eq3A, %eq3A_3 : vector<4096x8xi32>
    %convert_element_type3A = arith.extui %eq3A_4 : vector<4096x8xi1> to vector<4096x8xi32>
    %convert_element_type3A_5 = arith.sitofp %convert_element_type3A : vector<4096x8xi32> to vector<4096x8xf32>
    %get3A_6 = arith.constant 0 : index
    %get3A_7 = arith.constant 0 : index
    %get3A_8 = vector.load %arg5[%get3A_6, %get3A_7] : memref<8x64xf32, #tpu.memory_space<vmem>>, vector<8x64xf32>
    %dot_general3A = arith.constant dense<0.000000e+00> : vector<4096x64xf32>
    %dot_general3A_9 = tpu.matmul %convert_element_type3A_5, %get3A_8, %dot_general3A {dimension_numbers = #tpu.dot_dimension_numbers<[1], [0], [0], [1], [0, 0, 1, 1], [], []>, transpose_lhs_hint = false} : vector<4096x8xf32>, vector<8x64xf32>, vector<4096x64xf32> -> vector<4096x64xf32>
    %get3A_10 = arith.constant 0 : index
    %get3A_11 = arith.constant 0 : index
    %get3A_12 = arith.constant 0 : index
    %get3A_13 = vector.load %arg3[%get3A_10, %get3A_11, %get3A_12] : memref<1x1x4096xi32, #tpu.memory_space<vmem>>, vector<1x1x4096xi32>
    %reshape3A_14 = vector.shape_cast %get3A_13 : vector<1x1x4096xi32> to vector<4096x1xi32>
    %get3A_15 = arith.constant 0 : index
    %get3A_16 = arith.constant 0 : index
    %get3A_17 = vector.load %arg1[%get3A_15, %get3A_16] : memref<4096x128xf32, #tpu.memory_space<vmem>>, vector<4096x128xf32>
    %eq3A_18 = arith.constant 1 : i32
    %eq3A_19 = vector.broadcast %eq3A_18 : i32 to vector<4096x1xi32>
    %eq3A_20 = arith.cmpi eq, %reshape3A_14, %eq3A_19 : vector<4096x1xi32>
    %slice3A = vector.extract_strided_slice %get3A_17 {offsets = [0, 64], sizes = [4096, 64], strides = [1, 1]} : vector<4096x128xf32> to vector<4096x64xf32>
    %slice3A_21 = vector.extract_strided_slice %get3A_17 {offsets = [0, 0], sizes = [4096, 64], strides = [1, 1]} : vector<4096x128xf32> to vector<4096x64xf32>
    %broadcast_in_dim3A = vector.shape_cast %eq3A_20 : vector<4096x1xi1> to vector<4096x1xi1>
    %broadcast_in_dim3A_22 = vector.broadcast %broadcast_in_dim3A : vector<4096x1xi1> to vector<4096x64xi1>
    %select_n3A = arith.select %broadcast_in_dim3A_22, %slice3A, %slice3A_21 : vector<4096x64xi1>, vector<4096x64xf32>
    %add3A = arith.addf %select_n3A, %dot_general3A_9 : vector<4096x64xf32>
    %max3A = arith.constant 0.000000e+00 : f32
    %max3A_23 = vector.broadcast %max3A : f32 to vector<4096x64xf32>
    %max3A_24 = arith.maximumf %add3A, %max3A_23 : vector<4096x64xf32>
    %get3A_25 = arith.constant 0 : index
    %get3A_26 = arith.constant 0 : index
    %get3A_27 = arith.constant 0 : index
    %get3A_28 = vector.load %arg4[%get3A_25, %get3A_26, %get3A_27] : memref<1x1x4096xi32, #tpu.memory_space<vmem>>, vector<1x1x4096xi32>
    %reshape3A_29 = vector.shape_cast %get3A_28 : vector<1x1x4096xi32> to vector<4096x1xi32>
    %broadcast_in_dim3A_30 = arith.constant 0.000000e+00 : f32
    %broadcast_in_dim3A_31 = vector.broadcast %broadcast_in_dim3A_30 : f32 to vector<4096x64xf32>
    %eq3A_32 = arith.constant 1 : i32
    %eq3A_33 = vector.broadcast %eq3A_32 : i32 to vector<4096x1xi32>
    %eq3A_34 = arith.cmpi eq, %reshape3A_29, %eq3A_33 : vector<4096x1xi32>
    %concatenate3A = tpu.concatenate %broadcast_in_dim3A_31, %max3A_24 in 1 : vector<4096x64xf32>, vector<4096x64xf32> -> vector<4096x128xf32>
    %concatenate3A_35 = tpu.concatenate %max3A_24, %broadcast_in_dim3A_31 in 1 : vector<4096x64xf32>, vector<4096x64xf32> -> vector<4096x128xf32>
    %broadcast_in_dim3A_36 = vector.shape_cast %eq3A_34 : vector<4096x1xi1> to vector<4096x1xi1>
    %broadcast_in_dim3A_37 = vector.broadcast %broadcast_in_dim3A_36 : vector<4096x1xi1> to vector<4096x128xi1>
    %select_n3A_38 = arith.select %broadcast_in_dim3A_37, %concatenate3A, %concatenate3A_35 : vector<4096x128xi1>, vector<4096x128xf32>
    %swap3A = arith.constant 0 : index
    %swap3A_39 = arith.constant 0 : index
    %swap3A_40 = vector.load %arg6[%swap3A, %swap3A_39] : memref<4096x128xf32, #tpu.memory_space<vmem>>, vector<4096x128xf32>
    tpu.vector_store %arg6[%swap3A, %swap3A_39], %select_n3A_38 {strides = array<i32>} : memref<4096x128xf32, #tpu.memory_space<vmem>>, vector<4096x128xf32>,
    return
  }
  func.func @transform_0(%arg0: i32) -> (i32, i32) {
    %c0_i32 = arith.constant 0 : i32
    %c0_i32_0 = arith.constant 0 : i32
    return %arg0, %c0_i32 : i32, i32
  }
  func.func @transform_1(%arg0: i32) -> (i32, i32, i32) {
    %c0_i32 = arith.constant 0 : i32
    %c0_i32_0 = arith.constant 0 : i32
    %c0_i32_1 = arith.constant 0 : i32
    return %arg0, %c0_i32, %c0_i32_0 : i32, i32, i32
  }
  func.func @transform_2(%arg0: i32) -> (i32, i32, i32) {
    %c0_i32 = arith.constant 0 : i32
    %c0_i32_0 = arith.constant 0 : i32
    %c0_i32_1 = arith.constant 0 : i32
    return %arg0, %c0_i32, %c0_i32_0 : i32, i32, i32
  }
  func.func @transform_3(%arg0: i32) -> (i32, i32, i32) {
    %c0_i32 = arith.constant 0 : i32
    %c0_i32_0 = arith.constant 0 : i32
    %c0_i32_1 = arith.constant 0 : i32
    return %arg0, %c0_i32, %c0_i32_0 : i32, i32, i32
  }
  func.func @transform_4(%arg0: i32) -> (i32, i32) {
    %c0_i32 = arith.constant 0 : i32
    %c0_i32_0 = arith.constant 0 : i32
    %c0_i32_1 = arith.constant 0 : i32
    return %c0_i32, %c0_i32_0 : i32, i32
  }
  func.func @transform_5(%arg0: i32) -> (i32, i32) {
    %c0_i32 = arith.constant 0 : i32
    %c0_i32_0 = arith.constant 0 : i32
    return %arg0, %c0_i32 : i32, i32
  }
}

module attributes {stable_mosaic.version = 14 : i64} {
  func.func @_layer_a_body(%arg0: i32, %arg1: memref<2000x64xf32, #tpu.memory_space<vmem>>, %arg2: memref<2000x64xf32, #tpu.memory_space<vmem>>, %arg3: memref<64x128xf32, #tpu.memory_space<vmem>>, %arg4: memref<1x128xf32, #tpu.memory_space<vmem>>, %arg5: memref<1x1xf32, #tpu.memory_space<vmem>>, %arg6: memref<2000x128xf32, #tpu.memory_space<vmem>>, %arg7: memref<1x128xf32, #tpu.memory_space<vmem>>, %arg8: memref<1x128xf32, #tpu.memory_space<vmem>>) attributes {dimension_semantics = [#tpu.dimension_semantics<arbitrary>], iteration_bounds = array<i64: 25>, scalar_prefetch = 0 : i64, scratch_operands = 0 : i64, tpu.core_type = #tpu.core_type<tc>, window_params = [{transform_indices = @transform_0, window_bounds = array<i64: 2000, 64>}, {transform_indices = @transform_1, window_bounds = array<i64: 2000, 64>}, {pipeline_mode = #tpu.pipeline_mode<synchronous>, transform_indices = @transform_2, window_bounds = array<i64: 64, 128>}, {pipeline_mode = #tpu.pipeline_mode<synchronous>, transform_indices = @transform_3, window_bounds = array<i64: 1, 128>}, {pipeline_mode = #tpu.pipeline_mode<synchronous>, transform_indices = @transform_4, window_bounds = array<i64: 1, 1>}, {transform_indices = @transform_5, window_bounds = array<i64: 2000, 128>}, {pipeline_mode = #tpu.pipeline_mode<synchronous>, transform_indices = @transform_6, window_bounds = array<i64: 1, 128>}, {pipeline_mode = #tpu.pipeline_mode<synchronous>, transform_indices = @transform_7, window_bounds = array<i64: 1, 128>}]} {
    %get3A = arith.constant 0 : index
    %get3A_0 = arith.constant 0 : index
    %get3A_1 = vector.load %arg5[%get3A, %get3A_0] : memref<1x1xf32, #tpu.memory_space<vmem>>, vector<1x1xf32>
    %get3A_2 = vector.extract %get3A_1[0, 0] : f32 from vector<1x1xf32>
    %get3A_3 = arith.constant 0 : index
    %get3A_4 = arith.constant 0 : index
    %get3A_5 = vector.load %arg1[%get3A_3, %get3A_4] : memref<2000x64xf32, #tpu.memory_space<vmem>>, vector<2000x64xf32>
    %mul3A = vector.broadcast %get3A_2 : f32 to vector<2000x64xf32>
    %mul3A_6 = arith.mulf %mul3A, %get3A_5 : vector<2000x64xf32>
    %get3A_7 = arith.constant 0 : index
    %get3A_8 = arith.constant 0 : index
    %get3A_9 = vector.load %arg2[%get3A_7, %get3A_8] : memref<2000x64xf32, #tpu.memory_space<vmem>>, vector<2000x64xf32>
    %add3A = arith.addf %mul3A_6, %get3A_9 : vector<2000x64xf32>
    %max3A = arith.constant 0.000000e+00 : f32
    %max3A_10 = vector.broadcast %max3A : f32 to vector<2000x64xf32>
    %max3A_11 = arith.maximumf %add3A, %max3A_10 : vector<2000x64xf32>
    %get3A_12 = arith.constant 0 : index
    %get3A_13 = arith.constant 0 : index
    %get3A_14 = vector.load %arg3[%get3A_12, %get3A_13] : memref<64x128xf32, #tpu.memory_space<vmem>>, vector<64x128xf32>
    %dot_general3A = arith.constant dense<0.000000e+00> : vector<2000x128xf32>
    %dot_general3A_15 = tpu.matmul %max3A_11, %get3A_14, %dot_general3A {dimension_numbers = #tpu.dot_dimension_numbers<[1], [0], [0], [1], [0, 0, 1, 1], [], []>, transpose_lhs_hint = false} : vector<2000x64xf32>, vector<64x128xf32>, vector<2000x128xf32> -> vector<2000x128xf32>
    %get3A_16 = arith.constant 0 : index
    %get3A_17 = arith.constant 0 : index
    %get3A_18 = vector.load %arg4[%get3A_16, %get3A_17] : memref<1x128xf32, #tpu.memory_space<vmem>>, vector<1x128xf32>
    %add3A_19 = vector.broadcast %get3A_18 : vector<1x128xf32> to vector<2000x128xf32>
    %add3A_20 = arith.addf %dot_general3A_15, %add3A_19 : vector<2000x128xf32>
    %swap3A = arith.constant 0 : index
    %swap3A_21 = arith.constant 0 : index
    %swap3A_22 = vector.load %arg6[%swap3A, %swap3A_21] : memref<2000x128xf32, #tpu.memory_space<vmem>>, vector<2000x128xf32>
    tpu.vector_store %arg6[%swap3A, %swap3A_21], %add3A_20 {strides = array<i32>} : memref<2000x128xf32, #tpu.memory_space<vmem>>, vector<2000x128xf32>,
    %eq3A = arith.constant 0 : i32
    %eq3A_23 = arith.cmpi eq, %arg0, %eq3A : i32
    %convert_element_type3A = arith.extui %eq3A_23 : i1 to i32
    %cond3A = arith.constant 0 : i32
    %cond3A_24 = arith.cmpi ne, %convert_element_type3A, %cond3A : i32
    scf.if %cond3A_24 {
      %broadcast_in_dim3A_44 = arith.constant 0.000000e+00 : f32
      %broadcast_in_dim3A_45 = vector.broadcast %broadcast_in_dim3A_44 : f32 to vector<1x128xf32>
      %swap3A_46 = arith.constant 0 : index
      %swap3A_47 = arith.constant 0 : index
      %swap3A_48 = vector.load %arg7[%swap3A_46, %swap3A_47] : memref<1x128xf32, #tpu.memory_space<vmem>>, vector<1x128xf32>
      tpu.vector_store %arg7[%swap3A_46, %swap3A_47], %broadcast_in_dim3A_45 {strides = array<i32>} : memref<1x128xf32, #tpu.memory_space<vmem>>, vector<1x128xf32>,
      %broadcast_in_dim3A_49 = arith.constant 0.000000e+00 : f32
      %broadcast_in_dim3A_50 = vector.broadcast %broadcast_in_dim3A_49 : f32 to vector<1x128xf32>
      %swap3A_51 = arith.constant 0 : index
      %swap3A_52 = arith.constant 0 : index
      %swap3A_53 = vector.load %arg8[%swap3A_51, %swap3A_52] : memref<1x128xf32, #tpu.memory_space<vmem>>, vector<1x128xf32>
      tpu.vector_store %arg8[%swap3A_51, %swap3A_52], %broadcast_in_dim3A_50 {strides = array<i32>} : memref<1x128xf32, #tpu.memory_space<vmem>>, vector<1x128xf32>,
    } else {
    }
    %get3A_25 = arith.constant 0 : index
    %get3A_26 = arith.constant 0 : index
    %get3A_27 = vector.load %arg7[%get3A_25, %get3A_26] : memref<1x128xf32, #tpu.memory_space<vmem>>, vector<1x128xf32>
    %reduce_sum3A = arith.constant dense<0.000000e+00> : vector<128xf32>
    %reduce_sum3A_28 = vector.multi_reduction <add>, %add3A_20, %reduce_sum3A [0] : vector<2000x128xf32> to vector<128xf32>
    %broadcast_in_dim3A = vector.shape_cast %reduce_sum3A_28 : vector<128xf32> to vector<1x128xf32>
    %add3A_29 = arith.addf %get3A_27, %broadcast_in_dim3A : vector<1x128xf32>
    %swap3A_30 = arith.constant 0 : index
    %swap3A_31 = arith.constant 0 : index
    %swap3A_32 = vector.load %arg7[%swap3A_30, %swap3A_31] : memref<1x128xf32, #tpu.memory_space<vmem>>, vector<1x128xf32>
    tpu.vector_store %arg7[%swap3A_30, %swap3A_31], %add3A_29 {strides = array<i32>} : memref<1x128xf32, #tpu.memory_space<vmem>>, vector<1x128xf32>,
    %get3A_33 = arith.constant 0 : index
    %get3A_34 = arith.constant 0 : index
    %get3A_35 = vector.load %arg8[%get3A_33, %get3A_34] : memref<1x128xf32, #tpu.memory_space<vmem>>, vector<1x128xf32>
    %mul3A_36 = arith.mulf %add3A_20, %add3A_20 : vector<2000x128xf32>
    %reduce_sum3A_37 = arith.constant dense<0.000000e+00> : vector<128xf32>
    %reduce_sum3A_38 = vector.multi_reduction <add>, %mul3A_36, %reduce_sum3A_37 [0] : vector<2000x128xf32> to vector<128xf32>
    %broadcast_in_dim3A_39 = vector.shape_cast %reduce_sum3A_38 : vector<128xf32> to vector<1x128xf32>
    %add3A_40 = arith.addf %get3A_35, %broadcast_in_dim3A_39 : vector<1x128xf32>
    %swap3A_41 = arith.constant 0 : index
    %swap3A_42 = arith.constant 0 : index
    %swap3A_43 = vector.load %arg8[%swap3A_41, %swap3A_42] : memref<1x128xf32, #tpu.memory_space<vmem>>, vector<1x128xf32>
    tpu.vector_store %arg8[%swap3A_41, %swap3A_42], %add3A_40 {strides = array<i32>} : memref<1x128xf32, #tpu.memory_space<vmem>>, vector<1x128xf32>,
    return
  }
  func.func @transform_0(%arg0: i32) -> (i32, i32) {
    %c0_i32 = arith.constant 0 : i32
    %c0_i32_0 = arith.constant 0 : i32
    return %arg0, %c0_i32 : i32, i32
  }
  func.func @transform_1(%arg0: i32) -> (i32, i32) {
    %c0_i32 = arith.constant 0 : i32
    %c0_i32_0 = arith.constant 0 : i32
    return %arg0, %c0_i32 : i32, i32
  }
  func.func @transform_2(%arg0: i32) -> (i32, i32) {
    %c0_i32 = arith.constant 0 : i32
    %c0_i32_0 = arith.constant 0 : i32
    %c0_i32_1 = arith.constant 0 : i32
    return %c0_i32, %c0_i32_0 : i32, i32
  }
  func.func @transform_3(%arg0: i32) -> (i32, i32) {
    %c0_i32 = arith.constant 0 : i32
    %c0_i32_0 = arith.constant 0 : i32
    %c0_i32_1 = arith.constant 0 : i32
    return %c0_i32, %c0_i32_0 : i32, i32
  }
  func.func @transform_4(%arg0: i32) -> (i32, i32) {
    %c0_i32 = arith.constant 0 : i32
    %c0_i32_0 = arith.constant 0 : i32
    %c0_i32_1 = arith.constant 0 : i32
    return %c0_i32, %c0_i32_0 : i32, i32
  }
  func.func @transform_5(%arg0: i32) -> (i32, i32) {
    %c0_i32 = arith.constant 0 : i32
    %c0_i32_0 = arith.constant 0 : i32
    return %arg0, %c0_i32 : i32, i32
  }
  func.func @transform_6(%arg0: i32) -> (i32, i32) {
    %c0_i32 = arith.constant 0 : i32
    %c0_i32_0 = arith.constant 0 : i32
    %c0_i32_1 = arith.constant 0 : i32
    return %c0_i32, %c0_i32_0 : i32, i32
  }
  func.func @transform_7(%arg0: i32) -> (i32, i32) {
    %c0_i32 = arith.constant 0 : i32
    %c0_i32_0 = arith.constant 0 : i32
    %c0_i32_1 = arith.constant 0 : i32
    return %c0_i32, %c0_i32_0 : i32, i32
  }
}

module attributes {stable_mosaic.version = 14 : i64} {
  func.func @_layer_b_body(%arg0: i32, %arg1: memref<2000x128xf32, #tpu.memory_space<vmem>>, %arg2: memref<2x128xf32, #tpu.memory_space<vmem>>, %arg3: memref<2x128xf32, #tpu.memory_space<vmem>>, %arg4: memref<128x64xf32, #tpu.memory_space<vmem>>, %arg5: memref<1x64xf32, #tpu.memory_space<vmem>>, %arg6: memref<1x1x2000xi32, #tpu.memory_space<vmem>>, %arg7: memref<2000x64xf32, #tpu.memory_space<vmem>>, %arg8: memref<64x64xf32, #tpu.memory_space<vmem>>) attributes {dimension_semantics = [#tpu.dimension_semantics<arbitrary>], iteration_bounds = array<i64: 25>, scalar_prefetch = 0 : i64, scratch_operands = 0 : i64, tpu.core_type = #tpu.core_type<tc>, window_params = [{transform_indices = @transform_0, window_bounds = array<i64: 2000, 128>}, {pipeline_mode = #tpu.pipeline_mode<synchronous>, transform_indices = @transform_1, window_bounds = array<i64: 2, 128>}, {pipeline_mode = #tpu.pipeline_mode<synchronous>, transform_indices = @transform_2, window_bounds = array<i64: 2, 128>}, {pipeline_mode = #tpu.pipeline_mode<synchronous>, transform_indices = @transform_3, window_bounds = array<i64: 128, 64>}, {pipeline_mode = #tpu.pipeline_mode<synchronous>, transform_indices = @transform_4, window_bounds = array<i64: 1, 64>}, {transform_indices = @transform_5, window_bounds = array<i64: 1, 1, 2000>}, {transform_indices = @transform_6, window_bounds = array<i64: 2000, 64>}, {pipeline_mode = #tpu.pipeline_mode<synchronous>, transform_indices = @transform_7, window_bounds = array<i64: 64, 64>}]} {
    %get3A = arith.constant 0 : index
    %get3A_0 = arith.constant 0 : index
    %get3A_1 = vector.load %arg2[%get3A, %get3A_0] : memref<2x128xf32, #tpu.memory_space<vmem>>, vector<1x128xf32>
    %get3A_2 = arith.constant 1 : index
    %get3A_3 = arith.constant 0 : index
    %get3A_4 = vector.load %arg2[%get3A_2, %get3A_3] : memref<2x128xf32, #tpu.memory_space<vmem>>, vector<1x128xf32>
    %get3A_5 = arith.constant 0 : index
    %get3A_6 = arith.constant 0 : index
    %get3A_7 = vector.load %arg1[%get3A_5, %get3A_6] : memref<2000x128xf32, #tpu.memory_space<vmem>>, vector<2000x128xf32>
    %sub3A = vector.broadcast %get3A_1 : vector<1x128xf32> to vector<2000x128xf32>
    %sub3A_8 = arith.subf %get3A_7, %sub3A : vector<2000x128xf32>
    %mul3A = vector.broadcast %get3A_4 : vector<1x128xf32> to vector<2000x128xf32>
    %mul3A_9 = arith.mulf %sub3A_8, %mul3A : vector<2000x128xf32>
    %get3A_10 = arith.constant 0 : index
    %get3A_11 = arith.constant 0 : index
    %get3A_12 = vector.load %arg3[%get3A_10, %get3A_11] : memref<2x128xf32, #tpu.memory_space<vmem>>, vector<1x128xf32>
    %mul3A_13 = vector.broadcast %get3A_12 : vector<1x128xf32> to vector<2000x128xf32>
    %mul3A_14 = arith.mulf %mul3A_9, %mul3A_13 : vector<2000x128xf32>
    %get3A_15 = arith.constant 1 : index
    %get3A_16 = arith.constant 0 : index
    %get3A_17 = vector.load %arg3[%get3A_15, %get3A_16] : memref<2x128xf32, #tpu.memory_space<vmem>>, vector<1x128xf32>
    %add3A = vector.broadcast %get3A_17 : vector<1x128xf32> to vector<2000x128xf32>
    %add3A_18 = arith.addf %mul3A_14, %add3A : vector<2000x128xf32>
    %max3A = arith.constant 0.000000e+00 : f32
    %max3A_19 = vector.broadcast %max3A : f32 to vector<2000x128xf32>
    %max3A_20 = arith.maximumf %add3A_18, %max3A_19 : vector<2000x128xf32>
    %get3A_21 = arith.constant 0 : index
    %get3A_22 = arith.constant 0 : index
    %get3A_23 = vector.load %arg4[%get3A_21, %get3A_22] : memref<128x64xf32, #tpu.memory_space<vmem>>, vector<128x64xf32>
    %dot_general3A = arith.constant dense<0.000000e+00> : vector<2000x64xf32>
    %dot_general3A_24 = tpu.matmul %max3A_20, %get3A_23, %dot_general3A {dimension_numbers = #tpu.dot_dimension_numbers<[1], [0], [0], [1], [0, 0, 1, 1], [], []>, transpose_lhs_hint = false} : vector<2000x128xf32>, vector<128x64xf32>, vector<2000x64xf32> -> vector<2000x64xf32>
    %get3A_25 = arith.constant 0 : index
    %get3A_26 = arith.constant 0 : index
    %get3A_27 = vector.load %arg5[%get3A_25, %get3A_26] : memref<1x64xf32, #tpu.memory_space<vmem>>, vector<1x64xf32>
    %add3A_28 = vector.broadcast %get3A_27 : vector<1x64xf32> to vector<2000x64xf32>
    %add3A_29 = arith.addf %dot_general3A_24, %add3A_28 : vector<2000x64xf32>
    %max3A_30 = arith.constant 0.000000e+00 : f32
    %max3A_31 = vector.broadcast %max3A_30 : f32 to vector<2000x64xf32>
    %max3A_32 = arith.maximumf %add3A_29, %max3A_31 : vector<2000x64xf32>
    %swap3A = arith.constant 0 : index
    %swap3A_33 = arith.constant 0 : index
    %swap3A_34 = vector.load %arg7[%swap3A, %swap3A_33] : memref<2000x64xf32, #tpu.memory_space<vmem>>, vector<2000x64xf32>
    tpu.vector_store %arg7[%swap3A, %swap3A_33], %max3A_32 {strides = array<i32>} : memref<2000x64xf32, #tpu.memory_space<vmem>>, vector<2000x64xf32>,
    %get3A_35 = arith.constant 0 : index
    %get3A_36 = arith.constant 0 : index
    %get3A_37 = arith.constant 0 : index
    %get3A_38 = vector.load %arg6[%get3A_35, %get3A_36, %get3A_37] : memref<1x1x2000xi32, #tpu.memory_space<vmem>>, vector<1x1x2000xi32>
    %reshape3A = vector.shape_cast %get3A_38 : vector<1x1x2000xi32> to vector<2000x1xi32>
    %iota3A = tpu.iota {dimensions = array<i32: 1>} : vector<1x64xi32>
    %eq3A = vector.broadcast %reshape3A : vector<2000x1xi32> to vector<2000x64xi32>
    %eq3A_39 = vector.broadcast %iota3A : vector<1x64xi32> to vector<2000x64xi32>
    %eq3A_40 = arith.cmpi eq, %eq3A, %eq3A_39 : vector<2000x64xi32>
    %convert_element_type3A = arith.extui %eq3A_40 : vector<2000x64xi1> to vector<2000x64xi32>
    %convert_element_type3A_41 = arith.sitofp %convert_element_type3A : vector<2000x64xi32> to vector<2000x64xf32>
    %eq3A_42 = arith.constant 0 : i32
    %eq3A_43 = arith.cmpi eq, %arg0, %eq3A_42 : i32
    %convert_element_type3A_44 = arith.extui %eq3A_43 : i1 to i32
    %cond3A = arith.constant 0 : i32
    %cond3A_45 = arith.cmpi ne, %convert_element_type3A_44, %cond3A : i32
    scf.if %cond3A_45 {
      %broadcast_in_dim3A = arith.constant 0.000000e+00 : f32
      %broadcast_in_dim3A_55 = vector.broadcast %broadcast_in_dim3A : f32 to vector<64x64xf32>
      %swap3A_56 = arith.constant 0 : index
      %swap3A_57 = arith.constant 0 : index
      %swap3A_58 = vector.load %arg8[%swap3A_56, %swap3A_57] : memref<64x64xf32, #tpu.memory_space<vmem>>, vector<64x64xf32>
      tpu.vector_store %arg8[%swap3A_56, %swap3A_57], %broadcast_in_dim3A_55 {strides = array<i32>} : memref<64x64xf32, #tpu.memory_space<vmem>>, vector<64x64xf32>,
    } else {
    }
    %get3A_46 = arith.constant 0 : index
    %get3A_47 = arith.constant 0 : index
    %get3A_48 = vector.load %arg8[%get3A_46, %get3A_47] : memref<64x64xf32, #tpu.memory_space<vmem>>, vector<64x64xf32>
    %dot_general3A_49 = arith.constant dense<0.000000e+00> : vector<64x64xf32>
    %dot_general3A_50 = tpu.matmul %convert_element_type3A_41, %max3A_32, %dot_general3A_49 {dimension_numbers = #tpu.dot_dimension_numbers<[0], [0], [1], [1], [0, 1, 1, 1], [], []>, transpose_lhs_hint = false} : vector<2000x64xf32>, vector<2000x64xf32>, vector<64x64xf32> -> vector<64x64xf32>
    %add3A_51 = arith.addf %get3A_48, %dot_general3A_50 : vector<64x64xf32>
    %swap3A_52 = arith.constant 0 : index
    %swap3A_53 = arith.constant 0 : index
    %swap3A_54 = vector.load %arg8[%swap3A_52, %swap3A_53] : memref<64x64xf32, #tpu.memory_space<vmem>>, vector<64x64xf32>
    tpu.vector_store %arg8[%swap3A_52, %swap3A_53], %add3A_51 {strides = array<i32>} : memref<64x64xf32, #tpu.memory_space<vmem>>, vector<64x64xf32>,
    return
  }
  func.func @transform_0(%arg0: i32) -> (i32, i32) {
    %c0_i32 = arith.constant 0 : i32
    %c0_i32_0 = arith.constant 0 : i32
    return %arg0, %c0_i32 : i32, i32
  }
  func.func @transform_1(%arg0: i32) -> (i32, i32) {
    %c0_i32 = arith.constant 0 : i32
    %c0_i32_0 = arith.constant 0 : i32
    %c0_i32_1 = arith.constant 0 : i32
    return %c0_i32, %c0_i32_0 : i32, i32
  }
  func.func @transform_2(%arg0: i32) -> (i32, i32) {
    %c0_i32 = arith.constant 0 : i32
    %c0_i32_0 = arith.constant 0 : i32
    %c0_i32_1 = arith.constant 0 : i32
    return %c0_i32, %c0_i32_0 : i32, i32
  }
  func.func @transform_3(%arg0: i32) -> (i32, i32) {
    %c0_i32 = arith.constant 0 : i32
    %c0_i32_0 = arith.constant 0 : i32
    %c0_i32_1 = arith.constant 0 : i32
    return %c0_i32, %c0_i32_0 : i32, i32
  }
  func.func @transform_4(%arg0: i32) -> (i32, i32) {
    %c0_i32 = arith.constant 0 : i32
    %c0_i32_0 = arith.constant 0 : i32
    %c0_i32_1 = arith.constant 0 : i32
    return %c0_i32, %c0_i32_0 : i32, i32
  }
  func.func @transform_5(%arg0: i32) -> (i32, i32, i32) {
    %c0_i32 = arith.constant 0 : i32
    %c0_i32_0 = arith.constant 0 : i32
    %c0_i32_1 = arith.constant 0 : i32
    return %arg0, %c0_i32, %c0_i32_0 : i32, i32, i32
  }
  func.func @transform_6(%arg0: i32) -> (i32, i32) {
    %c0_i32 = arith.constant 0 : i32
    %c0_i32_0 = arith.constant 0 : i32
    return %arg0, %c0_i32 : i32, i32
  }
  func.func @transform_7(%arg0: i32) -> (i32, i32) {
    %c0_i32 = arith.constant 0 : i32
    %c0_i32_0 = arith.constant 0 : i32
    %c0_i32_1 = arith.constant 0 : i32
    return %c0_i32, %c0_i32_0 : i32, i32
  }
}

module attributes {stable_mosaic.version = 14 : i64} {
  func.func @_head_body(%arg0: memref<64x256xf32, #tpu.memory_space<vmem>>, %arg1: memref<256x64xf32, #tpu.memory_space<vmem>>, %arg2: memref<256x64xf32, #tpu.memory_space<vmem>>, %arg3: memref<1x64xf32, #tpu.memory_space<vmem>>, %arg4: memref<64x64xf32, #tpu.memory_space<vmem>>, %arg5: memref<64x64xf32, #tpu.memory_space<vmem>>) attributes {dimension_semantics = [], scalar_prefetch = 0 : i64, scratch_operands = 0 : i64, tpu.core_type = #tpu.core_type<tc>} {
    %get3A = arith.constant 0 : index
    %get3A_0 = arith.constant 0 : index
    %get3A_1 = vector.load %arg0[%get3A, %get3A_0] : memref<64x256xf32, #tpu.memory_space<vmem>>, vector<64x256xf32>
    %get3A_2 = arith.constant 0 : index
    %get3A_3 = arith.constant 0 : index
    %get3A_4 = vector.load %arg1[%get3A_2, %get3A_3] : memref<256x64xf32, #tpu.memory_space<vmem>>, vector<256x64xf32>
    %dot_general3A = arith.constant dense<0.000000e+00> : vector<64x64xf32>
    %dot_general3A_5 = tpu.matmul %get3A_1, %get3A_4, %dot_general3A {dimension_numbers = #tpu.dot_dimension_numbers<[1], [0], [0], [1], [0, 0, 1, 1], [], []>, transpose_lhs_hint = false} : vector<64x256xf32>, vector<256x64xf32>, vector<64x64xf32> -> vector<64x64xf32>
    %swap3A = arith.constant 0 : index
    %swap3A_6 = arith.constant 0 : index
    %swap3A_7 = vector.load %arg4[%swap3A, %swap3A_6] : memref<64x64xf32, #tpu.memory_space<vmem>>, vector<64x64xf32>
    tpu.vector_store %arg4[%swap3A, %swap3A_6], %dot_general3A_5 {strides = array<i32>} : memref<64x64xf32, #tpu.memory_space<vmem>>, vector<64x64xf32>,
    %get3A_8 = arith.constant 0 : index
    %get3A_9 = arith.constant 0 : index
    %get3A_10 = vector.load %arg2[%get3A_8, %get3A_9] : memref<256x64xf32, #tpu.memory_space<vmem>>, vector<256x64xf32>
    %dot_general3A_11 = arith.constant dense<0.000000e+00> : vector<64x64xf32>
    %dot_general3A_12 = tpu.matmul %get3A_1, %get3A_10, %dot_general3A_11 {dimension_numbers = #tpu.dot_dimension_numbers<[1], [0], [0], [1], [0, 0, 1, 1], [], []>, transpose_lhs_hint = false} : vector<64x256xf32>, vector<256x64xf32>, vector<64x64xf32> -> vector<64x64xf32>
    %get3A_13 = arith.constant 0 : index
    %get3A_14 = arith.constant 0 : index
    %get3A_15 = vector.load %arg3[%get3A_13, %get3A_14] : memref<1x64xf32, #tpu.memory_space<vmem>>, vector<1x64xf32>
    %add3A = vector.broadcast %get3A_15 : vector<1x64xf32> to vector<64x64xf32>
    %add3A_16 = arith.addf %dot_general3A_12, %add3A : vector<64x64xf32>
    %swap3A_17 = arith.constant 0 : index
    %swap3A_18 = arith.constant 0 : index
    %swap3A_19 = vector.load %arg5[%swap3A_17, %swap3A_18] : memref<64x64xf32, #tpu.memory_space<vmem>>, vector<64x64xf32>
    tpu.vector_store %arg5[%swap3A_17, %swap3A_18], %add3A_16 {strides = array<i32>} : memref<64x64xf32, #tpu.memory_space<vmem>>, vector<64x64xf32>,
    return
  }
}

</mosaic_0001>

<sc_bundles>
// kernel: kernel.19.cloned.1.call-start
scs
__scs_entry_jumppad:
0x0: {  	(pc) =	sbr.rel $0x88, $3  }
0x1: {  	(tag) =	ssettag $0x0;
	lr =	simm.s32 $0x1  }
0x2: {  	[smem:$0x3F73] =	sst lr;
	_ =	strace $0xD0000000  }
0x3: {  	_ = 	snop  }
0x4: {  	_ = 	snop  }
0x5: {  	_ = 	snop  }
0x6: {  	_ = 	snop  }
0x7: {  	_ = 	snop  }
__scs_overlays_trampoline_lowered:
0x8: {  	[smem:$0x3F82] =	sst s0  }
0x9: {  	[smem:$0x3F83] =	sst s1  }
0xa: {  	[smem:$0x3F84] =	sst s2  }
0xb: {  	[smem:$0x3F85] =	sst s3  }
0xc: {  	[smem:$0x3F86] =	sst s4  }
0xd: {  	[smem:$0x3F87] =	sst s5  }
0xe: {  	[smem:$0x3F88] =	sst s6  }
0xf: {  	[smem:$0x3F89] =	sst s7  }
0x10: {  	[smem:$0x3F8A] =	sst s8  }
0x11: {  	[smem:$0x3F8B] =	sst s9;
	s0 =	simm.s32 @!p0 $0x0  }
0x12: {  	s1 =	sld [smem:$0x3F71];
	s0 =	simm.s32 @p0 $0x1  }
0x13: {  	[smem:$0x3F8C] =	sst s0;
	s0 =	simm.s32 @!p1 $0x0  }
0x14: {  	s2 =	sld [smem:$0x3F70];
	s0 =	simm.s32 @p1 $0x1  }
0x15: {  	[smem:$0x3F8D] =	sst s0;
	s0 =	simm.s32 @!p2 $0x0  }
0x16: {  	s3 =	sld [smem:$0x3FDB];
	s0 =	simm.s32 @p2 $0x1  }
0x17: {  	s4 =	simm.s32 $0x1BF5;
	[smem:$0x3F8F] =	sst s0  }
0x18: {  	s0 =	sld [smem:$0x3F72];
	_ =	swait.ge [sflag:s4], $0x0  }
0x19: {  	s7 =	sld [smem:$0x3F73]  }
0x1a: {  	s8 =	sadd.s32 $0xFFFFE003, lr  }
0x1b: {  	s9 =	sadd.s32 $0xFFFFFEF7, lr;
	s5 =	simm.s32 $0xFFFFFFFF;
	p2 =	slt.u32 s8, $0xFFFFF086  }
0x1c: {  	p1 =	slt.u32 s9, $0xF7A;
	s5 =	simm.s32 @!p2 $0x0  }
0x1d: {  	s5 =	simm.s32 @p1 $0x1;
	p0 =	seq.s32 s7, s2  }
0x1e: {  	s7 =	smul.u32 @!p0 $0xF7A, s2;
	p2 =	seq.s32 @!p0 s5, $0x0  }
0x1f: {  	s9 =	smul.u32 $0xF7A, s1;
	s8 =	simm.s32 @!p0 $0x1BF5;
	p2 =	por !p2, p0  }
0x20: {  	[sflag:s8] =	ssyncset.s32 @!p0 $0xFFFFF086;
	s6 =	sadd.s32 @!p0 s3, s7;
	s7 =	simm.s32 @!p0 $0x108  }
0x21: {  	s3 =	sadd.s32 s3, s9;
	s6 =	sadd.s32 @!p0 $0x88, s6;
	s7 =	simm.s32 @p2 $0x1082  }
0x22: {  	[simem:s7], [sflag:s8] =	dma.local @!p0 [hbm:s6], $0xF7A  }
0x23: {  	s9 =	sor.u32 $0xD0000000, s2;
	s6 =	simm.s32 $0x108;
	_ =	swait.ge @!p0 [sflag:s8], $0x0  }
0x24: {  	s3 =	sadd.s32 $0x88, s3;
	s6 =	simm.s32 @!p1 $0x1082;
	[sflag:s4] =	ssyncset.s32 $0xFFFFF086  }
0x25: {  	[simem:s6], [sflag:s4] =	dma.local [hbm:s3], $0xF7A  }
0x26: {  	[smem:$0x3F73] =	sst s1;
	(tag) =	ssettag s2;
	_ =	strace s9  }
0x27: {  	s1 =	sld [smem:$0x3F83]  }
0x28: {  	s2 =	sld [smem:$0x3F84]  }
0x29: {  	s4 =	sld [smem:$0x3F86]  }
0x2a: {  	p0 =	seq.s32 s5, $0x0;
	s5 =	sld [smem:$0x3F87]  }
0x2b: {  	s6 =	sld [smem:$0x3F88]  }
0x2c: {  	s7 =	sld [smem:$0x3F89]  }
0x2d: {  	s3 =	simm.s32 $0x108;
	s8 =	sld [smem:$0x3F8A]  }
0x2e: {  	s3 =	simm.s32 @!p0 $0x1082;
	s9 =	sld [smem:$0x3F8B]  }
0x2f: {  	lr =	sadd.s32 s0, s3;
	s0 =	sld [smem:$0x3F82]  }
0x30: {  	s3 =	sld [smem:$0x3F85]  }
0x31: {  	[smem:$0x3F8E] =	sst s10  }
0x32: {  	s10 =	sld [smem:$0x3F8C];
	_ =	sdelay $0x3  }
0x33: {  	p0 =	seq.s32 s10, $0x1;
	s10 =	sld [smem:$0x3F8E];
	_ =	sdelay $0x3  }
0x34: {  	[smem:$0x3F8E] =	sst s10  }
0x35: {  	s10 =	sld [smem:$0x3F8D];
	_ =	sdelay $0x3  }
0x36: {  	p1 =	seq.s32 s10, $0x1;
	s10 =	sld [smem:$0x3F8E];
	_ =	sdelay $0x3  }
0x37: {  	[smem:$0x3F8E] =	sst s10  }
0x38: {  	s10 =	sld [smem:$0x3F8F]  }
0x39: {  	_ = 	snop;
	(pc) =	sbr.ind lr, $3  }
0x3a: {  	_ = 	snop  }
0x3b: {  	_ = 	snop  }
0x3c: {  	p2 =	seq.s32 s10, $0x1;
	s10 =	sld [smem:$0x3F8E]  }
0x3d: {  	_ =	shalt  }
0x3e: {  	_ =	shalt  }
0x3f: {  	_ =	shalt  }
0x40: {  	_ =	shalt  }
0x41: {  	_ =	shalt  }
0x42: {  	_ =	shalt  }
0x43: {  	_ =	shalt  }
0x44: {  	_ =	shalt  }
0x45: {  	_ =	shalt  }
0x46: {  	_ =	shalt  }
0x47: {  	_ =	shalt  }
0x48: {  	_ =	shalt  }
0x49: {  	_ =	shalt  }
0x4a: {  	_ =	shalt  }
0x4b: {  	_ =	shalt  }
0x4c: {  	_ =	shalt  }
0x4d: {  	_ =	shalt  }
0x4e: {  	_ =	shalt  }
0x4f: {  	_ =	shalt  }
0x50: {  	_ =	shalt  }
0x51: {  	_ =	shalt  }
0x52: {  	_ =	shalt  }
0x53: {  	_ =	shalt  }
0x54: {  	_ =	shalt  }
0x55: {  	_ =	shalt  }
0x56: {  	_ =	shalt  }
0x57: {  	_ =	shalt  }
0x58: {  	_ =	shalt  }
0x59: {  	_ =	shalt  }
0x5a: {  	_ =	shalt  }
0x5b: {  	_ =	shalt  }
0x5c: {  	_ =	shalt  }
0x5d: {  	_ =	shalt  }
0x5e: {  	_ =	shalt  }
0x5f: {  	_ =	shalt  }
0x60: {  	_ =	shalt  }
0x61: {  	_ =	shalt  }
0x62: {  	_ =	shalt  }
0x63: {  	_ =	shalt  }
0x64: {  	_ =	shalt  }
0x65: {  	_ =	shalt  }
0x66: {  	_ =	shalt  }
0x67: {  	_ =	shalt  }
0x68: {  	_ =	shalt  }
0x69: {  	_ =	shalt  }
0x6a: {  	_ =	shalt  }
0x6b: {  	_ =	shalt  }
0x6c: {  	_ =	shalt  }
0x6d: {  	_ =	shalt  }
0x6e: {  	_ =	shalt  }
0x6f: {  	_ =	shalt  }
0x70: {  	_ =	shalt  }
0x71: {  	_ =	shalt  }
0x72: {  	_ =	shalt  }
0x73: {  	_ =	shalt  }
0x74: {  	_ =	shalt  }
0x75: {  	_ =	shalt  }
0x76: {  	_ =	shalt  }
0x77: {  	_ =	shalt  }
0x78: {  	_ =	shalt  }
0x79: {  	_ =	shalt  }
0x7a: {  	_ =	shalt  }
0x7b: {  	_ =	shalt  }
0x7c: {  	_ =	shalt  }
0x7d: {  	_ =	shalt  }
0x7e: {  	_ =	shalt  }
0x7f: {  	_ =	shalt  }
0x80: {  	_ =	shalt  }
0x81: {  	_ =	shalt  }
0x82: {  	_ =	shalt  }
0x83: {  	_ =	shalt  }
0x84: {  	_ =	shalt  }
0x85: {  	_ =	shalt  }
0x86: {  	_ =	shalt  }
0x87: {  	_ =	shalt  }
.Lfunc_end0:
.L_simem_size_0:
called_computation_lowered:
.L_overlay_start_0:
0x88: {  	s2 =	sld [smem:$0x3FD9]  }
0x89: {  	s3 =	sld [smem:$0x3FFE];
	_ =	sdelay $0x1  }
0x8a: {  	s1 =	srdreg.scid  }
0x8b: {  	s0 =	sand.u32 $0x1, s1  }
0x8c: {  	s16 =	sshll.u32 s0, $0xA;
	s2 =	sadd.s32 s3, s2  }
0x8d: {  	s2 =	sadd.s32 s2, s16  }
0x8e: {  	[smem:$0x3F9A] =	sst s2  }
0x8f: {  	_ = 	snop  }
0x90: {  	(tm) =	ssettm $0x1  }
0x91: {  	s17 =	sld [smem:$0x3FFB];
	_ =	sdelay $0x3  }
0x92: {  	_ =	strace s17  }
0x93: {  	s2 =	sld [smem:$0x3FFC];
	_ =	sdelay $0x3  }
0x94: {  	_ =	strace s2  }
0x95: {  	s2 =	sld [smem:$0x3FFD];
	_ =	sdelay $0x3  }
0x96: {  	_ =	strace s2  }
0x97: {  	_ =	strace $0x8FFFFFFF  }
0x98: {  	s18 =	sld [smem:$0x3FDB];
	_ =	sdelay $0x1  }
0x99: {  	s19 =	simm.s32 $_scs_section_size  }
0x9a: {  	s4 =	simm.s32 $_size__tile_overlayer_lowered;
	s5 =	simm.s32 $_tile_overlayer_lowered  }
0x9b: {  	s22 =	simm.s32 $0x1BFF;
	s21 =	sshll.u32 s5, $0x1;
	s2 =	sadd.s32 s19, s18  }
0x9c: {  	s6 =	simm.s32 $0x0;
	s20 =	sshll.u32 s4, $0x1;
	s4 =	sadd.s32 s21, s2  }
0x9d: {  	[timem:s6], [sflag:s22] =	dma.local [hbm:s4], s20  }
0x9e: {  	_ =	swait.ge [sflag:s22], s20  }
0x9f: {  	s3 =	ssub.s32 $0x0, s20;
	[sflag:s22] =	ssyncset.done $0x0  }
0xa0: {  	[sflag:s22] =	ssyncadd.s32 s3;
	_ =	sdelay $0x1  }
0xa1: {  	s23 =	simm.s32 $0x1B8B  }
0xa2: {  	_ =	swait.ge [sflag:s23], $0x1  }
0xa3: {  	[sflag:s23] =	ssyncset.done $0x0  }
0xa4: {  	s25 =	simm.s32 $0x1B8E;
	s24 =	sld [smem:$0x3FFE];
	[sflag:s23] =	ssyncadd.s32 $0xFFFFFFFF  }
0xa5: {  	s26 =	simm.s32 $execute0_lowered;
	[smem:$0x3FD2] =	sst s25  }
0xa6: {  	s4 =	sshll.u32 s26, $0x1;
	_ =	strace $0x80000046;
	[dreg:$0x1] =	wrdreg $0xFFFFFFFF  }
0xa7: {  	s28 =	simm.s32 $_size_execute0_lowered;
	s2 =	sadd.s32 s2, s4;
	[dreg:$0x0] =	wrdreg $0x0  }
0xa8: {  	s4 =	sshll.u32 s28, $0x1;
	[dreg:$0x2] =	wrdreg s2  }
0xa9: {  	[dreg:$0x3] =	wrdreg s4  }
0xaa: {  	[dreg:$0x4] =	wrdreg $0xC0  }
0xab: {  	_ =	task [dreg:s6], $0x5FFFF  }
0xac: {  	[dreg:$0x1] =	wrdreg $0xFFFFFFFF  }
0xad: {  	[dreg:$0x0] =	wrdreg $0x60  }
0xae: {  	[dreg:$0x2] =	wrdreg s24  }
0xaf: {  	[dreg:$0x3] =	wrdreg $0x9  }
0xb0: {  	_ =	task.clear_ibuf [dreg:s6], $0x4FFFF;
	_ =	strace $0x90000046  }
0xb1: {  	s29 =	simm.s32 $0x9;
	_ =	strace $0x80000048  }
0xb2: {  	_ =	swait.ge [sflag:s29], $0x1  }
0xb3: {  	[sflag:s29] =	ssyncadd.s32 $0xFFFFFFFF  }
0xb4: {  	_ =	strace $0x90000048  }
0xb5: {  	_ =	sfence  }
0xb6: {  	s30 =	sld [smem:$0x0];
	_ =	sdelay $0x2  }
0xb7: {  	s31 =	sshll.u32 s1, $0xD;
	s1 =	sshrl.u32 s1, $0x2  }
0xb8: {  	s3 =	sand.u32 $0x4000, s31;
	s1 =	sadd.s32 s1, s30  }
0xb9: {  	s0 =	sor.u32 s3, s0;
	s1 =	sshll.u32 s1, $0x11  }
0xba: {  	s0 =	sor.u32 s1, s0  }
0xbb: {  	s0 =	sadd.s32 $0x8F2B, s0  }
0xbc: {  	[sflag:s0] =	ssyncadd.remote.s32 $0x1  }
0xbd: {  	_ =	sfence.sel $0xFFFF  }
0xbe: {  	[dreg:$0x0] =	wrdreg $0xFFFFFFFF;
	(pc) =	sbr.abs _section_cstart, $3  }
0xbf: {  	[dreg:$0x1] =	wrdreg $0xFFFFFFFF  }
0xc0: {  	_ =	task.clear_ibuf [dreg:s6], $0x2FFFF;
	_ =	strace $0x9FFFFFFF  }
0xc1: {  	(tm) =	ssettm $0x7FFFFFFF  }
tec
execute0_lowered:
.L_overlay_start_1:
0x0: {  	(tag) =	ssettag $0x1  }
0x1: {  	s4 =	rddreg [dreg:$0x0]  }
0x2: {  	s0 =	rddreg [dreg:$0x1]  }
0x3: {  	s2 =	simm.s32 $0x0;
	s1 =	stileid.u32;
	s3 =	srdreg.scid  }
0x4: {  	s12 =	simm.s32 $0x100;
	s13 =	simm.s32 $0x8200;
	s14 =	simm.s32 $0x180  }
0x5: {  	s15 =	simm.s32 $0xC200;
	s16 =	simm.s32 $0x1;
	s5 =	smul.u32 $0xC8000, s1  }
0x6: {  	s17 =	simm.s32 $0x0;
	s6 =	sand.u32 $0x1, s3;
	s10 =	smul.u32 $0xC800, s1  }
0x7: {  	[smem:$0x7FF] =	sst s2;
	s3 =	sadd.s32 $0xC400, s4;
	s8 =	smul.u32 $0x64000, s6  }
0x8: {  	_ =	strace $0x80000047;
	s7 =	ssub.s32 $0x2, s6;
	s30 =	smul.u32 $0x6400, s6  }
0x9: {  	s9 =	sshrl.u32 s7, $0x1;
	s11 =	sadd.s32 s5, s4;
	s4 =	sadd.s32 $0x9F000, s4  }
0xa: {  	s29 =	ssub.s32 s7, s9;
	s31 =	sadd.s32 s8, s11;
	s7 =	sadd.s32 s30, s10  }
0xb: {  	s8 =	simm.s32 $0x2;
	s9 =	simm.s32 $0x80;
	s10 =	simm.s32 $0x200  }
0xc: {  	s11 =	simm.s32 $0x4200;
	s5 =	smax.u32 s29, $0x1;
	s6 =	sadd.s32 $0x1ABC00, s31  }
.LBB2_1:
0xd: {  	s18 =	sadd.s32 $0x0, s7  }
0xe: {  	s19 =	sand.u32 $0x200, s2;
	s18 =	sand.u32 $0x1FFC00, s18  }
0xf: {  	s18 =	sor.u32 s19, s18  }
0x10: {  	s18 =	sshrl.u32 s18, $0x3  }
0x11: {  	s18 =	sadd.s32 s4, s18  }
0x12: {  	[tilespmem:s2], [sflag:$0x2] =	stream.linear.gather [hbm4b:s18+s2], $0x200, $0x38;
	[tilespmem:$0x10200] =	vst v63  }
0x13: {  	_ =	swait.ge [sflag:s8], $0x200  }
0x14: {  	[sflag:s8] =	ssyncset.done $0x0  }
0x15: {  	[sflag:s8] =	ssyncadd.s32 $0xFFFFFE00  }
0x16: {  	[tilespmem:s10], [sflag:$0x1] =	stream.indirect.gather [hbm4b:s3+s9], $0x80, s2, s9, $0xb8;
	[tilespmem:$0x10200] =	vst v63  }
0x17: {  	_ = 	snop  }
0x18: {  	[tilespmem:s11], [sflag:$0x1] =	stream.indirect.gather [hbm4b:s3+s9], $0x80, s9, s9, $0xb8;
	[tilespmem:$0x10200] =	vst v63  }
0x19: {  	_ = 	snop  }
0x1a: {  	[tilespmem:s13], [sflag:$0x1] =	stream.indirect.gather [hbm4b:s3+s9], $0x80, s12, s9, $0xb8;
	[tilespmem:$0x10200] =	vst v63  }
0x1b: {  	_ = 	snop  }
0x1c: {  	[tilespmem:s15], [sflag:$0x1] =	stream.indirect.gather [hbm4b:s3+s9], $0x80, s14, s9, $0xb8;
	[tilespmem:$0x10200] =	vst v63  }
0x1d: {  	_ =	swait.ge [sflag:s16], $0x4000  }
0x1e: {  	[sflag:s16] =	ssyncset.done $0x0  }
0x1f: {  	[sflag:s16] =	ssyncadd.s32 $0xFFFFC000  }
0x20: {  	_ =	swait.ge [sflag:s16], $0x4000  }
0x21: {  	[sflag:s16] =	ssyncset.done $0x0  }
0x22: {  	[sflag:s16] =	ssyncadd.s32 $0xFFFFC000  }
0x23: {  	_ =	swait.ge [sflag:s16], $0x4000  }
0x24: {  	s31 =	sadd.s32 $0x200, s7;
	[sflag:s16] =	ssyncset.done $0x0  }
0x25: {  	s30 =	simm.s32 $0x200;
	s20 =	sand.u32 $0x1FFC00, s31;
	[sflag:s16] =	ssyncadd.s32 $0xFFFFC000  }
0x26: {  	s19 =	simm.s32 $0x400;
	s18 =	sand.u32 $0x200, s30;
	_ =	swait.ge [sflag:s16], $0x4000  }
0x27: {  	s18 =	sor.u32 s18, s20;
	s20 =	smov.u32 s6;
	[sflag:s16] =	ssyncset.done $0x0  }
0x28: {  	s21 =	sshrl.u32 s18, $0x3;
	s18 =	sadd.s32 $0x2000, s6;
	[sflag:s16] =	ssyncadd.s32 $0xFFFFC000  }
.LBB2_2:
0x29: {  	[hbm4b:s20+s2] =	stream.linear.scatter [tilespmem:s10], [sflag:$0x2], $0x10000, $0x38;
	[tilespmem:$0x10200] =	vst v63  }
0x2a: {  	s22 =	smov.u32 s19;
	s20 =	smov.u32 s18  }
0x2b: {  	p0 =	sne.s32 s19, $0x6200;
	s19 =	sadd.s32 $0x200, s19;
	_ =	swait.ge [sflag:s8], $0x10000  }
0x2c: {  	[sflag:s8] =	ssyncset.done $0x0  }
0x2d: {  	s21 =	sadd.s32 s4, s21;
	[sflag:s8] =	ssyncadd.s32 $0xFFFF0000  }
0x2e: {  	[tilespmem:s2], [sflag:$0x2] =	stream.linear.gather [hbm4b:s21+s2], $0x200, $0x38;
	[tilespmem:$0x10200] =	vst v63  }
0x2f: {  	_ =	swait.ge [sflag:s8], $0x200  }
0x30: {  	[sflag:s8] =	ssyncset.done $0x0  }
0x31: {  	[sflag:s8] =	ssyncadd.s32 $0xFFFFFE00  }
0x32: {  	[tilespmem:s10], [sflag:$0x1] =	stream.indirect.gather [hbm4b:s3+s9], $0x80, s2, s9, $0xb8;
	[tilespmem:$0x10200] =	vst v63  }
0x33: {  	_ = 	snop  }
0x34: {  	[tilespmem:s11], [sflag:$0x1] =	stream.indirect.gather [hbm4b:s3+s9], $0x80, s9, s9, $0xb8;
	[tilespmem:$0x10200] =	vst v63  }
0x35: {  	_ = 	snop  }
0x36: {  	[tilespmem:s13], [sflag:$0x1] =	stream.indirect.gather [hbm4b:s3+s9], $0x80, s12, s9, $0xb8;
	[tilespmem:$0x10200] =	vst v63  }
0x37: {  	_ = 	snop  }
0x38: {  	[tilespmem:s15], [sflag:$0x1] =	stream.indirect.gather [hbm4b:s3+s9], $0x80, s14, s9, $0xb8;
	[tilespmem:$0x10200] =	vst v63  }
0x39: {  	_ =	swait.ge [sflag:s16], $0x4000  }
0x3a: {  	[sflag:s16] =	ssyncset.done $0x0  }
0x3b: {  	[sflag:s16] =	ssyncadd.s32 $0xFFFFC000  }
0x3c: {  	_ =	swait.ge [sflag:s16], $0x4000  }
0x3d: {  	[sflag:s16] =	ssyncset.done $0x0  }
0x3e: {  	[sflag:s16] =	ssyncadd.s32 $0xFFFFC000  }
0x3f: {  	_ =	swait.ge [sflag:s16], $0x4000  }
.Ltmp0:
0x40: {  	[sflag:s16] =	ssyncset.done $0x0;
	(pc) =	sbr.rel @p0 .LBB2_2-.Ltmp0, $4  }
0x41: {  	s21 =	sadd.s32 s22, s7;
	[sflag:s16] =	ssyncadd.s32 $0xFFFFC000  }
0x42: {  	s22 =	sand.u32 $0x200, s22;
	s21 =	sand.u32 $0x1FFC00, s21;
	_ =	swait.ge [sflag:s16], $0x4000  }
0x43: {  	s21 =	sor.u32 s22, s21;
	[sflag:s16] =	ssyncset.done $0x0  }
0x44: {  	s18 =	sadd.s32 $0x2000, s18;
	s21 =	sshrl.u32 s21, $0x3;
	[sflag:s16] =	ssyncadd.s32 $0xFFFFC000  }
0x45: {  	[hbm4b:s20+s2] =	stream.linear.scatter [tilespmem:s10], [sflag:$0x2], $0x10000, $0x38;
	[tilespmem:$0x10200] =	vst v63  }
0x46: {  	_ =	swait.ge [sflag:s8], $0x10000  }
0x47: {  	[sflag:s8] =	ssyncset.done $0x0  }
0x48: {  	s19 =	sadd.s32 s4, s21;
	[sflag:s8] =	ssyncadd.s32 $0xFFFF0000  }
0x49: {  	[tilespmem:s2], [sflag:$0x2] =	stream.linear.gather [hbm4b:s19+s2], $0x200, $0x38;
	[tilespmem:$0x10200] =	vst v63  }
0x4a: {  	_ =	swait.ge [sflag:s8], $0x200  }
0x4b: {  	[sflag:s8] =	ssyncset.done $0x0  }
0x4c: {  	[sflag:s8] =	ssyncadd.s32 $0xFFFFFE00  }
0x4d: {  	[tilespmem:s10], [sflag:$0x1] =	stream.indirect.gather [hbm4b:s3+s9], $0x80, s2, s9, $0xb8;
	[tilespmem:$0x10200] =	vst v63  }
0x4e: {  	_ = 	snop  }
0x4f: {  	[tilespmem:s11], [sflag:$0x1] =	stream.indirect.gather [hbm4b:s3+s9], $0x80, s9, s9, $0xb8;
	[tilespmem:$0x10200] =	vst v63  }
0x50: {  	_ = 	snop  }
0x51: {  	[tilespmem:s13], [sflag:$0x1] =	stream.indirect.gather [hbm4b:s3+s9], $0x80, s12, s9, $0xb8;
	[tilespmem:$0x10200] =	vst v63  }
0x52: {  	_ = 	snop  }
0x53: {  	[tilespmem:s15], [sflag:$0x1] =	stream.indirect.gather [hbm4b:s3+s9], $0x80, s14, s9, $0xb8;
	[tilespmem:$0x10200] =	vst v63  }
0x54: {  	_ =	swait.ge [sflag:s16], $0x4000  }
0x55: {  	[sflag:s16] =	ssyncset.done $0x0  }
0x56: {  	[sflag:s16] =	ssyncadd.s32 $0xFFFFC000  }
0x57: {  	_ =	swait.ge [sflag:s16], $0x4000  }
0x58: {  	[sflag:s16] =	ssyncset.done $0x0  }
0x59: {  	[sflag:s16] =	ssyncadd.s32 $0xFFFFC000  }
0x5a: {  	_ =	swait.ge [sflag:s16], $0x4000  }
0x5b: {  	[sflag:s16] =	ssyncset.done $0x0  }
0x5c: {  	[sflag:s16] =	ssyncadd.s32 $0xFFFFC000  }
0x5d: {  	s17 =	sadd.s32 $0x1, s17;
	_ =	swait.ge [sflag:s16], $0x4000  }
0x5e: {  	p0 =	sne.s32 s17, s5;
	[sflag:s16] =	ssyncset.done $0x0  }
.Ltmp1:
0x5f: {  	[sflag:s16] =	ssyncadd.s32 $0xFFFFC000;
	(pc) =	sbr.rel @p0 .LBB2_1-.Ltmp1, $4  }
0x60: {  	[hbm4b:s18+s2] =	stream.linear.scatter [tilespmem:s10], [sflag:$0x2], $0x10000, $0x38;
	[tilespmem:$0x10200] =	vst v63  }
0x61: {  	_ =	swait.ge [sflag:s8], $0x10000  }
0x62: {  	[sflag:s8] =	ssyncset.done $0x0  }
0x63: {  	[sflag:s8] =	ssyncadd.s32 $0xFFFF0000  }
0x64: {  	_ =	sfence.sel $0x180000  }
0x65: {  	[bflag:$0x0] =	sbarrier.arrive $0xFFFF  }
0x66: {  	p0 =	sne.s32 s1, $0x0;
	_ =	strace $0x90000047  }
0x67: {  	s0 =	sadd.s32 @!p0 $0x100000, s0;
	[bflag:$0x2] =	sbarrier.arrive $0xFFFF  }
0x68: {  	[sflag:s0] =	ssyncadd.tile.s32 @!p0 $0x1;
	_ =	shalt  }
.Lfunc_end2:
_tile_overlayer_lowered:
.L_overlay_start_2:
0x69: {  	(tag) =	ssettag $0x2  }
0x6a: {  	s0 =	rddreg [dreg:$0x0];
	s2 =	stileid.u32  }
0x6b: {  	s1 =	rddreg [dreg:$0x1];
	p0 =	sne.s32 s2, $0x0  }
0x6c: {  	s3 =	rddreg [dreg:$0x2];
	[bflag:$0x3] =	sbarrier.arrive $0xFFFF;
	s2 =	simm.s32 @!p0 $0x1C02  }
0x6d: {  	[timem:s3], [sflag:s2] =	dma.local @!p0 [hbm:s0], s1  }
0x6e: {  	s0 =	simm.s32 @!p0 $0x2  }
0x6f: {  	_ =	swait.ge @!p0 [sflag:s0], s1  }
0x70: {  	s1 =	ssub.s32 @!p0 $0x0, s1;
	[sflag:s0] =	ssyncset.done @!p0 $0x0  }
0x71: {  	[sflag:s0] =	ssyncadd.s32 @!p0 s1  }
0x72: {  	[bflag:$0x3] =	sbarrier.arrive $0xFFFF  }
0x73: {  	_ =	shalt  }

// kernel: kernel.22.cloned.1.call-start
scs
__scs_entry_jumppad:
0x0: {  	(pc) =	sbr.rel $0x88, $3  }
0x1: {  	(tag) =	ssettag $0x0;
	lr =	simm.s32 $0x1  }
0x2: {  	[smem:$0x3F73] =	sst lr;
	_ =	strace $0xD0000000  }
0x3: {  	_ = 	snop  }
0x4: {  	_ = 	snop  }
0x5: {  	_ = 	snop  }
0x6: {  	_ = 	snop  }
0x7: {  	_ = 	snop  }
__scs_overlays_trampoline_lowered:
0x8: {  	[smem:$0x3F82] =	sst s0  }
0x9: {  	[smem:$0x3F83] =	sst s1  }
0xa: {  	[smem:$0x3F84] =	sst s2  }
0xb: {  	[smem:$0x3F85] =	sst s3  }
0xc: {  	[smem:$0x3F86] =	sst s4  }
0xd: {  	[smem:$0x3F87] =	sst s5  }
0xe: {  	[smem:$0x3F88] =	sst s6  }
0xf: {  	[smem:$0x3F89] =	sst s7  }
0x10: {  	[smem:$0x3F8A] =	sst s8  }
0x11: {  	[smem:$0x3F8B] =	sst s9;
	s0 =	simm.s32 @!p0 $0x0  }
0x12: {  	s1 =	sld [smem:$0x3F71];
	s0 =	simm.s32 @p0 $0x1  }
0x13: {  	[smem:$0x3F8C] =	sst s0;
	s0 =	simm.s32 @!p1 $0x0  }
0x14: {  	s2 =	sld [smem:$0x3F70];
	s0 =	simm.s32 @p1 $0x1  }
0x15: {  	[smem:$0x3F8D] =	sst s0;
	s0 =	simm.s32 @!p2 $0x0  }
0x16: {  	s3 =	sld [smem:$0x3FDB];
	s0 =	simm.s32 @p2 $0x1  }
0x17: {  	s4 =	simm.s32 $0x1BF5;
	[smem:$0x3F8F] =	sst s0  }
0x18: {  	s0 =	sld [smem:$0x3F72];
	_ =	swait.ge [sflag:s4], $0x0  }
0x19: {  	s7 =	sld [smem:$0x3F73]  }
0x1a: {  	s8 =	sadd.s32 $0xFFFFE003, lr  }
0x1b: {  	s9 =	sadd.s32 $0xFFFFFEF7, lr;
	s5 =	simm.s32 $0xFFFFFFFF;
	p2 =	slt.u32 s8, $0xFFFFF086  }
0x1c: {  	p1 =	slt.u32 s9, $0xF7A;
	s5 =	simm.s32 @!p2 $0x0  }
0x1d: {  	s5 =	simm.s32 @p1 $0x1;
	p0 =	seq.s32 s7, s2  }
0x1e: {  	s7 =	smul.u32 @!p0 $0xF7A, s2;
	p2 =	seq.s32 @!p0 s5, $0x0  }
0x1f: {  	s9 =	smul.u32 $0xF7A, s1;
	s8 =	simm.s32 @!p0 $0x1BF5;
	p2 =	por !p2, p0  }
0x20: {  	[sflag:s8] =	ssyncset.s32 @!p0 $0xFFFFF086;
	s6 =	sadd.s32 @!p0 s3, s7;
	s7 =	simm.s32 @!p0 $0x108  }
0x21: {  	s3 =	sadd.s32 s3, s9;
	s6 =	sadd.s32 @!p0 $0x88, s6;
	s7 =	simm.s32 @p2 $0x1082  }
0x22: {  	[simem:s7], [sflag:s8] =	dma.local @!p0 [hbm:s6], $0xF7A  }
0x23: {  	s9 =	sor.u32 $0xD0000000, s2;
	s6 =	simm.s32 $0x108;
	_ =	swait.ge @!p0 [sflag:s8], $0x0  }
0x24: {  	s3 =	sadd.s32 $0x88, s3;
	s6 =	simm.s32 @!p1 $0x1082;
	[sflag:s4] =	ssyncset.s32 $0xFFFFF086  }
0x25: {  	[simem:s6], [sflag:s4] =	dma.local [hbm:s3], $0xF7A  }
0x26: {  	[smem:$0x3F73] =	sst s1;
	(tag) =	ssettag s2;
	_ =	strace s9  }
0x27: {  	s1 =	sld [smem:$0x3F83]  }
0x28: {  	s2 =	sld [smem:$0x3F84]  }
0x29: {  	s4 =	sld [smem:$0x3F86]  }
0x2a: {  	p0 =	seq.s32 s5, $0x0;
	s5 =	sld [smem:$0x3F87]  }
0x2b: {  	s6 =	sld [smem:$0x3F88]  }
0x2c: {  	s7 =	sld [smem:$0x3F89]  }
0x2d: {  	s3 =	simm.s32 $0x108;
	s8 =	sld [smem:$0x3F8A]  }
0x2e: {  	s3 =	simm.s32 @!p0 $0x1082;
	s9 =	sld [smem:$0x3F8B]  }
0x2f: {  	lr =	sadd.s32 s0, s3;
	s0 =	sld [smem:$0x3F82]  }
0x30: {  	s3 =	sld [smem:$0x3F85]  }
0x31: {  	[smem:$0x3F8E] =	sst s10  }
0x32: {  	s10 =	sld [smem:$0x3F8C];
	_ =	sdelay $0x3  }
0x33: {  	p0 =	seq.s32 s10, $0x1;
	s10 =	sld [smem:$0x3F8E];
	_ =	sdelay $0x3  }
0x34: {  	[smem:$0x3F8E] =	sst s10  }
0x35: {  	s10 =	sld [smem:$0x3F8D];
	_ =	sdelay $0x3  }
0x36: {  	p1 =	seq.s32 s10, $0x1;
	s10 =	sld [smem:$0x3F8E];
	_ =	sdelay $0x3  }
0x37: {  	[smem:$0x3F8E] =	sst s10  }
0x38: {  	s10 =	sld [smem:$0x3F8F]  }
0x39: {  	_ = 	snop;
	(pc) =	sbr.ind lr, $3  }
0x3a: {  	_ = 	snop  }
0x3b: {  	_ = 	snop  }
0x3c: {  	p2 =	seq.s32 s10, $0x1;
	s10 =	sld [smem:$0x3F8E]  }
0x3d: {  	_ =	shalt  }
0x3e: {  	_ =	shalt  }
0x3f: {  	_ =	shalt  }
0x40: {  	_ =	shalt  }
0x41: {  	_ =	shalt  }
0x42: {  	_ =	shalt  }
0x43: {  	_ =	shalt  }
0x44: {  	_ =	shalt  }
0x45: {  	_ =	shalt  }
0x46: {  	_ =	shalt  }
0x47: {  	_ =	shalt  }
0x48: {  	_ =	shalt  }
0x49: {  	_ =	shalt  }
0x4a: {  	_ =	shalt  }
0x4b: {  	_ =	shalt  }
0x4c: {  	_ =	shalt  }
0x4d: {  	_ =	shalt  }
0x4e: {  	_ =	shalt  }
0x4f: {  	_ =	shalt  }
0x50: {  	_ =	shalt  }
0x51: {  	_ =	shalt  }
0x52: {  	_ =	shalt  }
0x53: {  	_ =	shalt  }
0x54: {  	_ =	shalt  }
0x55: {  	_ =	shalt  }
0x56: {  	_ =	shalt  }
0x57: {  	_ =	shalt  }
0x58: {  	_ =	shalt  }
0x59: {  	_ =	shalt  }
0x5a: {  	_ =	shalt  }
0x5b: {  	_ =	shalt  }
0x5c: {  	_ =	shalt  }
0x5d: {  	_ =	shalt  }
0x5e: {  	_ =	shalt  }
0x5f: {  	_ =	shalt  }
0x60: {  	_ =	shalt  }
0x61: {  	_ =	shalt  }
0x62: {  	_ =	shalt  }
0x63: {  	_ =	shalt  }
0x64: {  	_ =	shalt  }
0x65: {  	_ =	shalt  }
0x66: {  	_ =	shalt  }
0x67: {  	_ =	shalt  }
0x68: {  	_ =	shalt  }
0x69: {  	_ =	shalt  }
0x6a: {  	_ =	shalt  }
0x6b: {  	_ =	shalt  }
0x6c: {  	_ =	shalt  }
0x6d: {  	_ =	shalt  }
0x6e: {  	_ =	shalt  }
0x6f: {  	_ =	shalt  }
0x70: {  	_ =	shalt  }
0x71: {  	_ =	shalt  }
0x72: {  	_ =	shalt  }
0x73: {  	_ =	shalt  }
0x74: {  	_ =	shalt  }
0x75: {  	_ =	shalt  }
0x76: {  	_ =	shalt  }
0x77: {  	_ =	shalt  }
0x78: {  	_ =	shalt  }
0x79: {  	_ =	shalt  }
0x7a: {  	_ =	shalt  }
0x7b: {  	_ =	shalt  }
0x7c: {  	_ =	shalt  }
0x7d: {  	_ =	shalt  }
0x7e: {  	_ =	shalt  }
0x7f: {  	_ =	shalt  }
0x80: {  	_ =	shalt  }
0x81: {  	_ =	shalt  }
0x82: {  	_ =	shalt  }
0x83: {  	_ =	shalt  }
0x84: {  	_ =	shalt  }
0x85: {  	_ =	shalt  }
0x86: {  	_ =	shalt  }
0x87: {  	_ =	shalt  }
.Lfunc_end0:
.L_simem_size_0:
called_computation.1_lowered:
.L_overlay_start_0:
0x88: {  	s2 =	sld [smem:$0x3FD9]  }
0x89: {  	s3 =	sld [smem:$0x3FFE];
	_ =	sdelay $0x1  }
0x8a: {  	s1 =	srdreg.scid  }
0x8b: {  	s0 =	sand.u32 $0x1, s1  }
0x8c: {  	s16 =	sshll.u32 s0, $0xA;
	s2 =	sadd.s32 s3, s2  }
0x8d: {  	s2 =	sadd.s32 s2, s16  }
0x8e: {  	[smem:$0x3F9A] =	sst s2  }
0x8f: {  	_ = 	snop  }
0x90: {  	(tm) =	ssettm $0x1  }
0x91: {  	s17 =	sld [smem:$0x3FFB];
	_ =	sdelay $0x3  }
0x92: {  	_ =	strace s17  }
0x93: {  	s2 =	sld [smem:$0x3FFC];
	_ =	sdelay $0x3  }
0x94: {  	_ =	strace s2  }
0x95: {  	s2 =	sld [smem:$0x3FFD];
	_ =	sdelay $0x3  }
0x96: {  	_ =	strace s2  }
0x97: {  	_ =	strace $0x8FFFFFFF  }
0x98: {  	s18 =	sld [smem:$0x3FDB];
	_ =	sdelay $0x1  }
0x99: {  	s19 =	simm.s32 $_scs_section_size  }
0x9a: {  	s4 =	simm.s32 $_size__tile_overlayer_lowered;
	s5 =	simm.s32 $_tile_overlayer_lowered  }
0x9b: {  	s22 =	simm.s32 $0x1BFF;
	s21 =	sshll.u32 s5, $0x1;
	s2 =	sadd.s32 s19, s18  }
0x9c: {  	s6 =	simm.s32 $0x0;
	s20 =	sshll.u32 s4, $0x1;
	s4 =	sadd.s32 s21, s2  }
0x9d: {  	[timem:s6], [sflag:s22] =	dma.local [hbm:s4], s20  }
0x9e: {  	_ =	swait.ge [sflag:s22], s20  }
0x9f: {  	s3 =	ssub.s32 $0x0, s20;
	[sflag:s22] =	ssyncset.done $0x0  }
0xa0: {  	[sflag:s22] =	ssyncadd.s32 s3;
	_ =	sdelay $0x1  }
0xa1: {  	s23 =	simm.s32 $0x1B8B  }
0xa2: {  	_ =	swait.ge [sflag:s23], $0x1  }
0xa3: {  	[sflag:s23] =	ssyncset.done $0x0  }
0xa4: {  	s25 =	simm.s32 $0x1B8E;
	s24 =	sld [smem:$0x3FFE];
	[sflag:s23] =	ssyncadd.s32 $0xFFFFFFFF  }
0xa5: {  	s26 =	simm.s32 $execute0_lowered;
	[smem:$0x3FD2] =	sst s25  }
0xa6: {  	s4 =	sshll.u32 s26, $0x1;
	_ =	strace $0x80000049;
	[dreg:$0x1] =	wrdreg $0xFFFFFFFF  }
0xa7: {  	s28 =	simm.s32 $_size_execute0_lowered;
	s2 =	sadd.s32 s2, s4;
	[dreg:$0x0] =	wrdreg $0x0  }
0xa8: {  	s4 =	sshll.u32 s28, $0x1;
	[dreg:$0x2] =	wrdreg s2  }
0xa9: {  	[dreg:$0x3] =	wrdreg s4  }
0xaa: {  	[dreg:$0x4] =	wrdreg $0xC0  }
0xab: {  	_ =	task [dreg:s6], $0x5FFFF  }
0xac: {  	[dreg:$0x1] =	wrdreg $0xFFFFFFFF  }
0xad: {  	[dreg:$0x0] =	wrdreg $0x60  }
0xae: {  	[dreg:$0x2] =	wrdreg s24  }
0xaf: {  	[dreg:$0x3] =	wrdreg $0x41000  }
0xb0: {  	[dreg:$0x4] =	wrdreg $0x9  }
0xb1: {  	_ =	task.clear_ibuf [dreg:s6], $0x5FFFF;
	_ =	strace $0x90000049  }
0xb2: {  	s29 =	simm.s32 $0x9;
	_ =	strace $0x8000004B  }
0xb3: {  	_ =	swait.ge [sflag:s29], $0x1  }
0xb4: {  	[sflag:s29] =	ssyncadd.s32 $0xFFFFFFFF  }
0xb5: {  	_ =	strace $0x9000004B  }
0xb6: {  	_ =	sfence  }
0xb7: {  	s30 =	sld [smem:$0x0];
	_ =	sdelay $0x2  }
0xb8: {  	s31 =	sshll.u32 s1, $0xD;
	s1 =	sshrl.u32 s1, $0x2  }
0xb9: {  	s3 =	sand.u32 $0x4000, s31;
	s1 =	sadd.s32 s1, s30  }
0xba: {  	s0 =	sor.u32 s3, s0;
	s1 =	sshll.u32 s1, $0x11  }
0xbb: {  	s0 =	sor.u32 s1, s0  }
0xbc: {  	s0 =	sadd.s32 $0x8F2B, s0  }
0xbd: {  	[sflag:s0] =	ssyncadd.remote.s32 $0x1  }
0xbe: {  	_ =	sfence.sel $0xFFFF  }
0xbf: {  	[dreg:$0x0] =	wrdreg $0xFFFFFFFF;
	(pc) =	sbr.abs _section_cstart, $3  }
0xc0: {  	[dreg:$0x1] =	wrdreg $0xFFFFFFFF  }
0xc1: {  	_ =	task.clear_ibuf [dreg:s6], $0x2FFFF;
	_ =	strace $0x9FFFFFFF  }
0xc2: {  	(tm) =	ssettm $0x7FFFFFFF  }
0xc3: {  	_ =	shalt  }
tec
execute0_lowered:
.L_overlay_start_1:
0x0: {  	(tag) =	ssettag $0x1  }
0x1: {  	s6 =	rddreg [dreg:$0x0]  }
0x2: {  	s0 =	stileid.u32;
	s1 =	srdreg.scid  }
0x3: {  	s2 =	rddreg [dreg:$0x1];
	s3 =	simm.s32 $0x0;
	s4 =	smul.u32 $0xC8000, s0  }
0x4: {  	s14 =	simm.s32 $0x80;
	s15 =	simm.s32 $0x0;
	s8 =	smul.u32 $0x18800, s0  }
0x5: {  	s7 =	sand.u32 $0x1, s1;
	s1 =	rddreg [dreg:$0x2];
	s11 =	smul.u32 $0x62000, s0  }
0x6: {  	[smem:$0x7FF] =	sst s3;
	s31 =	sshll.u32 s0, $0x6;
	s5 =	smul.u32 $0x188000, s7  }
0x7: {  	_ =	strace $0x8000004A;
	s9 =	ssub.s32 $0x2, s7;
	s13 =	smul.u32 $0x30D4, s7  }
0x8: {  	s7 =	smul.u32 $0xC800, s0;
	s10 =	sadd.s32 s4, s6;
	s4 =	sadd.s32 $0x192C00, s6  }
0x9: {  	s29 =	sshrl.u32 s9, $0x1;
	s30 =	sshrl.u32 s11, $0x2;
	s5 =	sadd.s32 s8, s5  }
0xa: {  	s9 =	ssub.s32 s9, s29;
	s12 =	sadd.s32 s30, s2;
	s10 =	sadd.s32 $0xE5DC00, s10  }
0xb: {  	v0 =	vmov s13;
	s13 =	simm.s32 $0x100;
	s8 =	sshrl.u32 s5, $0x3;
	s5 =	sadd.s32 $0xB8200, s6  }
0xc: {  	s9 =	smax.u32 s9, $0x1;
	s11 =	sshrl.u32 s12, $0x3;
	s8 =	sadd.s32 s8, s6  }
0xd: {  	s12 =	simm.s32 $0x1;
	s6 =	sor.u32 $0x1C01, s31;
	s8 =	sadd.s32 $0x1ABC00, s8  }
.LBB2_1:
0xe: {  	[spmem:s11], [sflag:s6] =	dma.local [hbm:s5], $0x3100  }
0xf: {  	s16 =	sadd.s32 $0x0, s7  }
0x10: {  	s17 =	sand.u32 $0x380, s3;
	_ =	swait.ge [sflag:s12], $0x3100;
	s16 =	sand.u32 $0x1FFC00, s16  }
0x11: {  	[sflag:s12] =	ssyncset.done $0x0;
	s16 =	sor.u32 s17, s16  }
0x12: {  	[sflag:s12] =	ssyncadd.s32 $0xFFFFCF00;
	s16 =	sshrl.u32 s16, $0x3  }
0x13: {  	[bflag:$0x0] =	sbarrier.arrive $0xFFFF;
	s16 =	sadd.s32 s4, s16  }
0x14: {  	[tilespmem:s3], [sflag:$0x1] =	stream.linear.gather [hbm4b:s16+s3], $0x80, $0x38;
	[tilespmem:$0x1C900] =	vst v63  }
0x15: {  	_ =	swait.ge [sflag:s12], $0x80  }
0x16: {  	[sflag:s12] =	ssyncset.done $0x0  }
0x17: {  	[sflag:s12] =	ssyncadd.s32 $0xFFFFFF80  }
0x18: {  	v1 =	vld [tilespmem:$0x50]  }
0x19: {  	v2 =	vld [tilespmem:$0x30]  }
0x1a: {  	v3 =	vld [tilespmem:$0x20]  }
0x1b: {  	v4 =	vld [tilespmem:$0x10]  }
0x1c: {  	v5 =	vld [tilespmem:$0x40]  }
0x1d: {  	v6 =	vld [tilespmem:$0x0];
	v1 =	vsub.s32 v1, v0  }
0x1e: {  	v7 =	vld [tilespmem:$0x60];
	v2 =	vsub.s32 v2, v0;
	v1 =	vmin.u32 v1, $0x30D4  }
0x1f: {  	v8 =	vld [tilespmem:$0x70];
	v3 =	vsub.s32 v3, v0;
	v2 =	vmin.u32 v2, $0x30D4;
	[tilespmem:$0xD0] =	vst v1  }
0x20: {  	v3 =	vmin.u32 v3, $0x30D4;
	v1 =	vsub.s32 v4, v0;
	[tilespmem:$0xB0] =	vst v2  }
0x21: {  	[tilespmem:$0xA0] =	vst v3;
	v2 =	vsub.s32 v5, v0;
	v1 =	vmin.u32 v1, $0x30D4  }
0x22: {  	v3 =	vsub.s32 v6, v0;
	[tilespmem:$0x90] =	vst v1;
	v1 =	vmin.u32 v2, $0x30D4  }
0x23: {  	v2 =	vmin.u32 v3, $0x30D4;
	[tilespmem:$0xC0] =	vst v1;
	v1 =	vsub.s32 v7, v0  }
0x24: {  	s18 =	smov.u32 s10;
	s17 =	smov.u32 s10;
	s16 =	simm.s32 $0x80;
	[tilespmem:$0x80] =	vst v2;
	v2 =	vsub.s32 v8, v0;
	v1 =	vmin.u32 v1, $0x30D4  }
.LBB2_2:
0x25: {  	p0 =	sne.s32 s16, $0xC780  }
0x26: {  	[tilespmem:$0xE0] =	vst v1;
	v1 =	vmin.u32 v2, $0x30D4;
	s17 =	sadd.s32 $0x800, s17;
	s19 =	smov.u32 s16;
	s16 =	sadd.s32 $0x80, s16  }
0x27: {  	s20 =	sadd.s32 s19, s7;
	[tilespmem:$0xF0] =	vst v1  }
0x28: {  	[tilespmem:s13], [sflag:$0x1] =	stream.linear.gather [hbm4b:s18+s3], $0x4000, $0x38;
	[tilespmem:$0x1C900] =	vst v63  }
0x29: {  	s19 =	sand.u32 $0x380, s19;
	s18 =	sand.u32 $0x1FFC00, s20;
	_ =	swait.ge [sflag:s12], $0x4000  }
0x2a: {  	s19 =	sor.u32 s19, s18;
	s18 =	smov.u32 s17;
	[sflag:s12] =	ssyncset.done $0x0  }
0x2b: {  	s19 =	sshrl.u32 s19, $0x3;
	[sflag:s12] =	ssyncadd.s32 $0xFFFFC000  }
0x2c: {  	[spmem:s2] =	stream.indirect.scatter.add.f32 [tilespmem:s13], [sflag:$0x1], $0x80, s14, s14, $0xb8;
	[tilespmem:$0x1C900] =	vst v63  }
0x2d: {  	s19 =	sadd.s32 s4, s19;
	_ =	swait.ge [sflag:s12], $0x4000  }
0x2e: {  	[sflag:s12] =	ssyncset.done $0x0  }
0x2f: {  	[sflag:s12] =	ssyncadd.s32 $0xFFFFC000  }
0x30: {  	[tilespmem:s3], [sflag:$0x1] =	stream.linear.gather [hbm4b:s19+s3], $0x80, $0x38;
	[tilespmem:$0x1C900] =	vst v63  }
0x31: {  	_ =	swait.ge [sflag:s12], $0x80  }
0x32: {  	[sflag:s12] =	ssyncset.done $0x0  }
0x33: {  	[sflag:s12] =	ssyncadd.s32 $0xFFFFFF80  }
0x34: {  	v1 =	vld [tilespmem:$0x50]  }
0x35: {  	v2 =	vld [tilespmem:$0x30]  }
0x36: {  	v3 =	vld [tilespmem:$0x20]  }
0x37: {  	v4 =	vld [tilespmem:$0x10]  }
0x38: {  	v5 =	vld [tilespmem:$0x40]  }
0x39: {  	v6 =	vld [tilespmem:$0x0];
	v1 =	vsub.s32 v1, v0  }
0x3a: {  	v2 =	vsub.s32 v2, v0;
	v1 =	vmin.u32 v1, $0x30D4;
	v7 =	vld [tilespmem:$0x60]  }
0x3b: {  	v3 =	vsub.s32 v3, v0;
	v2 =	vmin.u32 v2, $0x30D4;
	[tilespmem:$0xD0] =	vst v1;
	v8 =	vld [tilespmem:$0x70]  }
.Ltmp0:
0x3c: {  	v1 =	vsub.s32 v4, v0;
	v3 =	vmin.u32 v3, $0x30D4;
	[tilespmem:$0xB0] =	vst v2;
	(pc) =	sbr.rel @p0 .LBB2_2-.Ltmp0, $4  }
0x3d: {  	v1 =	vmin.u32 v1, $0x30D4;
	[tilespmem:$0xA0] =	vst v3;
	v2 =	vsub.s32 v5, v0  }
0x3e: {  	v3 =	vsub.s32 v6, v0;
	[tilespmem:$0x90] =	vst v1;
	v1 =	vmin.u32 v2, $0x30D4  }
0x3f: {  	v2 =	vmin.u32 v3, $0x30D4;
	[tilespmem:$0xC0] =	vst v1;
	v1 =	vsub.s32 v7, v0  }
0x40: {  	[tilespmem:$0x80] =	vst v2;
	v1 =	vmin.u32 v1, $0x30D4;
	v2 =	vsub.s32 v8, v0  }
0x41: {  	[tilespmem:$0xE0] =	vst v1;
	v1 =	vmin.u32 v2, $0x30D4  }
0x42: {  	[tilespmem:$0xF0] =	vst v1  }
0x43: {  	[tilespmem:s13], [sflag:$0x1] =	stream.linear.gather [hbm4b:s18+s3], $0x4000, $0x38;
	[tilespmem:$0x1C900] =	vst v63  }
0x44: {  	_ =	swait.ge [sflag:s12], $0x4000  }
0x45: {  	[sflag:s12] =	ssyncset.done $0x0  }
0x46: {  	[sflag:s12] =	ssyncadd.s32 $0xFFFFC000  }
0x47: {  	[spmem:s2] =	stream.indirect.scatter.add.f32 [tilespmem:s13], [sflag:$0x1], $0x80, s14, s14, $0xb8;
	[tilespmem:$0x1C900] =	vst v63  }
0x48: {  	_ =	swait.ge [sflag:s12], $0x4000  }
0x49: {  	s15 =	sadd.s32 $0x1, s15;
	[sflag:s12] =	ssyncset.done $0x0  }
0x4a: {  	p0 =	sne.s32 s15, s9;
	[sflag:s12] =	ssyncadd.s32 $0xFFFFC000  }
.Ltmp1:
0x4b: {  	[bflag:$0x0] =	sbarrier.arrive $0xFFFF;
	(pc) =	sbr.rel @p0 .LBB2_1-.Ltmp1, $4  }
0x4c: {  	[hbm:s8], [sflag:s6] =	dma.local [spmem:s11], $0x3100  }
0x4d: {  	_ =	swait.ge [sflag:s12], $0x3100  }
0x4e: {  	[sflag:s12] =	ssyncset.done $0x0  }
0x4f: {  	[sflag:s12] =	ssyncadd.s32 $0xFFFFCF00  }
0x50: {  	_ =	sfence.sel $0x180000  }
0x51: {  	[bflag:$0x0] =	sbarrier.arrive $0xFFFF  }
0x52: {  	p0 =	sne.s32 s0, $0x0;
	_ =	strace $0x9000004A  }
0x53: {  	s0 =	sadd.s32 @!p0 $0x100000, s1;
	[bflag:$0x2] =	sbarrier.arrive $0xFFFF  }
0x54: {  	[sflag:s0] =	ssyncadd.tile.s32 @!p0 $0x1;
	_ =	shalt  }
.Lfunc_end2:
_tile_overlayer_lowered:
.L_overlay_start_2:
0x55: {  	(tag) =	ssettag $0x2  }
0x56: {  	s0 =	rddreg [dreg:$0x0];
	s2 =	stileid.u32  }
0x57: {  	s1 =	rddreg [dreg:$0x1];
	p0 =	sne.s32 s2, $0x0  }
0x58: {  	s3 =	rddreg [dreg:$0x2];
	[bflag:$0x3] =	sbarrier.arrive $0xFFFF;
	s2 =	simm.s32 @!p0 $0x1C01  }
0x59: {  	[timem:s3], [sflag:s2] =	dma.local @!p0 [hbm:s0], s1  }
0x5a: {  	s0 =	simm.s32 @!p0 $0x1  }
0x5b: {  	_ =	swait.ge @!p0 [sflag:s0], s1  }
0x5c: {  	s1 =	ssub.s32 @!p0 $0x0, s1;
	[sflag:s0] =	ssyncset.done @!p0 $0x0  }
0x5d: {  	[sflag:s0] =	ssyncadd.s32 @!p0 s1  }
0x5e: {  	[bflag:$0x3] =	sbarrier.arrive $0xFFFF  }
0x5f: {  	_ =	shalt  }

// kernel: kernel.25.cloned.1.call-start
scs
__scs_entry_jumppad:
0x0: {  	(pc) =	sbr.rel $0x88, $3  }
0x1: {  	(tag) =	ssettag $0x0;
	lr =	simm.s32 $0x1  }
0x2: {  	[smem:$0x3F73] =	sst lr;
	_ =	strace $0xD0000000  }
0x3: {  	_ = 	snop  }
0x4: {  	_ = 	snop  }
0x5: {  	_ = 	snop  }
0x6: {  	_ = 	snop  }
0x7: {  	_ = 	snop  }
__scs_overlays_trampoline_lowered:
0x8: {  	[smem:$0x3F82] =	sst s0  }
0x9: {  	[smem:$0x3F83] =	sst s1  }
0xa: {  	[smem:$0x3F84] =	sst s2  }
0xb: {  	[smem:$0x3F85] =	sst s3  }
0xc: {  	[smem:$0x3F86] =	sst s4  }
0xd: {  	[smem:$0x3F87] =	sst s5  }
0xe: {  	[smem:$0x3F88] =	sst s6  }
0xf: {  	[smem:$0x3F89] =	sst s7  }
0x10: {  	[smem:$0x3F8A] =	sst s8  }
0x11: {  	[smem:$0x3F8B] =	sst s9;
	s0 =	simm.s32 @!p0 $0x0  }
0x12: {  	s1 =	sld [smem:$0x3F71];
	s0 =	simm.s32 @p0 $0x1  }
0x13: {  	[smem:$0x3F8C] =	sst s0;
	s0 =	simm.s32 @!p1 $0x0  }
0x14: {  	s2 =	sld [smem:$0x3F70];
	s0 =	simm.s32 @p1 $0x1  }
0x15: {  	[smem:$0x3F8D] =	sst s0;
	s0 =	simm.s32 @!p2 $0x0  }
0x16: {  	s3 =	sld [smem:$0x3FDB];
	s0 =	simm.s32 @p2 $0x1  }
0x17: {  	s4 =	simm.s32 $0x1BF5;
	[smem:$0x3F8F] =	sst s0  }
0x18: {  	s0 =	sld [smem:$0x3F72];
	_ =	swait.ge [sflag:s4], $0x0  }
0x19: {  	s7 =	sld [smem:$0x3F73]  }
0x1a: {  	s8 =	sadd.s32 $0xFFFFE003, lr  }
0x1b: {  	s9 =	sadd.s32 $0xFFFFFEF7, lr;
	s5 =	simm.s32 $0xFFFFFFFF;
	p2 =	slt.u32 s8, $0xFFFFF086  }
0x1c: {  	p1 =	slt.u32 s9, $0xF7A;
	s5 =	simm.s32 @!p2 $0x0  }
0x1d: {  	s5 =	simm.s32 @p1 $0x1;
	p0 =	seq.s32 s7, s2  }
0x1e: {  	s7 =	smul.u32 @!p0 $0xF7A, s2;
	p2 =	seq.s32 @!p0 s5, $0x0  }
0x1f: {  	s9 =	smul.u32 $0xF7A, s1;
	s8 =	simm.s32 @!p0 $0x1BF5;
	p2 =	por !p2, p0  }
0x20: {  	[sflag:s8] =	ssyncset.s32 @!p0 $0xFFFFF086;
	s6 =	sadd.s32 @!p0 s3, s7;
	s7 =	simm.s32 @!p0 $0x108  }
0x21: {  	s3 =	sadd.s32 s3, s9;
	s6 =	sadd.s32 @!p0 $0x88, s6;
	s7 =	simm.s32 @p2 $0x1082  }
0x22: {  	[simem:s7], [sflag:s8] =	dma.local @!p0 [hbm:s6], $0xF7A  }
0x23: {  	s9 =	sor.u32 $0xD0000000, s2;
	s6 =	simm.s32 $0x108;
	_ =	swait.ge @!p0 [sflag:s8], $0x0  }
0x24: {  	s3 =	sadd.s32 $0x88, s3;
	s6 =	simm.s32 @!p1 $0x1082;
	[sflag:s4] =	ssyncset.s32 $0xFFFFF086  }
0x25: {  	[simem:s6], [sflag:s4] =	dma.local [hbm:s3], $0xF7A  }
0x26: {  	[smem:$0x3F73] =	sst s1;
	(tag) =	ssettag s2;
	_ =	strace s9  }
0x27: {  	s1 =	sld [smem:$0x3F83]  }
0x28: {  	s2 =	sld [smem:$0x3F84]  }
0x29: {  	s4 =	sld [smem:$0x3F86]  }
0x2a: {  	p0 =	seq.s32 s5, $0x0;
	s5 =	sld [smem:$0x3F87]  }
0x2b: {  	s6 =	sld [smem:$0x3F88]  }
0x2c: {  	s7 =	sld [smem:$0x3F89]  }
0x2d: {  	s3 =	simm.s32 $0x108;
	s8 =	sld [smem:$0x3F8A]  }
0x2e: {  	s3 =	simm.s32 @!p0 $0x1082;
	s9 =	sld [smem:$0x3F8B]  }
0x2f: {  	lr =	sadd.s32 s0, s3;
	s0 =	sld [smem:$0x3F82]  }
0x30: {  	s3 =	sld [smem:$0x3F85]  }
0x31: {  	[smem:$0x3F8E] =	sst s10  }
0x32: {  	s10 =	sld [smem:$0x3F8C];
	_ =	sdelay $0x3  }
0x33: {  	p0 =	seq.s32 s10, $0x1;
	s10 =	sld [smem:$0x3F8E];
	_ =	sdelay $0x3  }
0x34: {  	[smem:$0x3F8E] =	sst s10  }
0x35: {  	s10 =	sld [smem:$0x3F8D];
	_ =	sdelay $0x3  }
0x36: {  	p1 =	seq.s32 s10, $0x1;
	s10 =	sld [smem:$0x3F8E];
	_ =	sdelay $0x3  }
0x37: {  	[smem:$0x3F8E] =	sst s10  }
0x38: {  	s10 =	sld [smem:$0x3F8F]  }
0x39: {  	_ = 	snop;
	(pc) =	sbr.ind lr, $3  }
0x3a: {  	_ = 	snop  }
0x3b: {  	_ = 	snop  }
0x3c: {  	p2 =	seq.s32 s10, $0x1;
	s10 =	sld [smem:$0x3F8E]  }
0x3d: {  	_ =	shalt  }
0x3e: {  	_ =	shalt  }
0x3f: {  	_ =	shalt  }
0x40: {  	_ =	shalt  }
0x41: {  	_ =	shalt  }
0x42: {  	_ =	shalt  }
0x43: {  	_ =	shalt  }
0x44: {  	_ =	shalt  }
0x45: {  	_ =	shalt  }
0x46: {  	_ =	shalt  }
0x47: {  	_ =	shalt  }
0x48: {  	_ =	shalt  }
0x49: {  	_ =	shalt  }
0x4a: {  	_ =	shalt  }
0x4b: {  	_ =	shalt  }
0x4c: {  	_ =	shalt  }
0x4d: {  	_ =	shalt  }
0x4e: {  	_ =	shalt  }
0x4f: {  	_ =	shalt  }
0x50: {  	_ =	shalt  }
0x51: {  	_ =	shalt  }
0x52: {  	_ =	shalt  }
0x53: {  	_ =	shalt  }
0x54: {  	_ =	shalt  }
0x55: {  	_ =	shalt  }
0x56: {  	_ =	shalt  }
0x57: {  	_ =	shalt  }
0x58: {  	_ =	shalt  }
0x59: {  	_ =	shalt  }
0x5a: {  	_ =	shalt  }
0x5b: {  	_ =	shalt  }
0x5c: {  	_ =	shalt  }
0x5d: {  	_ =	shalt  }
0x5e: {  	_ =	shalt  }
0x5f: {  	_ =	shalt  }
0x60: {  	_ =	shalt  }
0x61: {  	_ =	shalt  }
0x62: {  	_ =	shalt  }
0x63: {  	_ =	shalt  }
0x64: {  	_ =	shalt  }
0x65: {  	_ =	shalt  }
0x66: {  	_ =	shalt  }
0x67: {  	_ =	shalt  }
0x68: {  	_ =	shalt  }
0x69: {  	_ =	shalt  }
0x6a: {  	_ =	shalt  }
0x6b: {  	_ =	shalt  }
0x6c: {  	_ =	shalt  }
0x6d: {  	_ =	shalt  }
0x6e: {  	_ =	shalt  }
0x6f: {  	_ =	shalt  }
0x70: {  	_ =	shalt  }
0x71: {  	_ =	shalt  }
0x72: {  	_ =	shalt  }
0x73: {  	_ =	shalt  }
0x74: {  	_ =	shalt  }
0x75: {  	_ =	shalt  }
0x76: {  	_ =	shalt  }
0x77: {  	_ =	shalt  }
0x78: {  	_ =	shalt  }
0x79: {  	_ =	shalt  }
0x7a: {  	_ =	shalt  }
0x7b: {  	_ =	shalt  }
0x7c: {  	_ =	shalt  }
0x7d: {  	_ =	shalt  }
0x7e: {  	_ =	shalt  }
0x7f: {  	_ =	shalt  }
0x80: {  	_ =	shalt  }
0x81: {  	_ =	shalt  }
0x82: {  	_ =	shalt  }
0x83: {  	_ =	shalt  }
0x84: {  	_ =	shalt  }
0x85: {  	_ =	shalt  }
0x86: {  	_ =	shalt  }
0x87: {  	_ =	shalt  }
.Lfunc_end0:
.L_simem_size_0:
called_computation.2_lowered:
.L_overlay_start_0:
0x88: {  	s2 =	sld [smem:$0x3FD9]  }
0x89: {  	s3 =	sld [smem:$0x3FFE];
	_ =	sdelay $0x1  }
0x8a: {  	s1 =	srdreg.scid  }
0x8b: {  	s0 =	sand.u32 $0x1, s1  }
0x8c: {  	s16 =	sshll.u32 s0, $0xA;
	s2 =	sadd.s32 s3, s2  }
0x8d: {  	s2 =	sadd.s32 s2, s16  }
0x8e: {  	[smem:$0x3F9A] =	sst s2  }
0x8f: {  	_ = 	snop  }
0x90: {  	(tm) =	ssettm $0x1  }
0x91: {  	s17 =	sld [smem:$0x3FFB];
	_ =	sdelay $0x3  }
0x92: {  	_ =	strace s17  }
0x93: {  	s2 =	sld [smem:$0x3FFC];
	_ =	sdelay $0x3  }
0x94: {  	_ =	strace s2  }
0x95: {  	s2 =	sld [smem:$0x3FFD];
	_ =	sdelay $0x3  }
0x96: {  	_ =	strace s2  }
0x97: {  	_ =	strace $0x8FFFFFFF  }
0x98: {  	s18 =	sld [smem:$0x3FDB];
	_ =	sdelay $0x1  }
0x99: {  	s19 =	simm.s32 $_scs_section_size  }
0x9a: {  	s4 =	simm.s32 $_size__tile_overlayer_lowered;
	s5 =	simm.s32 $_tile_overlayer_lowered  }
0x9b: {  	s22 =	simm.s32 $0x1BFF;
	s21 =	sshll.u32 s5, $0x1;
	s2 =	sadd.s32 s19, s18  }
0x9c: {  	s6 =	simm.s32 $0x0;
	s20 =	sshll.u32 s4, $0x1;
	s4 =	sadd.s32 s21, s2  }
0x9d: {  	[timem:s6], [sflag:s22] =	dma.local [hbm:s4], s20  }
0x9e: {  	_ =	swait.ge [sflag:s22], s20  }
0x9f: {  	s3 =	ssub.s32 $0x0, s20;
	[sflag:s22] =	ssyncset.done $0x0  }
0xa0: {  	[sflag:s22] =	ssyncadd.s32 s3;
	_ =	sdelay $0x1  }
0xa1: {  	s23 =	simm.s32 $0x1B8B  }
0xa2: {  	_ =	swait.ge [sflag:s23], $0x1  }
0xa3: {  	[sflag:s23] =	ssyncset.done $0x0  }
0xa4: {  	s25 =	simm.s32 $0x1B8E;
	s24 =	sld [smem:$0x3FFE];
	[sflag:s23] =	ssyncadd.s32 $0xFFFFFFFF  }
0xa5: {  	s26 =	simm.s32 $execute0_lowered;
	[smem:$0x3FD2] =	sst s25  }
0xa6: {  	s4 =	sshll.u32 s26, $0x1;
	_ =	strace $0x8000004C;
	[dreg:$0x1] =	wrdreg $0xFFFFFFFF  }
0xa7: {  	s28 =	simm.s32 $_size_execute0_lowered;
	s2 =	sadd.s32 s2, s4;
	[dreg:$0x0] =	wrdreg $0x0  }
0xa8: {  	s4 =	sshll.u32 s28, $0x1;
	[dreg:$0x2] =	wrdreg s2  }
0xa9: {  	[dreg:$0x3] =	wrdreg s4  }
0xaa: {  	[dreg:$0x4] =	wrdreg $0xC0  }
0xab: {  	_ =	task [dreg:s6], $0x5FFFF  }
0xac: {  	[dreg:$0x1] =	wrdreg $0xFFFFFFFF  }
0xad: {  	[dreg:$0x0] =	wrdreg $0x60  }
0xae: {  	[dreg:$0x2] =	wrdreg s24  }
0xaf: {  	[dreg:$0x3] =	wrdreg $0x9  }
0xb0: {  	_ =	task.clear_ibuf [dreg:s6], $0x4FFFF;
	_ =	strace $0x9000004C  }
0xb1: {  	s29 =	simm.s32 $0x9;
	_ =	strace $0x8000004E  }
0xb2: {  	_ =	swait.ge [sflag:s29], $0x1  }
0xb3: {  	[sflag:s29] =	ssyncadd.s32 $0xFFFFFFFF  }
0xb4: {  	_ =	strace $0x9000004E  }
0xb5: {  	_ =	sfence  }
0xb6: {  	s30 =	sld [smem:$0x0];
	_ =	sdelay $0x2  }
0xb7: {  	s31 =	sshll.u32 s1, $0xD;
	s1 =	sshrl.u32 s1, $0x2  }
0xb8: {  	s3 =	sand.u32 $0x4000, s31;
	s1 =	sadd.s32 s1, s30  }
0xb9: {  	s0 =	sor.u32 s3, s0;
	s1 =	sshll.u32 s1, $0x11  }
0xba: {  	s0 =	sor.u32 s1, s0  }
0xbb: {  	s0 =	sadd.s32 $0x8F2B, s0  }
0xbc: {  	[sflag:s0] =	ssyncadd.remote.s32 $0x1  }
0xbd: {  	_ =	sfence.sel $0xFFFF  }
0xbe: {  	[dreg:$0x0] =	wrdreg $0xFFFFFFFF;
	(pc) =	sbr.abs _section_cstart, $3  }
0xbf: {  	[dreg:$0x1] =	wrdreg $0xFFFFFFFF  }
0xc0: {  	_ =	task.clear_ibuf [dreg:s6], $0x2FFFF;
	_ =	strace $0x9FFFFFFF  }
0xc1: {  	(tm) =	ssettm $0x7FFFFFFF  }
tec
execute0_lowered:
.L_overlay_start_1:
0x0: {  	(tag) =	ssettag $0x1  }
0x1: {  	s4 =	rddreg [dreg:$0x0]  }
0x2: {  	s0 =	rddreg [dreg:$0x1]  }
0x3: {  	s2 =	simm.s32 $0x0;
	s1 =	stileid.u32;
	s3 =	srdreg.scid  }
0x4: {  	s12 =	simm.s32 $0x100;
	s13 =	simm.s32 $0x8200;
	s14 =	simm.s32 $0x180  }
0x5: {  	s15 =	simm.s32 $0xC200;
	s16 =	simm.s32 $0x1;
	s5 =	smul.u32 $0xC8000, s1  }
0x6: {  	s17 =	simm.s32 $0x0;
	s6 =	sand.u32 $0x1, s3;
	s10 =	smul.u32 $0xC800, s1  }
0x7: {  	[smem:$0x7FF] =	sst s2;
	s3 =	sadd.s32 $0xC400, s4;
	s8 =	smul.u32 $0x64000, s6  }
0x8: {  	_ =	strace $0x8000004D;
	s7 =	ssub.s32 $0x2, s6;
	s30 =	smul.u32 $0x6400, s6  }
0x9: {  	s9 =	sshrl.u32 s7, $0x1;
	s11 =	sadd.s32 s5, s4;
	s4 =	sadd.s32 $0x9F000, s4  }
0xa: {  	s29 =	ssub.s32 s7, s9;
	s31 =	sadd.s32 s8, s11;
	s7 =	sadd.s32 s30, s10  }
0xb: {  	s8 =	simm.s32 $0x2;
	s9 =	simm.s32 $0x80;
	s10 =	simm.s32 $0x200  }
0xc: {  	s11 =	simm.s32 $0x4200;
	s5 =	smax.u32 s29, $0x1;
	s6 =	sadd.s32 $0xE5DC00, s31  }
.LBB2_1:
0xd: {  	s18 =	sadd.s32 $0x0, s7  }
0xe: {  	s19 =	sand.u32 $0x200, s2;
	s18 =	sand.u32 $0x1FFC00, s18  }
0xf: {  	s18 =	sor.u32 s19, s18  }
0x10: {  	s18 =	sshrl.u32 s18, $0x3  }
0x11: {  	s18 =	sadd.s32 s4, s18  }
0x12: {  	[tilespmem:s2], [sflag:$0x2] =	stream.linear.gather [hbm4b:s18+s2], $0x200, $0x38;
	[tilespmem:$0x10200] =	vst v63  }
0x13: {  	_ =	swait.ge [sflag:s8], $0x200  }
0x14: {  	[sflag:s8] =	ssyncset.done $0x0  }
0x15: {  	[sflag:s8] =	ssyncadd.s32 $0xFFFFFE00  }
0x16: {  	[tilespmem:s10], [sflag:$0x1] =	stream.indirect.gather [hbm4b:s3+s9], $0x80, s2, s9, $0xb8;
	[tilespmem:$0x10200] =	vst v63  }
0x17: {  	_ = 	snop  }
0x18: {  	[tilespmem:s11], [sflag:$0x1] =	stream.indirect.gather [hbm4b:s3+s9], $0x80, s9, s9, $0xb8;
	[tilespmem:$0x10200] =	vst v63  }
0x19: {  	_ = 	snop  }
0x1a: {  	[tilespmem:s13], [sflag:$0x1] =	stream.indirect.gather [hbm4b:s3+s9], $0x80, s12, s9, $0xb8;
	[tilespmem:$0x10200] =	vst v63  }
0x1b: {  	_ = 	snop  }
0x1c: {  	[tilespmem:s15], [sflag:$0x1] =	stream.indirect.gather [hbm4b:s3+s9], $0x80, s14, s9, $0xb8;
	[tilespmem:$0x10200] =	vst v63  }
0x1d: {  	_ =	swait.ge [sflag:s16], $0x4000  }
0x1e: {  	[sflag:s16] =	ssyncset.done $0x0  }
0x1f: {  	[sflag:s16] =	ssyncadd.s32 $0xFFFFC000  }
0x20: {  	_ =	swait.ge [sflag:s16], $0x4000  }
0x21: {  	[sflag:s16] =	ssyncset.done $0x0  }
0x22: {  	[sflag:s16] =	ssyncadd.s32 $0xFFFFC000  }
0x23: {  	_ =	swait.ge [sflag:s16], $0x4000  }
0x24: {  	s31 =	sadd.s32 $0x200, s7;
	[sflag:s16] =	ssyncset.done $0x0  }
0x25: {  	s30 =	simm.s32 $0x200;
	s20 =	sand.u32 $0x1FFC00, s31;
	[sflag:s16] =	ssyncadd.s32 $0xFFFFC000  }
0x26: {  	s19 =	simm.s32 $0x400;
	s18 =	sand.u32 $0x200, s30;
	_ =	swait.ge [sflag:s16], $0x4000  }
0x27: {  	s18 =	sor.u32 s18, s20;
	s20 =	smov.u32 s6;
	[sflag:s16] =	ssyncset.done $0x0  }
0x28: {  	s21 =	sshrl.u32 s18, $0x3;
	s18 =	sadd.s32 $0x2000, s6;
	[sflag:s16] =	ssyncadd.s32 $0xFFFFC000  }
.LBB2_2:
0x29: {  	[hbm4b:s20+s2] =	stream.linear.scatter [tilespmem:s10], [sflag:$0x2], $0x10000, $0x38;
	[tilespmem:$0x10200] =	vst v63  }
0x2a: {  	s22 =	smov.u32 s19;
	s20 =	smov.u32 s18  }
0x2b: {  	p0 =	sne.s32 s19, $0x6200;
	s19 =	sadd.s32 $0x200, s19;
	_ =	swait.ge [sflag:s8], $0x10000  }
0x2c: {  	[sflag:s8] =	ssyncset.done $0x0  }
0x2d: {  	s21 =	sadd.s32 s4, s21;
	[sflag:s8] =	ssyncadd.s32 $0xFFFF0000  }
0x2e: {  	[tilespmem:s2], [sflag:$0x2] =	stream.linear.gather [hbm4b:s21+s2], $0x200, $0x38;
	[tilespmem:$0x10200] =	vst v63  }
0x2f: {  	_ =	swait.ge [sflag:s8], $0x200  }
0x30: {  	[sflag:s8] =	ssyncset.done $0x0  }
0x31: {  	[sflag:s8] =	ssyncadd.s32 $0xFFFFFE00  }
0x32: {  	[tilespmem:s10], [sflag:$0x1] =	stream.indirect.gather [hbm4b:s3+s9], $0x80, s2, s9, $0xb8;
	[tilespmem:$0x10200] =	vst v63  }
0x33: {  	_ = 	snop  }
0x34: {  	[tilespmem:s11], [sflag:$0x1] =	stream.indirect.gather [hbm4b:s3+s9], $0x80, s9, s9, $0xb8;
	[tilespmem:$0x10200] =	vst v63  }
0x35: {  	_ = 	snop  }
0x36: {  	[tilespmem:s13], [sflag:$0x1] =	stream.indirect.gather [hbm4b:s3+s9], $0x80, s12, s9, $0xb8;
	[tilespmem:$0x10200] =	vst v63  }
0x37: {  	_ = 	snop  }
0x38: {  	[tilespmem:s15], [sflag:$0x1] =	stream.indirect.gather [hbm4b:s3+s9], $0x80, s14, s9, $0xb8;
	[tilespmem:$0x10200] =	vst v63  }
0x39: {  	_ =	swait.ge [sflag:s16], $0x4000  }
0x3a: {  	[sflag:s16] =	ssyncset.done $0x0  }
0x3b: {  	[sflag:s16] =	ssyncadd.s32 $0xFFFFC000  }
0x3c: {  	_ =	swait.ge [sflag:s16], $0x4000  }
0x3d: {  	[sflag:s16] =	ssyncset.done $0x0  }
0x3e: {  	[sflag:s16] =	ssyncadd.s32 $0xFFFFC000  }
0x3f: {  	_ =	swait.ge [sflag:s16], $0x4000  }
.Ltmp0:
0x40: {  	[sflag:s16] =	ssyncset.done $0x0;
	(pc) =	sbr.rel @p0 .LBB2_2-.Ltmp0, $4  }
0x41: {  	s21 =	sadd.s32 s22, s7;
	[sflag:s16] =	ssyncadd.s32 $0xFFFFC000  }
0x42: {  	s22 =	sand.u32 $0x200, s22;
	s21 =	sand.u32 $0x1FFC00, s21;
	_ =	swait.ge [sflag:s16], $0x4000  }
0x43: {  	s21 =	sor.u32 s22, s21;
	[sflag:s16] =	ssyncset.done $0x0  }
0x44: {  	s18 =	sadd.s32 $0x2000, s18;
	s21 =	sshrl.u32 s21, $0x3;
	[sflag:s16] =	ssyncadd.s32 $0xFFFFC000  }
0x45: {  	[hbm4b:s20+s2] =	stream.linear.scatter [tilespmem:s10], [sflag:$0x2], $0x10000, $0x38;
	[tilespmem:$0x10200] =	vst v63  }
0x46: {  	_ =	swait.ge [sflag:s8], $0x10000  }
0x47: {  	[sflag:s8] =	ssyncset.done $0x0  }
0x48: {  	s19 =	sadd.s32 s4, s21;
	[sflag:s8] =	ssyncadd.s32 $0xFFFF0000  }
0x49: {  	[tilespmem:s2], [sflag:$0x2] =	stream.linear.gather [hbm4b:s19+s2], $0x200, $0x38;
	[tilespmem:$0x10200] =	vst v63  }
0x4a: {  	_ =	swait.ge [sflag:s8], $0x200  }
0x4b: {  	[sflag:s8] =	ssyncset.done $0x0  }
0x4c: {  	[sflag:s8] =	ssyncadd.s32 $0xFFFFFE00  }
0x4d: {  	[tilespmem:s10], [sflag:$0x1] =	stream.indirect.gather [hbm4b:s3+s9], $0x80, s2, s9, $0xb8;
	[tilespmem:$0x10200] =	vst v63  }
0x4e: {  	_ = 	snop  }
0x4f: {  	[tilespmem:s11], [sflag:$0x1] =	stream.indirect.gather [hbm4b:s3+s9], $0x80, s9, s9, $0xb8;
	[tilespmem:$0x10200] =	vst v63  }
0x50: {  	_ = 	snop  }
0x51: {  	[tilespmem:s13], [sflag:$0x1] =	stream.indirect.gather [hbm4b:s3+s9], $0x80, s12, s9, $0xb8;
	[tilespmem:$0x10200] =	vst v63  }
0x52: {  	_ = 	snop  }
0x53: {  	[tilespmem:s15], [sflag:$0x1] =	stream.indirect.gather [hbm4b:s3+s9], $0x80, s14, s9, $0xb8;
	[tilespmem:$0x10200] =	vst v63  }
0x54: {  	_ =	swait.ge [sflag:s16], $0x4000  }
0x55: {  	[sflag:s16] =	ssyncset.done $0x0  }
0x56: {  	[sflag:s16] =	ssyncadd.s32 $0xFFFFC000  }
0x57: {  	_ =	swait.ge [sflag:s16], $0x4000  }
0x58: {  	[sflag:s16] =	ssyncset.done $0x0  }
0x59: {  	[sflag:s16] =	ssyncadd.s32 $0xFFFFC000  }
0x5a: {  	_ =	swait.ge [sflag:s16], $0x4000  }
0x5b: {  	[sflag:s16] =	ssyncset.done $0x0  }
0x5c: {  	[sflag:s16] =	ssyncadd.s32 $0xFFFFC000  }
0x5d: {  	s17 =	sadd.s32 $0x1, s17;
	_ =	swait.ge [sflag:s16], $0x4000  }
0x5e: {  	p0 =	sne.s32 s17, s5;
	[sflag:s16] =	ssyncset.done $0x0  }
.Ltmp1:
0x5f: {  	[sflag:s16] =	ssyncadd.s32 $0xFFFFC000;
	(pc) =	sbr.rel @p0 .LBB2_1-.Ltmp1, $4  }
0x60: {  	[hbm4b:s18+s2] =	stream.linear.scatter [tilespmem:s10], [sflag:$0x2], $0x10000, $0x38;
	[tilespmem:$0x10200] =	vst v63  }
0x61: {  	_ =	swait.ge [sflag:s8], $0x10000  }
0x62: {  	[sflag:s8] =	ssyncset.done $0x0  }
0x63: {  	[sflag:s8] =	ssyncadd.s32 $0xFFFF0000  }
0x64: {  	_ =	sfence.sel $0x180000  }
0x65: {  	[bflag:$0x0] =	sbarrier.arrive $0xFFFF  }
0x66: {  	p0 =	sne.s32 s1, $0x0;
	_ =	strace $0x9000004D  }
0x67: {  	s0 =	sadd.s32 @!p0 $0x100000, s0;
	[bflag:$0x2] =	sbarrier.arrive $0xFFFF  }
0x68: {  	[sflag:s0] =	ssyncadd.tile.s32 @!p0 $0x1;
	_ =	shalt  }
.Lfunc_end2:
_tile_overlayer_lowered:
.L_overlay_start_2:
0x69: {  	(tag) =	ssettag $0x2  }
0x6a: {  	s0 =	rddreg [dreg:$0x0];
	s2 =	stileid.u32  }
0x6b: {  	s1 =	rddreg [dreg:$0x1];
	p0 =	sne.s32 s2, $0x0  }
0x6c: {  	s3 =	rddreg [dreg:$0x2];
	[bflag:$0x3] =	sbarrier.arrive $0xFFFF;
	s2 =	simm.s32 @!p0 $0x1C02  }
0x6d: {  	[timem:s3], [sflag:s2] =	dma.local @!p0 [hbm:s0], s1  }
0x6e: {  	s0 =	simm.s32 @!p0 $0x2  }
0x6f: {  	_ =	swait.ge @!p0 [sflag:s0], s1  }
0x70: {  	s1 =	ssub.s32 @!p0 $0x0, s1;
	[sflag:s0] =	ssyncset.done @!p0 $0x0  }
0x71: {  	[sflag:s0] =	ssyncadd.s32 @!p0 s1  }
0x72: {  	[bflag:$0x3] =	sbarrier.arrive $0xFFFF  }
0x73: {  	_ =	shalt  }

// kernel: kernel.28.cloned.1.call-start
scs
__scs_entry_jumppad:
0x0: {  	(pc) =	sbr.rel $0x88, $3  }
0x1: {  	(tag) =	ssettag $0x0;
	lr =	simm.s32 $0x1  }
0x2: {  	[smem:$0x3F73] =	sst lr;
	_ =	strace $0xD0000000  }
0x3: {  	_ = 	snop  }
0x4: {  	_ = 	snop  }
0x5: {  	_ = 	snop  }
0x6: {  	_ = 	snop  }
0x7: {  	_ = 	snop  }
__scs_overlays_trampoline_lowered:
0x8: {  	[smem:$0x3F82] =	sst s0  }
0x9: {  	[smem:$0x3F83] =	sst s1  }
0xa: {  	[smem:$0x3F84] =	sst s2  }
0xb: {  	[smem:$0x3F85] =	sst s3  }
0xc: {  	[smem:$0x3F86] =	sst s4  }
0xd: {  	[smem:$0x3F87] =	sst s5  }
0xe: {  	[smem:$0x3F88] =	sst s6  }
0xf: {  	[smem:$0x3F89] =	sst s7  }
0x10: {  	[smem:$0x3F8A] =	sst s8  }
0x11: {  	[smem:$0x3F8B] =	sst s9;
	s0 =	simm.s32 @!p0 $0x0  }
0x12: {  	s1 =	sld [smem:$0x3F71];
	s0 =	simm.s32 @p0 $0x1  }
0x13: {  	[smem:$0x3F8C] =	sst s0;
	s0 =	simm.s32 @!p1 $0x0  }
0x14: {  	s2 =	sld [smem:$0x3F70];
	s0 =	simm.s32 @p1 $0x1  }
0x15: {  	[smem:$0x3F8D] =	sst s0;
	s0 =	simm.s32 @!p2 $0x0  }
0x16: {  	s3 =	sld [smem:$0x3FDB];
	s0 =	simm.s32 @p2 $0x1  }
0x17: {  	s4 =	simm.s32 $0x1BF5;
	[smem:$0x3F8F] =	sst s0  }
0x18: {  	s0 =	sld [smem:$0x3F72];
	_ =	swait.ge [sflag:s4], $0x0  }
0x19: {  	s7 =	sld [smem:$0x3F73]  }
0x1a: {  	s8 =	sadd.s32 $0xFFFFE003, lr  }
0x1b: {  	s9 =	sadd.s32 $0xFFFFFEF7, lr;
	s5 =	simm.s32 $0xFFFFFFFF;
	p2 =	slt.u32 s8, $0xFFFFF086  }
0x1c: {  	p1 =	slt.u32 s9, $0xF7A;
	s5 =	simm.s32 @!p2 $0x0  }
0x1d: {  	s5 =	simm.s32 @p1 $0x1;
	p0 =	seq.s32 s7, s2  }
0x1e: {  	s7 =	smul.u32 @!p0 $0xF7A, s2;
	p2 =	seq.s32 @!p0 s5, $0x0  }
0x1f: {  	s9 =	smul.u32 $0xF7A, s1;
	s8 =	simm.s32 @!p0 $0x1BF5;
	p2 =	por !p2, p0  }
0x20: {  	[sflag:s8] =	ssyncset.s32 @!p0 $0xFFFFF086;
	s6 =	sadd.s32 @!p0 s3, s7;
	s7 =	simm.s32 @!p0 $0x108  }
0x21: {  	s3 =	sadd.s32 s3, s9;
	s6 =	sadd.s32 @!p0 $0x88, s6;
	s7 =	simm.s32 @p2 $0x1082  }
0x22: {  	[simem:s7], [sflag:s8] =	dma.local @!p0 [hbm:s6], $0xF7A  }
0x23: {  	s9 =	sor.u32 $0xD0000000, s2;
	s6 =	simm.s32 $0x108;
	_ =	swait.ge @!p0 [sflag:s8], $0x0  }
0x24: {  	s3 =	sadd.s32 $0x88, s3;
	s6 =	simm.s32 @!p1 $0x1082;
	[sflag:s4] =	ssyncset.s32 $0xFFFFF086  }
0x25: {  	[simem:s6], [sflag:s4] =	dma.local [hbm:s3], $0xF7A  }
0x26: {  	[smem:$0x3F73] =	sst s1;
	(tag) =	ssettag s2;
	_ =	strace s9  }
0x27: {  	s1 =	sld [smem:$0x3F83]  }
0x28: {  	s2 =	sld [smem:$0x3F84]  }
0x29: {  	s4 =	sld [smem:$0x3F86]  }
0x2a: {  	p0 =	seq.s32 s5, $0x0;
	s5 =	sld [smem:$0x3F87]  }
0x2b: {  	s6 =	sld [smem:$0x3F88]  }
0x2c: {  	s7 =	sld [smem:$0x3F89]  }
0x2d: {  	s3 =	simm.s32 $0x108;
	s8 =	sld [smem:$0x3F8A]  }
0x2e: {  	s3 =	simm.s32 @!p0 $0x1082;
	s9 =	sld [smem:$0x3F8B]  }
0x2f: {  	lr =	sadd.s32 s0, s3;
	s0 =	sld [smem:$0x3F82]  }
0x30: {  	s3 =	sld [smem:$0x3F85]  }
0x31: {  	[smem:$0x3F8E] =	sst s10  }
0x32: {  	s10 =	sld [smem:$0x3F8C];
	_ =	sdelay $0x3  }
0x33: {  	p0 =	seq.s32 s10, $0x1;
	s10 =	sld [smem:$0x3F8E];
	_ =	sdelay $0x3  }
0x34: {  	[smem:$0x3F8E] =	sst s10  }
0x35: {  	s10 =	sld [smem:$0x3F8D];
	_ =	sdelay $0x3  }
0x36: {  	p1 =	seq.s32 s10, $0x1;
	s10 =	sld [smem:$0x3F8E];
	_ =	sdelay $0x3  }
0x37: {  	[smem:$0x3F8E] =	sst s10  }
0x38: {  	s10 =	sld [smem:$0x3F8F]  }
0x39: {  	_ = 	snop;
	(pc) =	sbr.ind lr, $3  }
0x3a: {  	_ = 	snop  }
0x3b: {  	_ = 	snop  }
0x3c: {  	p2 =	seq.s32 s10, $0x1;
	s10 =	sld [smem:$0x3F8E]  }
0x3d: {  	_ =	shalt  }
0x3e: {  	_ =	shalt  }
0x3f: {  	_ =	shalt  }
0x40: {  	_ =	shalt  }
0x41: {  	_ =	shalt  }
0x42: {  	_ =	shalt  }
0x43: {  	_ =	shalt  }
0x44: {  	_ =	shalt  }
0x45: {  	_ =	shalt  }
0x46: {  	_ =	shalt  }
0x47: {  	_ =	shalt  }
0x48: {  	_ =	shalt  }
0x49: {  	_ =	shalt  }
0x4a: {  	_ =	shalt  }
0x4b: {  	_ =	shalt  }
0x4c: {  	_ =	shalt  }
0x4d: {  	_ =	shalt  }
0x4e: {  	_ =	shalt  }
0x4f: {  	_ =	shalt  }
0x50: {  	_ =	shalt  }
0x51: {  	_ =	shalt  }
0x52: {  	_ =	shalt  }
0x53: {  	_ =	shalt  }
0x54: {  	_ =	shalt  }
0x55: {  	_ =	shalt  }
0x56: {  	_ =	shalt  }
0x57: {  	_ =	shalt  }
0x58: {  	_ =	shalt  }
0x59: {  	_ =	shalt  }
0x5a: {  	_ =	shalt  }
0x5b: {  	_ =	shalt  }
0x5c: {  	_ =	shalt  }
0x5d: {  	_ =	shalt  }
0x5e: {  	_ =	shalt  }
0x5f: {  	_ =	shalt  }
0x60: {  	_ =	shalt  }
0x61: {  	_ =	shalt  }
0x62: {  	_ =	shalt  }
0x63: {  	_ =	shalt  }
0x64: {  	_ =	shalt  }
0x65: {  	_ =	shalt  }
0x66: {  	_ =	shalt  }
0x67: {  	_ =	shalt  }
0x68: {  	_ =	shalt  }
0x69: {  	_ =	shalt  }
0x6a: {  	_ =	shalt  }
0x6b: {  	_ =	shalt  }
0x6c: {  	_ =	shalt  }
0x6d: {  	_ =	shalt  }
0x6e: {  	_ =	shalt  }
0x6f: {  	_ =	shalt  }
0x70: {  	_ =	shalt  }
0x71: {  	_ =	shalt  }
0x72: {  	_ =	shalt  }
0x73: {  	_ =	shalt  }
0x74: {  	_ =	shalt  }
0x75: {  	_ =	shalt  }
0x76: {  	_ =	shalt  }
0x77: {  	_ =	shalt  }
0x78: {  	_ =	shalt  }
0x79: {  	_ =	shalt  }
0x7a: {  	_ =	shalt  }
0x7b: {  	_ =	shalt  }
0x7c: {  	_ =	shalt  }
0x7d: {  	_ =	shalt  }
0x7e: {  	_ =	shalt  }
0x7f: {  	_ =	shalt  }
0x80: {  	_ =	shalt  }
0x81: {  	_ =	shalt  }
0x82: {  	_ =	shalt  }
0x83: {  	_ =	shalt  }
0x84: {  	_ =	shalt  }
0x85: {  	_ =	shalt  }
0x86: {  	_ =	shalt  }
0x87: {  	_ =	shalt  }
.Lfunc_end0:
.L_simem_size_0:
called_computation.3_lowered:
.L_overlay_start_0:
0x88: {  	s2 =	sld [smem:$0x3FD9]  }
0x89: {  	s3 =	sld [smem:$0x3FFE];
	_ =	sdelay $0x1  }
0x8a: {  	s1 =	srdreg.scid  }
0x8b: {  	s0 =	sand.u32 $0x1, s1  }
0x8c: {  	s16 =	sshll.u32 s0, $0xA;
	s2 =	sadd.s32 s3, s2  }
0x8d: {  	s2 =	sadd.s32 s2, s16  }
0x8e: {  	[smem:$0x3F9A] =	sst s2  }
0x8f: {  	_ = 	snop  }
0x90: {  	(tm) =	ssettm $0x1  }
0x91: {  	s17 =	sld [smem:$0x3FFB];
	_ =	sdelay $0x3  }
0x92: {  	_ =	strace s17  }
0x93: {  	s2 =	sld [smem:$0x3FFC];
	_ =	sdelay $0x3  }
0x94: {  	_ =	strace s2  }
0x95: {  	s2 =	sld [smem:$0x3FFD];
	_ =	sdelay $0x3  }
0x96: {  	_ =	strace s2  }
0x97: {  	_ =	strace $0x8FFFFFFF  }
0x98: {  	s18 =	sld [smem:$0x3FDB];
	_ =	sdelay $0x1  }
0x99: {  	s19 =	simm.s32 $_scs_section_size  }
0x9a: {  	s4 =	simm.s32 $_size__tile_overlayer_lowered;
	s5 =	simm.s32 $_tile_overlayer_lowered  }
0x9b: {  	s22 =	simm.s32 $0x1BFF;
	s21 =	sshll.u32 s5, $0x1;
	s2 =	sadd.s32 s19, s18  }
0x9c: {  	s6 =	simm.s32 $0x0;
	s20 =	sshll.u32 s4, $0x1;
	s4 =	sadd.s32 s21, s2  }
0x9d: {  	[timem:s6], [sflag:s22] =	dma.local [hbm:s4], s20  }
0x9e: {  	_ =	swait.ge [sflag:s22], s20  }
0x9f: {  	s3 =	ssub.s32 $0x0, s20;
	[sflag:s22] =	ssyncset.done $0x0  }
0xa0: {  	[sflag:s22] =	ssyncadd.s32 s3;
	_ =	sdelay $0x1  }
0xa1: {  	s23 =	simm.s32 $0x1B8B  }
0xa2: {  	_ =	swait.ge [sflag:s23], $0x1  }
0xa3: {  	[sflag:s23] =	ssyncset.done $0x0  }
0xa4: {  	s25 =	simm.s32 $0x1B8E;
	s24 =	sld [smem:$0x3FFE];
	[sflag:s23] =	ssyncadd.s32 $0xFFFFFFFF  }
0xa5: {  	s26 =	simm.s32 $execute0_lowered;
	[smem:$0x3FD2] =	sst s25  }
0xa6: {  	s4 =	sshll.u32 s26, $0x1;
	_ =	strace $0x8000004F;
	[dreg:$0x1] =	wrdreg $0xFFFFFFFF  }
0xa7: {  	s28 =	simm.s32 $_size_execute0_lowered;
	s2 =	sadd.s32 s2, s4;
	[dreg:$0x0] =	wrdreg $0x0  }
0xa8: {  	s4 =	sshll.u32 s28, $0x1;
	[dreg:$0x2] =	wrdreg s2  }
0xa9: {  	[dreg:$0x3] =	wrdreg s4  }
0xaa: {  	[dreg:$0x4] =	wrdreg $0xC0  }
0xab: {  	_ =	task [dreg:s6], $0x5FFFF  }
0xac: {  	[dreg:$0x1] =	wrdreg $0xFFFFFFFF  }
0xad: {  	[dreg:$0x0] =	wrdreg $0x60  }
0xae: {  	[dreg:$0x2] =	wrdreg s24  }
0xaf: {  	[dreg:$0x3] =	wrdreg $0x41000  }
0xb0: {  	[dreg:$0x4] =	wrdreg $0x9  }
0xb1: {  	_ =	task.clear_ibuf [dreg:s6], $0x5FFFF;
	_ =	strace $0x9000004F  }
0xb2: {  	s29 =	simm.s32 $0x9;
	_ =	strace $0x80000051  }
0xb3: {  	_ =	swait.ge [sflag:s29], $0x1  }
0xb4: {  	[sflag:s29] =	ssyncadd.s32 $0xFFFFFFFF  }
0xb5: {  	_ =	strace $0x90000051  }
0xb6: {  	_ =	sfence  }
0xb7: {  	s30 =	sld [smem:$0x0];
	_ =	sdelay $0x2  }
0xb8: {  	s31 =	sshll.u32 s1, $0xD;
	s1 =	sshrl.u32 s1, $0x2  }
0xb9: {  	s3 =	sand.u32 $0x4000, s31;
	s1 =	sadd.s32 s1, s30  }
0xba: {  	s0 =	sor.u32 s3, s0;
	s1 =	sshll.u32 s1, $0x11  }
0xbb: {  	s0 =	sor.u32 s1, s0  }
0xbc: {  	s0 =	sadd.s32 $0x8F2B, s0  }
0xbd: {  	[sflag:s0] =	ssyncadd.remote.s32 $0x1  }
0xbe: {  	_ =	sfence.sel $0xFFFF  }
0xbf: {  	[dreg:$0x0] =	wrdreg $0xFFFFFFFF;
	(pc) =	sbr.abs _section_cstart, $3  }
0xc0: {  	[dreg:$0x1] =	wrdreg $0xFFFFFFFF  }
0xc1: {  	_ =	task.clear_ibuf [dreg:s6], $0x2FFFF;
	_ =	strace $0x9FFFFFFF  }
0xc2: {  	(tm) =	ssettm $0x7FFFFFFF  }
0xc3: {  	_ =	shalt  }
tec
execute0_lowered:
.L_overlay_start_1:
0x0: {  	(tag) =	ssettag $0x1  }
0x1: {  	s6 =	rddreg [dreg:$0x0]  }
0x2: {  	s0 =	stileid.u32;
	s1 =	srdreg.scid  }
0x3: {  	s2 =	rddreg [dreg:$0x1];
	s3 =	simm.s32 $0x0;
	s4 =	smul.u32 $0xC8000, s0  }
0x4: {  	s14 =	simm.s32 $0x80;
	s15 =	simm.s32 $0x0;
	s8 =	smul.u32 $0x18800, s0  }
0x5: {  	s7 =	sand.u32 $0x1, s1;
	s1 =	rddreg [dreg:$0x2];
	s11 =	smul.u32 $0x62000, s0  }
0x6: {  	[smem:$0x7FF] =	sst s3;
	s31 =	sshll.u32 s0, $0x6;
	s5 =	smul.u32 $0x188000, s7  }
0x7: {  	_ =	strace $0x80000050;
	s9 =	ssub.s32 $0x2, s7;
	s13 =	smul.u32 $0x30D4, s7  }
0x8: {  	s7 =	smul.u32 $0xC800, s0;
	s10 =	sadd.s32 s4, s6;
	s4 =	sadd.s32 $0x192C00, s6  }
0x9: {  	s29 =	sshrl.u32 s9, $0x1;
	s30 =	sshrl.u32 s11, $0x2;
	s5 =	sadd.s32 s8, s5  }
0xa: {  	s9 =	ssub.s32 s9, s29;
	s12 =	sadd.s32 s30, s2;
	s10 =	sadd.s32 $0x1ADDC00, s10  }
0xb: {  	v0 =	vmov s13;
	s13 =	simm.s32 $0x100;
	s8 =	sshrl.u32 s5, $0x3;
	s5 =	sadd.s32 $0xB8200, s6  }
0xc: {  	s9 =	smax.u32 s9, $0x1;
	s11 =	sshrl.u32 s12, $0x3;
	s8 =	sadd.s32 s8, s6  }
0xd: {  	s12 =	simm.s32 $0x1;
	s6 =	sor.u32 $0x1C01, s31;
	s8 =	sadd.s32 $0xBB400, s8  }
.LBB2_1:
0xe: {  	[spmem:s11], [sflag:s6] =	dma.local [hbm:s5], $0x3100  }
0xf: {  	s16 =	sadd.s32 $0x0, s7  }
0x10: {  	s17 =	sand.u32 $0x380, s3;
	_ =	swait.ge [sflag:s12], $0x3100;
	s16 =	sand.u32 $0x1FFC00, s16  }
0x11: {  	[sflag:s12] =	ssyncset.done $0x0;
	s16 =	sor.u32 s17, s16  }
0x12: {  	[sflag:s12] =	ssyncadd.s32 $0xFFFFCF00;
	s16 =	sshrl.u32 s16, $0x3  }
0x13: {  	[bflag:$0x0] =	sbarrier.arrive $0xFFFF;
	s16 =	sadd.s32 s4, s16  }
0x14: {  	[tilespmem:s3], [sflag:$0x1] =	stream.linear.gather [hbm4b:s16+s3], $0x80, $0x38;
	[tilespmem:$0x1C900] =	vst v63  }
0x15: {  	_ =	swait.ge [sflag:s12], $0x80  }
0x16: {  	[sflag:s12] =	ssyncset.done $0x0  }
0x17: {  	[sflag:s12] =	ssyncadd.s32 $0xFFFFFF80  }
0x18: {  	v1 =	vld [tilespmem:$0x50]  }
0x19: {  	v2 =	vld [tilespmem:$0x30]  }
0x1a: {  	v3 =	vld [tilespmem:$0x20]  }
0x1b: {  	v4 =	vld [tilespmem:$0x10]  }
0x1c: {  	v5 =	vld [tilespmem:$0x40]  }
0x1d: {  	v6 =	vld [tilespmem:$0x0];
	v1 =	vsub.s32 v1, v0  }
0x1e: {  	v7 =	vld [tilespmem:$0x60];
	v2 =	vsub.s32 v2, v0;
	v1 =	vmin.u32 v1, $0x30D4  }
0x1f: {  	v8 =	vld [tilespmem:$0x70];
	v3 =	vsub.s32 v3, v0;
	v2 =	vmin.u32 v2, $0x30D4;
	[tilespmem:$0xD0] =	vst v1  }
0x20: {  	v3 =	vmin.u32 v3, $0x30D4;
	v1 =	vsub.s32 v4, v0;
	[tilespmem:$0xB0] =	vst v2  }
0x21: {  	[tilespmem:$0xA0] =	vst v3;
	v2 =	vsub.s32 v5, v0;
	v1 =	vmin.u32 v1, $0x30D4  }
0x22: {  	v3 =	vsub.s32 v6, v0;
	[tilespmem:$0x90] =	vst v1;
	v1 =	vmin.u32 v2, $0x30D4  }
0x23: {  	v2 =	vmin.u32 v3, $0x30D4;
	[tilespmem:$0xC0] =	vst v1;
	v1 =	vsub.s32 v7, v0  }
0x24: {  	s18 =	smov.u32 s10;
	s17 =	smov.u32 s10;
	s16 =	simm.s32 $0x80;
	[tilespmem:$0x80] =	vst v2;
	v2 =	vsub.s32 v8, v0;
	v1 =	vmin.u32 v1, $0x30D4  }
.LBB2_2:
0x25: {  	p0 =	sne.s32 s16, $0xC780  }
0x26: {  	[tilespmem:$0xE0] =	vst v1;
	v1 =	vmin.u32 v2, $0x30D4;
	s17 =	sadd.s32 $0x800, s17;
	s19 =	smov.u32 s16;
	s16 =	sadd.s32 $0x80, s16  }
0x27: {  	s20 =	sadd.s32 s19, s7;
	[tilespmem:$0xF0] =	vst v1  }
0x28: {  	[tilespmem:s13], [sflag:$0x1] =	stream.linear.gather [hbm4b:s18+s3], $0x4000, $0x38;
	[tilespmem:$0x1C900] =	vst v63  }
0x29: {  	s19 =	sand.u32 $0x380, s19;
	s18 =	sand.u32 $0x1FFC00, s20;
	_ =	swait.ge [sflag:s12], $0x4000  }
0x2a: {  	s19 =	sor.u32 s19, s18;
	s18 =	smov.u32 s17;
	[sflag:s12] =	ssyncset.done $0x0  }
0x2b: {  	s19 =	sshrl.u32 s19, $0x3;
	[sflag:s12] =	ssyncadd.s32 $0xFFFFC000  }
0x2c: {  	[spmem:s2] =	stream.indirect.scatter.add.f32 [tilespmem:s13], [sflag:$0x1], $0x80, s14, s14, $0xb8;
	[tilespmem:$0x1C900] =	vst v63  }
0x2d: {  	s19 =	sadd.s32 s4, s19;
	_ =	swait.ge [sflag:s12], $0x4000  }
0x2e: {  	[sflag:s12] =	ssyncset.done $0x0  }
0x2f: {  	[sflag:s12] =	ssyncadd.s32 $0xFFFFC000  }
0x30: {  	[tilespmem:s3], [sflag:$0x1] =	stream.linear.gather [hbm4b:s19+s3], $0x80, $0x38;
	[tilespmem:$0x1C900] =	vst v63  }
0x31: {  	_ =	swait.ge [sflag:s12], $0x80  }
0x32: {  	[sflag:s12] =	ssyncset.done $0x0  }
0x33: {  	[sflag:s12] =	ssyncadd.s32 $0xFFFFFF80  }
0x34: {  	v1 =	vld [tilespmem:$0x50]  }
0x35: {  	v2 =	vld [tilespmem:$0x30]  }
0x36: {  	v3 =	vld [tilespmem:$0x20]  }
0x37: {  	v4 =	vld [tilespmem:$0x10]  }
0x38: {  	v5 =	vld [tilespmem:$0x40]  }
0x39: {  	v6 =	vld [tilespmem:$0x0];
	v1 =	vsub.s32 v1, v0  }
0x3a: {  	v2 =	vsub.s32 v2, v0;
	v1 =	vmin.u32 v1, $0x30D4;
	v7 =	vld [tilespmem:$0x60]  }
0x3b: {  	v3 =	vsub.s32 v3, v0;
	v2 =	vmin.u32 v2, $0x30D4;
	[tilespmem:$0xD0] =	vst v1;
	v8 =	vld [tilespmem:$0x70]  }
.Ltmp0:
0x3c: {  	v1 =	vsub.s32 v4, v0;
	v3 =	vmin.u32 v3, $0x30D4;
	[tilespmem:$0xB0] =	vst v2;
	(pc) =	sbr.rel @p0 .LBB2_2-.Ltmp0, $4  }
0x3d: {  	v1 =	vmin.u32 v1, $0x30D4;
	[tilespmem:$0xA0] =	vst v3;
	v2 =	vsub.s32 v5, v0  }
0x3e: {  	v3 =	vsub.s32 v6, v0;
	[tilespmem:$0x90] =	vst v1;
	v1 =	vmin.u32 v2, $0x30D4  }
0x3f: {  	v2 =	vmin.u32 v3, $0x30D4;
	[tilespmem:$0xC0] =	vst v1;
	v1 =	vsub.s32 v7, v0  }
0x40: {  	[tilespmem:$0x80] =	vst v2;
	v1 =	vmin.u32 v1, $0x30D4;
	v2 =	vsub.s32 v8, v0  }
0x41: {  	[tilespmem:$0xE0] =	vst v1;
	v1 =	vmin.u32 v2, $0x30D4  }
0x42: {  	[tilespmem:$0xF0] =	vst v1  }
0x43: {  	[tilespmem:s13], [sflag:$0x1] =	stream.linear.gather [hbm4b:s18+s3], $0x4000, $0x38;
	[tilespmem:$0x1C900] =	vst v63  }
0x44: {  	_ =	swait.ge [sflag:s12], $0x4000  }
0x45: {  	[sflag:s12] =	ssyncset.done $0x0  }
0x46: {  	[sflag:s12] =	ssyncadd.s32 $0xFFFFC000  }
0x47: {  	[spmem:s2] =	stream.indirect.scatter.add.f32 [tilespmem:s13], [sflag:$0x1], $0x80, s14, s14, $0xb8;
	[tilespmem:$0x1C900] =	vst v63  }
0x48: {  	_ =	swait.ge [sflag:s12], $0x4000  }
0x49: {  	s15 =	sadd.s32 $0x1, s15;
	[sflag:s12] =	ssyncset.done $0x0  }
0x4a: {  	p0 =	sne.s32 s15, s9;
	[sflag:s12] =	ssyncadd.s32 $0xFFFFC000  }
.Ltmp1:
0x4b: {  	[bflag:$0x0] =	sbarrier.arrive $0xFFFF;
	(pc) =	sbr.rel @p0 .LBB2_1-.Ltmp1, $4  }
0x4c: {  	[hbm:s8], [sflag:s6] =	dma.local [spmem:s11], $0x3100  }
0x4d: {  	_ =	swait.ge [sflag:s12], $0x3100  }
0x4e: {  	[sflag:s12] =	ssyncset.done $0x0  }
0x4f: {  	[sflag:s12] =	ssyncadd.s32 $0xFFFFCF00  }
0x50: {  	_ =	sfence.sel $0x180000  }
0x51: {  	[bflag:$0x0] =	sbarrier.arrive $0xFFFF  }
0x52: {  	p0 =	sne.s32 s0, $0x0;
	_ =	strace $0x90000050  }
0x53: {  	s0 =	sadd.s32 @!p0 $0x100000, s1;
	[bflag:$0x2] =	sbarrier.arrive $0xFFFF  }
0x54: {  	[sflag:s0] =	ssyncadd.tile.s32 @!p0 $0x1;
	_ =	shalt  }
.Lfunc_end2:
_tile_overlayer_lowered:
.L_overlay_start_2:
0x55: {  	(tag) =	ssettag $0x2  }
0x56: {  	s0 =	rddreg [dreg:$0x0];
	s2 =	stileid.u32  }
0x57: {  	s1 =	rddreg [dreg:$0x1];
	p0 =	sne.s32 s2, $0x0  }
0x58: {  	s3 =	rddreg [dreg:$0x2];
	[bflag:$0x3] =	sbarrier.arrive $0xFFFF;
	s2 =	simm.s32 @!p0 $0x1C01  }
0x59: {  	[timem:s3], [sflag:s2] =	dma.local @!p0 [hbm:s0], s1  }
0x5a: {  	s0 =	simm.s32 @!p0 $0x1  }
0x5b: {  	_ =	swait.ge @!p0 [sflag:s0], s1  }
0x5c: {  	s1 =	ssub.s32 @!p0 $0x0, s1;
	[sflag:s0] =	ssyncset.done @!p0 $0x0  }
0x5d: {  	[sflag:s0] =	ssyncadd.s32 @!p0 s1  }
0x5e: {  	[bflag:$0x3] =	sbarrier.arrive $0xFFFF  }
0x5f: {  	_ =	shalt  }

// kernel: kernel.31.cloned.1.call-start
scs
__scs_entry_jumppad:
0x0: {  	(pc) =	sbr.rel $0x88, $3  }
0x1: {  	(tag) =	ssettag $0x0;
	lr =	simm.s32 $0x1  }
0x2: {  	[smem:$0x3F73] =	sst lr;
	_ =	strace $0xD0000000  }
0x3: {  	_ = 	snop  }
0x4: {  	_ = 	snop  }
0x5: {  	_ = 	snop  }
0x6: {  	_ = 	snop  }
0x7: {  	_ = 	snop  }
__scs_overlays_trampoline_lowered:
0x8: {  	[smem:$0x3F82] =	sst s0  }
0x9: {  	[smem:$0x3F83] =	sst s1  }
0xa: {  	[smem:$0x3F84] =	sst s2  }
0xb: {  	[smem:$0x3F85] =	sst s3  }
0xc: {  	[smem:$0x3F86] =	sst s4  }
0xd: {  	[smem:$0x3F87] =	sst s5  }
0xe: {  	[smem:$0x3F88] =	sst s6  }
0xf: {  	[smem:$0x3F89] =	sst s7  }
0x10: {  	[smem:$0x3F8A] =	sst s8  }
0x11: {  	[smem:$0x3F8B] =	sst s9;
	s0 =	simm.s32 @!p0 $0x0  }
0x12: {  	s1 =	sld [smem:$0x3F71];
	s0 =	simm.s32 @p0 $0x1  }
0x13: {  	[smem:$0x3F8C] =	sst s0;
	s0 =	simm.s32 @!p1 $0x0  }
0x14: {  	s2 =	sld [smem:$0x3F70];
	s0 =	simm.s32 @p1 $0x1  }
0x15: {  	[smem:$0x3F8D] =	sst s0;
	s0 =	simm.s32 @!p2 $0x0  }
0x16: {  	s3 =	sld [smem:$0x3FDB];
	s0 =	simm.s32 @p2 $0x1  }
0x17: {  	s4 =	simm.s32 $0x1BF5;
	[smem:$0x3F8F] =	sst s0  }
0x18: {  	s0 =	sld [smem:$0x3F72];
	_ =	swait.ge [sflag:s4], $0x0  }
0x19: {  	s7 =	sld [smem:$0x3F73]  }
0x1a: {  	s8 =	sadd.s32 $0xFFFFE003, lr  }
0x1b: {  	s9 =	sadd.s32 $0xFFFFFEF7, lr;
	s5 =	simm.s32 $0xFFFFFFFF;
	p2 =	slt.u32 s8, $0xFFFFF086  }
0x1c: {  	p1 =	slt.u32 s9, $0xF7A;
	s5 =	simm.s32 @!p2 $0x0  }
0x1d: {  	s5 =	simm.s32 @p1 $0x1;
	p0 =	seq.s32 s7, s2  }
0x1e: {  	s7 =	smul.u32 @!p0 $0xF7A, s2;
	p2 =	seq.s32 @!p0 s5, $0x0  }
0x1f: {  	s9 =	smul.u32 $0xF7A, s1;
	s8 =	simm.s32 @!p0 $0x1BF5;
	p2 =	por !p2, p0  }
0x20: {  	[sflag:s8] =	ssyncset.s32 @!p0 $0xFFFFF086;
	s6 =	sadd.s32 @!p0 s3, s7;
	s7 =	simm.s32 @!p0 $0x108  }
0x21: {  	s3 =	sadd.s32 s3, s9;
	s6 =	sadd.s32 @!p0 $0x88, s6;
	s7 =	simm.s32 @p2 $0x1082  }
0x22: {  	[simem:s7], [sflag:s8] =	dma.local @!p0 [hbm:s6], $0xF7A  }
0x23: {  	s9 =	sor.u32 $0xD0000000, s2;
	s6 =	simm.s32 $0x108;
	_ =	swait.ge @!p0 [sflag:s8], $0x0  }
0x24: {  	s3 =	sadd.s32 $0x88, s3;
	s6 =	simm.s32 @!p1 $0x1082;
	[sflag:s4] =	ssyncset.s32 $0xFFFFF086  }
0x25: {  	[simem:s6], [sflag:s4] =	dma.local [hbm:s3], $0xF7A  }
0x26: {  	[smem:$0x3F73] =	sst s1;
	(tag) =	ssettag s2;
	_ =	strace s9  }
0x27: {  	s1 =	sld [smem:$0x3F83]  }
0x28: {  	s2 =	sld [smem:$0x3F84]  }
0x29: {  	s4 =	sld [smem:$0x3F86]  }
0x2a: {  	p0 =	seq.s32 s5, $0x0;
	s5 =	sld [smem:$0x3F87]  }
0x2b: {  	s6 =	sld [smem:$0x3F88]  }
0x2c: {  	s7 =	sld [smem:$0x3F89]  }
0x2d: {  	s3 =	simm.s32 $0x108;
	s8 =	sld [smem:$0x3F8A]  }
0x2e: {  	s3 =	simm.s32 @!p0 $0x1082;
	s9 =	sld [smem:$0x3F8B]  }
0x2f: {  	lr =	sadd.s32 s0, s3;
	s0 =	sld [smem:$0x3F82]  }
0x30: {  	s3 =	sld [smem:$0x3F85]  }
0x31: {  	[smem:$0x3F8E] =	sst s10  }
0x32: {  	s10 =	sld [smem:$0x3F8C];
	_ =	sdelay $0x3  }
0x33: {  	p0 =	seq.s32 s10, $0x1;
	s10 =	sld [smem:$0x3F8E];
	_ =	sdelay $0x3  }
0x34: {  	[smem:$0x3F8E] =	sst s10  }
0x35: {  	s10 =	sld [smem:$0x3F8D];
	_ =	sdelay $0x3  }
0x36: {  	p1 =	seq.s32 s10, $0x1;
	s10 =	sld [smem:$0x3F8E];
	_ =	sdelay $0x3  }
0x37: {  	[smem:$0x3F8E] =	sst s10  }
0x38: {  	s10 =	sld [smem:$0x3F8F]  }
0x39: {  	_ = 	snop;
	(pc) =	sbr.ind lr, $3  }
0x3a: {  	_ = 	snop  }
0x3b: {  	_ = 	snop  }
0x3c: {  	p2 =	seq.s32 s10, $0x1;
	s10 =	sld [smem:$0x3F8E]  }
0x3d: {  	_ =	shalt  }
0x3e: {  	_ =	shalt  }
0x3f: {  	_ =	shalt  }
0x40: {  	_ =	shalt  }
0x41: {  	_ =	shalt  }
0x42: {  	_ =	shalt  }
0x43: {  	_ =	shalt  }
0x44: {  	_ =	shalt  }
0x45: {  	_ =	shalt  }
0x46: {  	_ =	shalt  }
0x47: {  	_ =	shalt  }
0x48: {  	_ =	shalt  }
0x49: {  	_ =	shalt  }
0x4a: {  	_ =	shalt  }
0x4b: {  	_ =	shalt  }
0x4c: {  	_ =	shalt  }
0x4d: {  	_ =	shalt  }
0x4e: {  	_ =	shalt  }
0x4f: {  	_ =	shalt  }
0x50: {  	_ =	shalt  }
0x51: {  	_ =	shalt  }
0x52: {  	_ =	shalt  }
0x53: {  	_ =	shalt  }
0x54: {  	_ =	shalt  }
0x55: {  	_ =	shalt  }
0x56: {  	_ =	shalt  }
0x57: {  	_ =	shalt  }
0x58: {  	_ =	shalt  }
0x59: {  	_ =	shalt  }
0x5a: {  	_ =	shalt  }
0x5b: {  	_ =	shalt  }
0x5c: {  	_ =	shalt  }
0x5d: {  	_ =	shalt  }
0x5e: {  	_ =	shalt  }
0x5f: {  	_ =	shalt  }
0x60: {  	_ =	shalt  }
0x61: {  	_ =	shalt  }
0x62: {  	_ =	shalt  }
0x63: {  	_ =	shalt  }
0x64: {  	_ =	shalt  }
0x65: {  	_ =	shalt  }
0x66: {  	_ =	shalt  }
0x67: {  	_ =	shalt  }
0x68: {  	_ =	shalt  }
0x69: {  	_ =	shalt  }
0x6a: {  	_ =	shalt  }
0x6b: {  	_ =	shalt  }
0x6c: {  	_ =	shalt  }
0x6d: {  	_ =	shalt  }
0x6e: {  	_ =	shalt  }
0x6f: {  	_ =	shalt  }
0x70: {  	_ =	shalt  }
0x71: {  	_ =	shalt  }
0x72: {  	_ =	shalt  }
0x73: {  	_ =	shalt  }
0x74: {  	_ =	shalt  }
0x75: {  	_ =	shalt  }
0x76: {  	_ =	shalt  }
0x77: {  	_ =	shalt  }
0x78: {  	_ =	shalt  }
0x79: {  	_ =	shalt  }
0x7a: {  	_ =	shalt  }
0x7b: {  	_ =	shalt  }
0x7c: {  	_ =	shalt  }
0x7d: {  	_ =	shalt  }
0x7e: {  	_ =	shalt  }
0x7f: {  	_ =	shalt  }
0x80: {  	_ =	shalt  }
0x81: {  	_ =	shalt  }
0x82: {  	_ =	shalt  }
0x83: {  	_ =	shalt  }
0x84: {  	_ =	shalt  }
0x85: {  	_ =	shalt  }
0x86: {  	_ =	shalt  }
0x87: {  	_ =	shalt  }
.Lfunc_end0:
.L_simem_size_0:
called_computation.4_lowered:
.L_overlay_start_0:
0x88: {  	s2 =	sld [smem:$0x3FD9]  }
0x89: {  	s3 =	sld [smem:$0x3FFE];
	_ =	sdelay $0x1  }
0x8a: {  	s1 =	srdreg.scid  }
0x8b: {  	s0 =	sand.u32 $0x1, s1  }
0x8c: {  	s16 =	sshll.u32 s0, $0xA;
	s2 =	sadd.s32 s3, s2  }
0x8d: {  	s2 =	sadd.s32 s2, s16  }
0x8e: {  	[smem:$0x3F9A] =	sst s2  }
0x8f: {  	_ = 	snop  }
0x90: {  	(tm) =	ssettm $0x1  }
0x91: {  	s17 =	sld [smem:$0x3FFB];
	_ =	sdelay $0x3  }
0x92: {  	_ =	strace s17  }
0x93: {  	s2 =	sld [smem:$0x3FFC];
	_ =	sdelay $0x3  }
0x94: {  	_ =	strace s2  }
0x95: {  	s2 =	sld [smem:$0x3FFD];
	_ =	sdelay $0x3  }
0x96: {  	_ =	strace s2  }
0x97: {  	_ =	strace $0x8FFFFFFF  }
0x98: {  	s18 =	sld [smem:$0x3FDB];
	_ =	sdelay $0x1  }
0x99: {  	s19 =	simm.s32 $_scs_section_size  }
0x9a: {  	s4 =	simm.s32 $_size__tile_overlayer_lowered;
	s5 =	simm.s32 $_tile_overlayer_lowered  }
0x9b: {  	s22 =	simm.s32 $0x1BFF;
	s21 =	sshll.u32 s5, $0x1;
	s2 =	sadd.s32 s19, s18  }
0x9c: {  	s6 =	simm.s32 $0x0;
	s20 =	sshll.u32 s4, $0x1;
	s4 =	sadd.s32 s21, s2  }
0x9d: {  	[timem:s6], [sflag:s22] =	dma.local [hbm:s4], s20  }
0x9e: {  	_ =	swait.ge [sflag:s22], s20  }
0x9f: {  	s3 =	ssub.s32 $0x0, s20;
	[sflag:s22] =	ssyncset.done $0x0  }
0xa0: {  	[sflag:s22] =	ssyncadd.s32 s3;
	_ =	sdelay $0x1  }
0xa1: {  	s23 =	simm.s32 $0x1B8B  }
0xa2: {  	_ =	swait.ge [sflag:s23], $0x1  }
0xa3: {  	[sflag:s23] =	ssyncset.done $0x0  }
0xa4: {  	s25 =	simm.s32 $0x1B8E;
	s24 =	sld [smem:$0x3FFE];
	[sflag:s23] =	ssyncadd.s32 $0xFFFFFFFF  }
0xa5: {  	s26 =	simm.s32 $execute0_lowered;
	[smem:$0x3FD2] =	sst s25  }
0xa6: {  	s4 =	sshll.u32 s26, $0x1;
	_ =	strace $0x80000052;
	[dreg:$0x1] =	wrdreg $0xFFFFFFFF  }
0xa7: {  	s28 =	simm.s32 $_size_execute0_lowered;
	s2 =	sadd.s32 s2, s4;
	[dreg:$0x0] =	wrdreg $0x0  }
0xa8: {  	s4 =	sshll.u32 s28, $0x1;
	[dreg:$0x2] =	wrdreg s2  }
0xa9: {  	[dreg:$0x3] =	wrdreg s4  }
0xaa: {  	[dreg:$0x4] =	wrdreg $0xC0  }
0xab: {  	_ =	task [dreg:s6], $0x5FFFF  }
0xac: {  	[dreg:$0x1] =	wrdreg $0xFFFFFFFF  }
0xad: {  	[dreg:$0x0] =	wrdreg $0x60  }
0xae: {  	[dreg:$0x2] =	wrdreg s24  }
0xaf: {  	[dreg:$0x3] =	wrdreg $0x9  }
0xb0: {  	_ =	task.clear_ibuf [dreg:s6], $0x4FFFF;
	_ =	strace $0x90000052  }
0xb1: {  	s29 =	simm.s32 $0x9;
	_ =	strace $0x80000054  }
0xb2: {  	_ =	swait.ge [sflag:s29], $0x1  }
0xb3: {  	[sflag:s29] =	ssyncadd.s32 $0xFFFFFFFF  }
0xb4: {  	_ =	strace $0x90000054  }
0xb5: {  	_ =	sfence  }
0xb6: {  	s30 =	sld [smem:$0x0];
	_ =	sdelay $0x2  }
0xb7: {  	s31 =	sshll.u32 s1, $0xD;
	s1 =	sshrl.u32 s1, $0x2  }
0xb8: {  	s3 =	sand.u32 $0x4000, s31;
	s1 =	sadd.s32 s1, s30  }
0xb9: {  	s0 =	sor.u32 s3, s0;
	s1 =	sshll.u32 s1, $0x11  }
0xba: {  	s0 =	sor.u32 s1, s0  }
0xbb: {  	s0 =	sadd.s32 $0x8F2B, s0  }
0xbc: {  	[sflag:s0] =	ssyncadd.remote.s32 $0x1  }
0xbd: {  	_ =	sfence.sel $0xFFFF  }
0xbe: {  	[dreg:$0x0] =	wrdreg $0xFFFFFFFF;
	(pc) =	sbr.abs _section_cstart, $3  }
0xbf: {  	[dreg:$0x1] =	wrdreg $0xFFFFFFFF  }
0xc0: {  	_ =	task.clear_ibuf [dreg:s6], $0x2FFFF;
	_ =	strace $0x9FFFFFFF  }
0xc1: {  	(tm) =	ssettm $0x7FFFFFFF  }
tec
execute0_lowered:
.L_overlay_start_1:
0x0: {  	(tag) =	ssettag $0x1  }
0x1: {  	s4 =	rddreg [dreg:$0x0]  }
0x2: {  	s0 =	rddreg [dreg:$0x1]  }
0x3: {  	s2 =	simm.s32 $0x0;
	s1 =	stileid.u32;
	s3 =	srdreg.scid  }
0x4: {  	s12 =	simm.s32 $0x100;
	s13 =	simm.s32 $0x8200;
	s14 =	simm.s32 $0x180  }
0x5: {  	s15 =	simm.s32 $0xC200;
	s16 =	simm.s32 $0x1;
	s5 =	smul.u32 $0xC8000, s1  }
0x6: {  	s17 =	simm.s32 $0x0;
	s6 =	sand.u32 $0x1, s3;
	s10 =	smul.u32 $0xC800, s1  }
0x7: {  	[smem:$0x7FF] =	sst s2;
	s3 =	sadd.s32 $0xC400, s4;
	s8 =	smul.u32 $0x64000, s6  }
0x8: {  	_ =	strace $0x80000053;
	s7 =	ssub.s32 $0x2, s6;
	s30 =	smul.u32 $0x6400, s6  }
0x9: {  	s9 =	sshrl.u32 s7, $0x1;
	s11 =	sadd.s32 s5, s4;
	s4 =	sadd.s32 $0x9F000, s4  }
0xa: {  	s29 =	ssub.s32 s7, s9;
	s31 =	sadd.s32 s8, s11;
	s7 =	sadd.s32 s30, s10  }
0xb: {  	s8 =	simm.s32 $0x2;
	s9 =	simm.s32 $0x80;
	s10 =	simm.s32 $0x200  }
0xc: {  	s11 =	simm.s32 $0x4200;
	s5 =	smax.u32 s29, $0x1;
	s6 =	sadd.s32 $0xE5DC00, s31  }
.LBB2_1:
0xd: {  	s18 =	sadd.s32 $0x0, s7  }
0xe: {  	s19 =	sand.u32 $0x200, s2;
	s18 =	sand.u32 $0x1FFC00, s18  }
0xf: {  	s18 =	sor.u32 s19, s18  }
0x10: {  	s18 =	sshrl.u32 s18, $0x3  }
0x11: {  	s18 =	sadd.s32 s4, s18  }
0x12: {  	[tilespmem:s2], [sflag:$0x2] =	stream.linear.gather [hbm4b:s18+s2], $0x200, $0x38;
	[tilespmem:$0x10200] =	vst v63  }
0x13: {  	_ =	swait.ge [sflag:s8], $0x200  }
0x14: {  	[sflag:s8] =	ssyncset.done $0x0  }
0x15: {  	[sflag:s8] =	ssyncadd.s32 $0xFFFFFE00  }
0x16: {  	[tilespmem:s10], [sflag:$0x1] =	stream.indirect.gather [hbm4b:s3+s9], $0x80, s2, s9, $0xb8;
	[tilespmem:$0x10200] =	vst v63  }
0x17: {  	_ = 	snop  }
0x18: {  	[tilespmem:s11], [sflag:$0x1] =	stream.indirect.gather [hbm4b:s3+s9], $0x80, s9, s9, $0xb8;
	[tilespmem:$0x10200] =	vst v63  }
0x19: {  	_ = 	snop  }
0x1a: {  	[tilespmem:s13], [sflag:$0x1] =	stream.indirect.gather [hbm4b:s3+s9], $0x80, s12, s9, $0xb8;
	[tilespmem:$0x10200] =	vst v63  }
0x1b: {  	_ = 	snop  }
0x1c: {  	[tilespmem:s15], [sflag:$0x1] =	stream.indirect.gather [hbm4b:s3+s9], $0x80, s14, s9, $0xb8;
	[tilespmem:$0x10200] =	vst v63  }
0x1d: {  	_ =	swait.ge [sflag:s16], $0x4000  }
0x1e: {  	[sflag:s16] =	ssyncset.done $0x0  }
0x1f: {  	[sflag:s16] =	ssyncadd.s32 $0xFFFFC000  }
0x20: {  	_ =	swait.ge [sflag:s16], $0x4000  }
0x21: {  	[sflag:s16] =	ssyncset.done $0x0  }
0x22: {  	[sflag:s16] =	ssyncadd.s32 $0xFFFFC000  }
0x23: {  	_ =	swait.ge [sflag:s16], $0x4000  }
0x24: {  	s31 =	sadd.s32 $0x200, s7;
	[sflag:s16] =	ssyncset.done $0x0  }
0x25: {  	s30 =	simm.s32 $0x200;
	s20 =	sand.u32 $0x1FFC00, s31;
	[sflag:s16] =	ssyncadd.s32 $0xFFFFC000  }
0x26: {  	s19 =	simm.s32 $0x400;
	s18 =	sand.u32 $0x200, s30;
	_ =	swait.ge [sflag:s16], $0x4000  }
0x27: {  	s18 =	sor.u32 s18, s20;
	s20 =	smov.u32 s6;
	[sflag:s16] =	ssyncset.done $0x0  }
0x28: {  	s21 =	sshrl.u32 s18, $0x3;
	s18 =	sadd.s32 $0x2000, s6;
	[sflag:s16] =	ssyncadd.s32 $0xFFFFC000  }
.LBB2_2:
0x29: {  	[hbm4b:s20+s2] =	stream.linear.scatter [tilespmem:s10], [sflag:$0x2], $0x10000, $0x38;
	[tilespmem:$0x10200] =	vst v63  }
0x2a: {  	s22 =	smov.u32 s19;
	s20 =	smov.u32 s18  }
0x2b: {  	p0 =	sne.s32 s19, $0x6200;
	s19 =	sadd.s32 $0x200, s19;
	_ =	swait.ge [sflag:s8], $0x10000  }
0x2c: {  	[sflag:s8] =	ssyncset.done $0x0  }
0x2d: {  	s21 =	sadd.s32 s4, s21;
	[sflag:s8] =	ssyncadd.s32 $0xFFFF0000  }
0x2e: {  	[tilespmem:s2], [sflag:$0x2] =	stream.linear.gather [hbm4b:s21+s2], $0x200, $0x38;
	[tilespmem:$0x10200] =	vst v63  }
0x2f: {  	_ =	swait.ge [sflag:s8], $0x200  }
0x30: {  	[sflag:s8] =	ssyncset.done $0x0  }
0x31: {  	[sflag:s8] =	ssyncadd.s32 $0xFFFFFE00  }
0x32: {  	[tilespmem:s10], [sflag:$0x1] =	stream.indirect.gather [hbm4b:s3+s9], $0x80, s2, s9, $0xb8;
	[tilespmem:$0x10200] =	vst v63  }
0x33: {  	_ = 	snop  }
0x34: {  	[tilespmem:s11], [sflag:$0x1] =	stream.indirect.gather [hbm4b:s3+s9], $0x80, s9, s9, $0xb8;
	[tilespmem:$0x10200] =	vst v63  }
0x35: {  	_ = 	snop  }
0x36: {  	[tilespmem:s13], [sflag:$0x1] =	stream.indirect.gather [hbm4b:s3+s9], $0x80, s12, s9, $0xb8;
	[tilespmem:$0x10200] =	vst v63  }
0x37: {  	_ = 	snop  }
0x38: {  	[tilespmem:s15], [sflag:$0x1] =	stream.indirect.gather [hbm4b:s3+s9], $0x80, s14, s9, $0xb8;
	[tilespmem:$0x10200] =	vst v63  }
0x39: {  	_ =	swait.ge [sflag:s16], $0x4000  }
0x3a: {  	[sflag:s16] =	ssyncset.done $0x0  }
0x3b: {  	[sflag:s16] =	ssyncadd.s32 $0xFFFFC000  }
0x3c: {  	_ =	swait.ge [sflag:s16], $0x4000  }
0x3d: {  	[sflag:s16] =	ssyncset.done $0x0  }
0x3e: {  	[sflag:s16] =	ssyncadd.s32 $0xFFFFC000  }
0x3f: {  	_ =	swait.ge [sflag:s16], $0x4000  }
.Ltmp0:
0x40: {  	[sflag:s16] =	ssyncset.done $0x0;
	(pc) =	sbr.rel @p0 .LBB2_2-.Ltmp0, $4  }
0x41: {  	s21 =	sadd.s32 s22, s7;
	[sflag:s16] =	ssyncadd.s32 $0xFFFFC000  }
0x42: {  	s22 =	sand.u32 $0x200, s22;
	s21 =	sand.u32 $0x1FFC00, s21;
	_ =	swait.ge [sflag:s16], $0x4000  }
0x43: {  	s21 =	sor.u32 s22, s21;
	[sflag:s16] =	ssyncset.done $0x0  }
0x44: {  	s18 =	sadd.s32 $0x2000, s18;
	s21 =	sshrl.u32 s21, $0x3;
	[sflag:s16] =	ssyncadd.s32 $0xFFFFC000  }
0x45: {  	[hbm4b:s20+s2] =	stream.linear.scatter [tilespmem:s10], [sflag:$0x2], $0x10000, $0x38;
	[tilespmem:$0x10200] =	vst v63  }
0x46: {  	_ =	swait.ge [sflag:s8], $0x10000  }
0x47: {  	[sflag:s8] =	ssyncset.done $0x0  }
0x48: {  	s19 =	sadd.s32 s4, s21;
	[sflag:s8] =	ssyncadd.s32 $0xFFFF0000  }
0x49: {  	[tilespmem:s2], [sflag:$0x2] =	stream.linear.gather [hbm4b:s19+s2], $0x200, $0x38;
	[tilespmem:$0x10200] =	vst v63  }
0x4a: {  	_ =	swait.ge [sflag:s8], $0x200  }
0x4b: {  	[sflag:s8] =	ssyncset.done $0x0  }
0x4c: {  	[sflag:s8] =	ssyncadd.s32 $0xFFFFFE00  }
0x4d: {  	[tilespmem:s10], [sflag:$0x1] =	stream.indirect.gather [hbm4b:s3+s9], $0x80, s2, s9, $0xb8;
	[tilespmem:$0x10200] =	vst v63  }
0x4e: {  	_ = 	snop  }
0x4f: {  	[tilespmem:s11], [sflag:$0x1] =	stream.indirect.gather [hbm4b:s3+s9], $0x80, s9, s9, $0xb8;
	[tilespmem:$0x10200] =	vst v63  }
0x50: {  	_ = 	snop  }
0x51: {  	[tilespmem:s13], [sflag:$0x1] =	stream.indirect.gather [hbm4b:s3+s9], $0x80, s12, s9, $0xb8;
	[tilespmem:$0x10200] =	vst v63  }
0x52: {  	_ = 	snop  }
0x53: {  	[tilespmem:s15], [sflag:$0x1] =	stream.indirect.gather [hbm4b:s3+s9], $0x80, s14, s9, $0xb8;
	[tilespmem:$0x10200] =	vst v63  }
0x54: {  	_ =	swait.ge [sflag:s16], $0x4000  }
0x55: {  	[sflag:s16] =	ssyncset.done $0x0  }
0x56: {  	[sflag:s16] =	ssyncadd.s32 $0xFFFFC000  }
0x57: {  	_ =	swait.ge [sflag:s16], $0x4000  }
0x58: {  	[sflag:s16] =	ssyncset.done $0x0  }
0x59: {  	[sflag:s16] =	ssyncadd.s32 $0xFFFFC000  }
0x5a: {  	_ =	swait.ge [sflag:s16], $0x4000  }
0x5b: {  	[sflag:s16] =	ssyncset.done $0x0  }
0x5c: {  	[sflag:s16] =	ssyncadd.s32 $0xFFFFC000  }
0x5d: {  	s17 =	sadd.s32 $0x1, s17;
	_ =	swait.ge [sflag:s16], $0x4000  }
0x5e: {  	p0 =	sne.s32 s17, s5;
	[sflag:s16] =	ssyncset.done $0x0  }
.Ltmp1:
0x5f: {  	[sflag:s16] =	ssyncadd.s32 $0xFFFFC000;
	(pc) =	sbr.rel @p0 .LBB2_1-.Ltmp1, $4  }
0x60: {  	[hbm4b:s18+s2] =	stream.linear.scatter [tilespmem:s10], [sflag:$0x2], $0x10000, $0x38;
	[tilespmem:$0x10200] =	vst v63  }
0x61: {  	_ =	swait.ge [sflag:s8], $0x10000  }
0x62: {  	[sflag:s8] =	ssyncset.done $0x0  }
0x63: {  	[sflag:s8] =	ssyncadd.s32 $0xFFFF0000  }
0x64: {  	_ =	sfence.sel $0x180000  }
0x65: {  	[bflag:$0x0] =	sbarrier.arrive $0xFFFF  }
0x66: {  	p0 =	sne.s32 s1, $0x0;
	_ =	strace $0x90000053  }
0x67: {  	s0 =	sadd.s32 @!p0 $0x100000, s0;
	[bflag:$0x2] =	sbarrier.arrive $0xFFFF  }
0x68: {  	[sflag:s0] =	ssyncadd.tile.s32 @!p0 $0x1;
	_ =	shalt  }
.Lfunc_end2:
_tile_overlayer_lowered:
.L_overlay_start_2:
0x69: {  	(tag) =	ssettag $0x2  }
0x6a: {  	s0 =	rddreg [dreg:$0x0];
	s2 =	stileid.u32  }
0x6b: {  	s1 =	rddreg [dreg:$0x1];
	p0 =	sne.s32 s2, $0x0  }
0x6c: {  	s3 =	rddreg [dreg:$0x2];
	[bflag:$0x3] =	sbarrier.arrive $0xFFFF;
	s2 =	simm.s32 @!p0 $0x1C02  }
0x6d: {  	[timem:s3], [sflag:s2] =	dma.local @!p0 [hbm:s0], s1  }
0x6e: {  	s0 =	simm.s32 @!p0 $0x2  }
0x6f: {  	_ =	swait.ge @!p0 [sflag:s0], s1  }
0x70: {  	s1 =	ssub.s32 @!p0 $0x0, s1;
	[sflag:s0] =	ssyncset.done @!p0 $0x0  }
0x71: {  	[sflag:s0] =	ssyncadd.s32 @!p0 s1  }
0x72: {  	[bflag:$0x3] =	sbarrier.arrive $0xFFFF  }
0x73: {  	_ =	shalt  }

// kernel: kernel.34.cloned.1.call-start
scs
__scs_entry_jumppad:
0x0: {  	(pc) =	sbr.rel $0x88, $3  }
0x1: {  	(tag) =	ssettag $0x0;
	lr =	simm.s32 $0x1  }
0x2: {  	[smem:$0x3F73] =	sst lr;
	_ =	strace $0xD0000000  }
0x3: {  	_ = 	snop  }
0x4: {  	_ = 	snop  }
0x5: {  	_ = 	snop  }
0x6: {  	_ = 	snop  }
0x7: {  	_ = 	snop  }
__scs_overlays_trampoline_lowered:
0x8: {  	[smem:$0x3F82] =	sst s0  }
0x9: {  	[smem:$0x3F83] =	sst s1  }
0xa: {  	[smem:$0x3F84] =	sst s2  }
0xb: {  	[smem:$0x3F85] =	sst s3  }
0xc: {  	[smem:$0x3F86] =	sst s4  }
0xd: {  	[smem:$0x3F87] =	sst s5  }
0xe: {  	[smem:$0x3F88] =	sst s6  }
0xf: {  	[smem:$0x3F89] =	sst s7  }
0x10: {  	[smem:$0x3F8A] =	sst s8  }
0x11: {  	[smem:$0x3F8B] =	sst s9;
	s0 =	simm.s32 @!p0 $0x0  }
0x12: {  	s1 =	sld [smem:$0x3F71];
	s0 =	simm.s32 @p0 $0x1  }
0x13: {  	[smem:$0x3F8C] =	sst s0;
	s0 =	simm.s32 @!p1 $0x0  }
0x14: {  	s2 =	sld [smem:$0x3F70];
	s0 =	simm.s32 @p1 $0x1  }
0x15: {  	[smem:$0x3F8D] =	sst s0;
	s0 =	simm.s32 @!p2 $0x0  }
0x16: {  	s3 =	sld [smem:$0x3FDB];
	s0 =	simm.s32 @p2 $0x1  }
0x17: {  	s4 =	simm.s32 $0x1BF5;
	[smem:$0x3F8F] =	sst s0  }
0x18: {  	s0 =	sld [smem:$0x3F72];
	_ =	swait.ge [sflag:s4], $0x0  }
0x19: {  	s7 =	sld [smem:$0x3F73]  }
0x1a: {  	s8 =	sadd.s32 $0xFFFFE003, lr  }
0x1b: {  	s9 =	sadd.s32 $0xFFFFFEF7, lr;
	s5 =	simm.s32 $0xFFFFFFFF;
	p2 =	slt.u32 s8, $0xFFFFF086  }
0x1c: {  	p1 =	slt.u32 s9, $0xF7A;
	s5 =	simm.s32 @!p2 $0x0  }
0x1d: {  	s5 =	simm.s32 @p1 $0x1;
	p0 =	seq.s32 s7, s2  }
0x1e: {  	s7 =	smul.u32 @!p0 $0xF7A, s2;
	p2 =	seq.s32 @!p0 s5, $0x0  }
0x1f: {  	s9 =	smul.u32 $0xF7A, s1;
	s8 =	simm.s32 @!p0 $0x1BF5;
	p2 =	por !p2, p0  }
0x20: {  	[sflag:s8] =	ssyncset.s32 @!p0 $0xFFFFF086;
	s6 =	sadd.s32 @!p0 s3, s7;
	s7 =	simm.s32 @!p0 $0x108  }
0x21: {  	s3 =	sadd.s32 s3, s9;
	s6 =	sadd.s32 @!p0 $0x88, s6;
	s7 =	simm.s32 @p2 $0x1082  }
0x22: {  	[simem:s7], [sflag:s8] =	dma.local @!p0 [hbm:s6], $0xF7A  }
0x23: {  	s9 =	sor.u32 $0xD0000000, s2;
	s6 =	simm.s32 $0x108;
	_ =	swait.ge @!p0 [sflag:s8], $0x0  }
0x24: {  	s3 =	sadd.s32 $0x88, s3;
	s6 =	simm.s32 @!p1 $0x1082;
	[sflag:s4] =	ssyncset.s32 $0xFFFFF086  }
0x25: {  	[simem:s6], [sflag:s4] =	dma.local [hbm:s3], $0xF7A  }
0x26: {  	[smem:$0x3F73] =	sst s1;
	(tag) =	ssettag s2;
	_ =	strace s9  }
0x27: {  	s1 =	sld [smem:$0x3F83]  }
0x28: {  	s2 =	sld [smem:$0x3F84]  }
0x29: {  	s4 =	sld [smem:$0x3F86]  }
0x2a: {  	p0 =	seq.s32 s5, $0x0;
	s5 =	sld [smem:$0x3F87]  }
0x2b: {  	s6 =	sld [smem:$0x3F88]  }
0x2c: {  	s7 =	sld [smem:$0x3F89]  }
0x2d: {  	s3 =	simm.s32 $0x108;
	s8 =	sld [smem:$0x3F8A]  }
0x2e: {  	s3 =	simm.s32 @!p0 $0x1082;
	s9 =	sld [smem:$0x3F8B]  }
0x2f: {  	lr =	sadd.s32 s0, s3;
	s0 =	sld [smem:$0x3F82]  }
0x30: {  	s3 =	sld [smem:$0x3F85]  }
0x31: {  	[smem:$0x3F8E] =	sst s10  }
0x32: {  	s10 =	sld [smem:$0x3F8C];
	_ =	sdelay $0x3  }
0x33: {  	p0 =	seq.s32 s10, $0x1;
	s10 =	sld [smem:$0x3F8E];
	_ =	sdelay $0x3  }
0x34: {  	[smem:$0x3F8E] =	sst s10  }
0x35: {  	s10 =	sld [smem:$0x3F8D];
	_ =	sdelay $0x3  }
0x36: {  	p1 =	seq.s32 s10, $0x1;
	s10 =	sld [smem:$0x3F8E];
	_ =	sdelay $0x3  }
0x37: {  	[smem:$0x3F8E] =	sst s10  }
0x38: {  	s10 =	sld [smem:$0x3F8F]  }
0x39: {  	_ = 	snop;
	(pc) =	sbr.ind lr, $3  }
0x3a: {  	_ = 	snop  }
0x3b: {  	_ = 	snop  }
0x3c: {  	p2 =	seq.s32 s10, $0x1;
	s10 =	sld [smem:$0x3F8E]  }
0x3d: {  	_ =	shalt  }
0x3e: {  	_ =	shalt  }
0x3f: {  	_ =	shalt  }
0x40: {  	_ =	shalt  }
0x41: {  	_ =	shalt  }
0x42: {  	_ =	shalt  }
0x43: {  	_ =	shalt  }
0x44: {  	_ =	shalt  }
0x45: {  	_ =	shalt  }
0x46: {  	_ =	shalt  }
0x47: {  	_ =	shalt  }
0x48: {  	_ =	shalt  }
0x49: {  	_ =	shalt  }
0x4a: {  	_ =	shalt  }
0x4b: {  	_ =	shalt  }
0x4c: {  	_ =	shalt  }
0x4d: {  	_ =	shalt  }
0x4e: {  	_ =	shalt  }
0x4f: {  	_ =	shalt  }
0x50: {  	_ =	shalt  }
0x51: {  	_ =	shalt  }
0x52: {  	_ =	shalt  }
0x53: {  	_ =	shalt  }
0x54: {  	_ =	shalt  }
0x55: {  	_ =	shalt  }
0x56: {  	_ =	shalt  }
0x57: {  	_ =	shalt  }
0x58: {  	_ =	shalt  }
0x59: {  	_ =	shalt  }
0x5a: {  	_ =	shalt  }
0x5b: {  	_ =	shalt  }
0x5c: {  	_ =	shalt  }
0x5d: {  	_ =	shalt  }
0x5e: {  	_ =	shalt  }
0x5f: {  	_ =	shalt  }
0x60: {  	_ =	shalt  }
0x61: {  	_ =	shalt  }
0x62: {  	_ =	shalt  }
0x63: {  	_ =	shalt  }
0x64: {  	_ =	shalt  }
0x65: {  	_ =	shalt  }
0x66: {  	_ =	shalt  }
0x67: {  	_ =	shalt  }
0x68: {  	_ =	shalt  }
0x69: {  	_ =	shalt  }
0x6a: {  	_ =	shalt  }
0x6b: {  	_ =	shalt  }
0x6c: {  	_ =	shalt  }
0x6d: {  	_ =	shalt  }
0x6e: {  	_ =	shalt  }
0x6f: {  	_ =	shalt  }
0x70: {  	_ =	shalt  }
0x71: {  	_ =	shalt  }
0x72: {  	_ =	shalt  }
0x73: {  	_ =	shalt  }
0x74: {  	_ =	shalt  }
0x75: {  	_ =	shalt  }
0x76: {  	_ =	shalt  }
0x77: {  	_ =	shalt  }
0x78: {  	_ =	shalt  }
0x79: {  	_ =	shalt  }
0x7a: {  	_ =	shalt  }
0x7b: {  	_ =	shalt  }
0x7c: {  	_ =	shalt  }
0x7d: {  	_ =	shalt  }
0x7e: {  	_ =	shalt  }
0x7f: {  	_ =	shalt  }
0x80: {  	_ =	shalt  }
0x81: {  	_ =	shalt  }
0x82: {  	_ =	shalt  }
0x83: {  	_ =	shalt  }
0x84: {  	_ =	shalt  }
0x85: {  	_ =	shalt  }
0x86: {  	_ =	shalt  }
0x87: {  	_ =	shalt  }
.Lfunc_end0:
.L_simem_size_0:
called_computation.5_lowered:
.L_overlay_start_0:
0x88: {  	s2 =	sld [smem:$0x3FD9]  }
0x89: {  	s3 =	sld [smem:$0x3FFE];
	_ =	sdelay $0x1  }
0x8a: {  	s1 =	srdreg.scid  }
0x8b: {  	s0 =	sand.u32 $0x1, s1  }
0x8c: {  	s16 =	sshll.u32 s0, $0xA;
	s2 =	sadd.s32 s3, s2  }
0x8d: {  	s2 =	sadd.s32 s2, s16  }
0x8e: {  	[smem:$0x3F9A] =	sst s2  }
0x8f: {  	_ = 	snop  }
0x90: {  	(tm) =	ssettm $0x1  }
0x91: {  	s17 =	sld [smem:$0x3FFB];
	_ =	sdelay $0x3  }
0x92: {  	_ =	strace s17  }
0x93: {  	s2 =	sld [smem:$0x3FFC];
	_ =	sdelay $0x3  }
0x94: {  	_ =	strace s2  }
0x95: {  	s2 =	sld [smem:$0x3FFD];
	_ =	sdelay $0x3  }
0x96: {  	_ =	strace s2  }
0x97: {  	_ =	strace $0x8FFFFFFF  }
0x98: {  	s18 =	sld [smem:$0x3FDB];
	_ =	sdelay $0x1  }
0x99: {  	s19 =	simm.s32 $_scs_section_size  }
0x9a: {  	s4 =	simm.s32 $_size__tile_overlayer_lowered;
	s5 =	simm.s32 $_tile_overlayer_lowered  }
0x9b: {  	s22 =	simm.s32 $0x1BFF;
	s21 =	sshll.u32 s5, $0x1;
	s2 =	sadd.s32 s19, s18  }
0x9c: {  	s6 =	simm.s32 $0x0;
	s20 =	sshll.u32 s4, $0x1;
	s4 =	sadd.s32 s21, s2  }
0x9d: {  	[timem:s6], [sflag:s22] =	dma.local [hbm:s4], s20  }
0x9e: {  	_ =	swait.ge [sflag:s22], s20  }
0x9f: {  	s3 =	ssub.s32 $0x0, s20;
	[sflag:s22] =	ssyncset.done $0x0  }
0xa0: {  	[sflag:s22] =	ssyncadd.s32 s3;
	_ =	sdelay $0x1  }
0xa1: {  	s23 =	simm.s32 $0x1B8B  }
0xa2: {  	_ =	swait.ge [sflag:s23], $0x1  }
0xa3: {  	[sflag:s23] =	ssyncset.done $0x0  }
0xa4: {  	s25 =	simm.s32 $0x1B8E;
	s24 =	sld [smem:$0x3FFE];
	[sflag:s23] =	ssyncadd.s32 $0xFFFFFFFF  }
0xa5: {  	s26 =	simm.s32 $execute0_lowered;
	[smem:$0x3FD2] =	sst s25  }
0xa6: {  	s4 =	sshll.u32 s26, $0x1;
	_ =	strace $0x80000055;
	[dreg:$0x1] =	wrdreg $0xFFFFFFFF  }
0xa7: {  	s28 =	simm.s32 $_size_execute0_lowered;
	s2 =	sadd.s32 s2, s4;
	[dreg:$0x0] =	wrdreg $0x0  }
0xa8: {  	s4 =	sshll.u32 s28, $0x1;
	[dreg:$0x2] =	wrdreg s2  }
0xa9: {  	[dreg:$0x3] =	wrdreg s4  }
0xaa: {  	[dreg:$0x4] =	wrdreg $0xC0  }
0xab: {  	_ =	task [dreg:s6], $0x5FFFF  }
0xac: {  	[dreg:$0x1] =	wrdreg $0xFFFFFFFF  }
0xad: {  	[dreg:$0x0] =	wrdreg $0x60  }
0xae: {  	[dreg:$0x2] =	wrdreg s24  }
0xaf: {  	[dreg:$0x3] =	wrdreg $0x41000  }
0xb0: {  	[dreg:$0x4] =	wrdreg $0x9  }
0xb1: {  	_ =	task.clear_ibuf [dreg:s6], $0x5FFFF;
	_ =	strace $0x90000055  }
0xb2: {  	s29 =	simm.s32 $0x9;
	_ =	strace $0x80000057  }
0xb3: {  	_ =	swait.ge [sflag:s29], $0x1  }
0xb4: {  	[sflag:s29] =	ssyncadd.s32 $0xFFFFFFFF  }
0xb5: {  	_ =	strace $0x90000057  }
0xb6: {  	_ =	sfence  }
0xb7: {  	s30 =	sld [smem:$0x0];
	_ =	sdelay $0x2  }
0xb8: {  	s31 =	sshll.u32 s1, $0xD;
	s1 =	sshrl.u32 s1, $0x2  }
0xb9: {  	s3 =	sand.u32 $0x4000, s31;
	s1 =	sadd.s32 s1, s30  }
0xba: {  	s0 =	sor.u32 s3, s0;
	s1 =	sshll.u32 s1, $0x11  }
0xbb: {  	s0 =	sor.u32 s1, s0  }
0xbc: {  	s0 =	sadd.s32 $0x8F2B, s0  }
0xbd: {  	[sflag:s0] =	ssyncadd.remote.s32 $0x1  }
0xbe: {  	_ =	sfence.sel $0xFFFF  }
0xbf: {  	[dreg:$0x0] =	wrdreg $0xFFFFFFFF;
	(pc) =	sbr.abs _section_cstart, $3  }
0xc0: {  	[dreg:$0x1] =	wrdreg $0xFFFFFFFF  }
0xc1: {  	_ =	task.clear_ibuf [dreg:s6], $0x2FFFF;
	_ =	strace $0x9FFFFFFF  }
0xc2: {  	(tm) =	ssettm $0x7FFFFFFF  }
0xc3: {  	_ =	shalt  }
tec
execute0_lowered:
.L_overlay_start_1:
0x0: {  	(tag) =	ssettag $0x1  }
0x1: {  	s6 =	rddreg [dreg:$0x0]  }
0x2: {  	s0 =	stileid.u32;
	s1 =	srdreg.scid  }
0x3: {  	s2 =	rddreg [dreg:$0x1];
	s3 =	simm.s32 $0x0;
	s4 =	smul.u32 $0xC8000, s0  }
0x4: {  	s14 =	simm.s32 $0x80;
	s15 =	simm.s32 $0x0;
	s8 =	smul.u32 $0x18800, s0  }
0x5: {  	s7 =	sand.u32 $0x1, s1;
	s1 =	rddreg [dreg:$0x2];
	s11 =	smul.u32 $0x62000, s0  }
0x6: {  	[smem:$0x7FF] =	sst s3;
	s31 =	sshll.u32 s0, $0x6;
	s5 =	smul.u32 $0x188000, s7  }
0x7: {  	_ =	strace $0x80000056;
	s9 =	ssub.s32 $0x2, s7;
	s13 =	smul.u32 $0x30D4, s7  }
0x8: {  	s7 =	smul.u32 $0xC800, s0;
	s10 =	sadd.s32 s4, s6;
	s4 =	sadd.s32 $0x192C00, s6  }
0x9: {  	s29 =	sshrl.u32 s9, $0x1;
	s30 =	sshrl.u32 s11, $0x2;
	s5 =	sadd.s32 s8, s5  }
0xa: {  	s9 =	ssub.s32 s9, s29;
	s12 =	sadd.s32 s30, s2;
	s10 =	sadd.s32 $0x1ADDC00, s10  }
0xb: {  	v0 =	vmov s13;
	s13 =	simm.s32 $0x100;
	s8 =	sshrl.u32 s5, $0x3;
	s5 =	sadd.s32 $0xB8200, s6  }
0xc: {  	s9 =	smax.u32 s9, $0x1;
	s11 =	sshrl.u32 s12, $0x3;
	s8 =	sadd.s32 s8, s6  }
0xd: {  	s12 =	simm.s32 $0x1;
	s6 =	sor.u32 $0x1C01, s31;
	s8 =	sadd.s32 $0xC400, s8  }
.LBB2_1:
0xe: {  	[spmem:s11], [sflag:s6] =	dma.local [hbm:s5], $0x3100  }
0xf: {  	s16 =	sadd.s32 $0x0, s7  }
0x10: {  	s17 =	sand.u32 $0x380, s3;
	_ =	swait.ge [sflag:s12], $0x3100;
	s16 =	sand.u32 $0x1FFC00, s16  }
0x11: {  	[sflag:s12] =	ssyncset.done $0x0;
	s16 =	sor.u32 s17, s16  }
0x12: {  	[sflag:s12] =	ssyncadd.s32 $0xFFFFCF00;
	s16 =	sshrl.u32 s16, $0x3  }
0x13: {  	[bflag:$0x0] =	sbarrier.arrive $0xFFFF;
	s16 =	sadd.s32 s4, s16  }
0x14: {  	[tilespmem:s3], [sflag:$0x1] =	stream.linear.gather [hbm4b:s16+s3], $0x80, $0x38;
	[tilespmem:$0x1C900] =	vst v63  }
0x15: {  	_ =	swait.ge [sflag:s12], $0x80  }
0x16: {  	[sflag:s12] =	ssyncset.done $0x0  }
0x17: {  	[sflag:s12] =	ssyncadd.s32 $0xFFFFFF80  }
0x18: {  	v1 =	vld [tilespmem:$0x50]  }
0x19: {  	v2 =	vld [tilespmem:$0x30]  }
0x1a: {  	v3 =	vld [tilespmem:$0x20]  }
0x1b: {  	v4 =	vld [tilespmem:$0x10]  }
0x1c: {  	v5 =	vld [tilespmem:$0x40]  }
0x1d: {  	v6 =	vld [tilespmem:$0x0];
	v1 =	vsub.s32 v1, v0  }
0x1e: {  	v7 =	vld [tilespmem:$0x60];
	v2 =	vsub.s32 v2, v0;
	v1 =	vmin.u32 v1, $0x30D4  }
0x1f: {  	v8 =	vld [tilespmem:$0x70];
	v3 =	vsub.s32 v3, v0;
	v2 =	vmin.u32 v2, $0x30D4;
	[tilespmem:$0xD0] =	vst v1  }
0x20: {  	v3 =	vmin.u32 v3, $0x30D4;
	v1 =	vsub.s32 v4, v0;
	[tilespmem:$0xB0] =	vst v2  }
0x21: {  	[tilespmem:$0xA0] =	vst v3;
	v2 =	vsub.s32 v5, v0;
	v1 =	vmin.u32 v1, $0x30D4  }
0x22: {  	v3 =	vsub.s32 v6, v0;
	[tilespmem:$0x90] =	vst v1;
	v1 =	vmin.u32 v2, $0x30D4  }
0x23: {  	v2 =	vmin.u32 v3, $0x30D4;
	[tilespmem:$0xC0] =	vst v1;
	v1 =	vsub.s32 v7, v0  }
0x24: {  	s18 =	smov.u32 s10;
	s17 =	smov.u32 s10;
	s16 =	simm.s32 $0x80;
	[tilespmem:$0x80] =	vst v2;
	v2 =	vsub.s32 v8, v0;
	v1 =	vmin.u32 v1, $0x30D4  }
.LBB2_2:
0x25: {  	p0 =	sne.s32 s16, $0xC780  }
0x26: {  	[tilespmem:$0xE0] =	vst v1;
	v1 =	vmin.u32 v2, $0x30D4;
	s17 =	sadd.s32 $0x800, s17;
	s19 =	smov.u32 s16;
	s16 =	sadd.s32 $0x80, s16  }
0x27: {  	s20 =	sadd.s32 s19, s7;
	[tilespmem:$0xF0] =	vst v1  }
0x28: {  	[tilespmem:s13], [sflag:$0x1] =	stream.linear.gather [hbm4b:s18+s3], $0x4000, $0x38;
	[tilespmem:$0x1C900] =	vst v63  }
0x29: {  	s19 =	sand.u32 $0x380, s19;
	s18 =	sand.u32 $0x1FFC00, s20;
	_ =	swait.ge [sflag:s12], $0x4000  }
0x2a: {  	s19 =	sor.u32 s19, s18;
	s18 =	smov.u32 s17;
	[sflag:s12] =	ssyncset.done $0x0  }
0x2b: {  	s19 =	sshrl.u32 s19, $0x3;
	[sflag:s12] =	ssyncadd.s32 $0xFFFFC000  }
0x2c: {  	[spmem:s2] =	stream.indirect.scatter.add.f32 [tilespmem:s13], [sflag:$0x1], $0x80, s14, s14, $0xb8;
	[tilespmem:$0x1C900] =	vst v63  }
0x2d: {  	s19 =	sadd.s32 s4, s19;
	_ =	swait.ge [sflag:s12], $0x4000  }
0x2e: {  	[sflag:s12] =	ssyncset.done $0x0  }
0x2f: {  	[sflag:s12] =	ssyncadd.s32 $0xFFFFC000  }
0x30: {  	[tilespmem:s3], [sflag:$0x1] =	stream.linear.gather [hbm4b:s19+s3], $0x80, $0x38;
	[tilespmem:$0x1C900] =	vst v63  }
0x31: {  	_ =	swait.ge [sflag:s12], $0x80  }
0x32: {  	[sflag:s12] =	ssyncset.done $0x0  }
0x33: {  	[sflag:s12] =	ssyncadd.s32 $0xFFFFFF80  }
0x34: {  	v1 =	vld [tilespmem:$0x50]  }
0x35: {  	v2 =	vld [tilespmem:$0x30]  }
0x36: {  	v3 =	vld [tilespmem:$0x20]  }
0x37: {  	v4 =	vld [tilespmem:$0x10]  }
0x38: {  	v5 =	vld [tilespmem:$0x40]  }
0x39: {  	v6 =	vld [tilespmem:$0x0];
	v1 =	vsub.s32 v1, v0  }
0x3a: {  	v2 =	vsub.s32 v2, v0;
	v1 =	vmin.u32 v1, $0x30D4;
	v7 =	vld [tilespmem:$0x60]  }
0x3b: {  	v3 =	vsub.s32 v3, v0;
	v2 =	vmin.u32 v2, $0x30D4;
	[tilespmem:$0xD0] =	vst v1;
	v8 =	vld [tilespmem:$0x70]  }
.Ltmp0:
0x3c: {  	v1 =	vsub.s32 v4, v0;
	v3 =	vmin.u32 v3, $0x30D4;
	[tilespmem:$0xB0] =	vst v2;
	(pc) =	sbr.rel @p0 .LBB2_2-.Ltmp0, $4  }
0x3d: {  	v1 =	vmin.u32 v1, $0x30D4;
	[tilespmem:$0xA0] =	vst v3;
	v2 =	vsub.s32 v5, v0  }
0x3e: {  	v3 =	vsub.s32 v6, v0;
	[tilespmem:$0x90] =	vst v1;
	v1 =	vmin.u32 v2, $0x30D4  }
0x3f: {  	v2 =	vmin.u32 v3, $0x30D4;
	[tilespmem:$0xC0] =	vst v1;
	v1 =	vsub.s32 v7, v0  }
0x40: {  	[tilespmem:$0x80] =	vst v2;
	v1 =	vmin.u32 v1, $0x30D4;
	v2 =	vsub.s32 v8, v0  }
0x41: {  	[tilespmem:$0xE0] =	vst v1;
	v1 =	vmin.u32 v2, $0x30D4  }
0x42: {  	[tilespmem:$0xF0] =	vst v1  }
0x43: {  	[tilespmem:s13], [sflag:$0x1] =	stream.linear.gather [hbm4b:s18+s3], $0x4000, $0x38;
	[tilespmem:$0x1C900] =	vst v63  }
0x44: {  	_ =	swait.ge [sflag:s12], $0x4000  }
0x45: {  	[sflag:s12] =	ssyncset.done $0x0  }
0x46: {  	[sflag:s12] =	ssyncadd.s32 $0xFFFFC000  }
0x47: {  	[spmem:s2] =	stream.indirect.scatter.add.f32 [tilespmem:s13], [sflag:$0x1], $0x80, s14, s14, $0xb8;
	[tilespmem:$0x1C900] =	vst v63  }
0x48: {  	_ =	swait.ge [sflag:s12], $0x4000  }
0x49: {  	s15 =	sadd.s32 $0x1, s15;
	[sflag:s12] =	ssyncset.done $0x0  }
0x4a: {  	p0 =	sne.s32 s15, s9;
	[sflag:s12] =	ssyncadd.s32 $0xFFFFC000  }
.Ltmp1:
0x4b: {  	[bflag:$0x0] =	sbarrier.arrive $0xFFFF;
	(pc) =	sbr.rel @p0 .LBB2_1-.Ltmp1, $4  }
0x4c: {  	[hbm:s8], [sflag:s6] =	dma.local [spmem:s11], $0x3100  }
0x4d: {  	_ =	swait.ge [sflag:s12], $0x3100  }
0x4e: {  	[sflag:s12] =	ssyncset.done $0x0  }
0x4f: {  	[sflag:s12] =	ssyncadd.s32 $0xFFFFCF00  }
0x50: {  	_ =	sfence.sel $0x180000  }
0x51: {  	[bflag:$0x0] =	sbarrier.arrive $0xFFFF  }
0x52: {  	p0 =	sne.s32 s0, $0x0;
	_ =	strace $0x90000056  }
0x53: {  	s0 =	sadd.s32 @!p0 $0x100000, s1;
	[bflag:$0x2] =	sbarrier.arrive $0xFFFF  }
0x54: {  	[sflag:s0] =	ssyncadd.tile.s32 @!p0 $0x1;
	_ =	shalt  }
.Lfunc_end2:
_tile_overlayer_lowered:
.L_overlay_start_2:
0x55: {  	(tag) =	ssettag $0x2  }
0x56: {  	s0 =	rddreg [dreg:$0x0];
	s2 =	stileid.u32  }
0x57: {  	s1 =	rddreg [dreg:$0x1];
	p0 =	sne.s32 s2, $0x0  }
0x58: {  	s3 =	rddreg [dreg:$0x2];
	[bflag:$0x3] =	sbarrier.arrive $0xFFFF;
	s2 =	simm.s32 @!p0 $0x1C01  }
0x59: {  	[timem:s3], [sflag:s2] =	dma.local @!p0 [hbm:s0], s1  }
0x5a: {  	s0 =	simm.s32 @!p0 $0x1  }
0x5b: {  	_ =	swait.ge @!p0 [sflag:s0], s1  }
0x5c: {  	s1 =	ssub.s32 @!p0 $0x0, s1;
	[sflag:s0] =	ssyncset.done @!p0 $0x0  }
0x5d: {  	[sflag:s0] =	ssyncadd.s32 @!p0 s1  }
0x5e: {  	[bflag:$0x3] =	sbarrier.arrive $0xFFFF  }
0x5f: {  	_ =	shalt  }

</sc_bundles>
